<compile_context>
chip_gen: v7x
topology: tpu7x:2x2x1
jax: 0.10.2.dev20260603
libtpu: 0.0.44.dev20260713+nightly
codegen_flags: <defaults>
</compile_context>

<pallas_src>
import functools

import jax
import jax.numpy as jnp
import numpy as np
from jax import lax
from jax.experimental import pallas as pl
from jax.experimental.pallas import tpu as pltpu, tpu_sc as plsc

D_MODEL = 256
N_FRAMES = 3
N_LEVELS = 4
N_POINTS = 4
MH = 64
DH = 4
LP = N_LEVELS * N_POINTS
SPATIAL = ((64, 64), (32, 32), (16, 16), (8, 8))
LSI = (0, 4096, 5120, 5376)
S_FRAME = 5440
LEN_IN = S_FRAME * N_FRAMES
LEN_PAD = 16384
N_B = 2
LQ = 2048
NM = N_B * MH

TILE_V = 1024
TQ = 256
QC = 256
N_WORKERS = 32


def _value_proj_body(x_ref, w_ref, b_ref, o0_ref, o1_ref):
    v = jnp.dot(x_ref[0].astype(jnp.bfloat16), w_ref[...],
                preferred_element_type=jnp.float32) + b_ref[...]
    bf = v.T.astype(jnp.bfloat16)
    lo = lax.bitcast_convert_type(bf[:128], jnp.uint16).astype(jnp.int32)
    hi = lax.bitcast_convert_type(bf[128:], jnp.uint16).astype(jnp.int32)
    word = lo | (hi << 16)
    o0_ref[...] = word[:64]
    o1_ref[...] = word[64:]


def _value_proj(x, W, b):
    grid = (N_B, LEN_PAD // TILE_V)
    return pl.pallas_call(
        _value_proj_body,
        grid=grid,
        in_specs=[
            pl.BlockSpec((1, TILE_V, D_MODEL), lambda n, i: (n, i, 0)),
            pl.BlockSpec((D_MODEL, D_MODEL), lambda n, i: (0, 0)),
            pl.BlockSpec((D_MODEL,), lambda n, i: (0,)),
        ],
        out_specs=[
            pl.BlockSpec((MH, TILE_V), lambda n, i: (n, i)),
            pl.BlockSpec((MH, TILE_V), lambda n, i: (n, i)),
        ],
        out_shape=[
            jax.ShapeDtypeStruct((NM, LEN_PAD), jnp.int32),
            jax.ShapeDtypeStruct((NM, LEN_PAD), jnp.int32),
        ],
    )(x, W, b)


def _packbf(a, b):
    al = lax.bitcast_convert_type(a.astype(jnp.bfloat16), jnp.uint16).astype(jnp.int32)
    bl = lax.bitcast_convert_type(b.astype(jnp.bfloat16), jnp.uint16).astype(jnp.int32)
    return al | (bl << 16)


def _corner(u, um1):
    u0f = jnp.floor(u)
    fu = u - u0f
    u1f = u0f + 1.0
    w0 = jnp.where((u0f >= 0.0) & (u0f <= um1), 1.0 - fu, 0.0)
    w1 = jnp.where((u1f >= 0.0) & (u1f <= um1), fu, 0.0)
    c0 = jnp.clip(u0f, 0.0, um1).astype(jnp.int32)
    c1 = jnp.clip(u1f, 0.0, um1).astype(jnp.int32)
    return w0, w1, c0, c1


def _payload_body(q_ref, rp_ref, wo_ref, bo_ref, wa_ref, ba_ref, sc_ref,
                  gs_ref, ge_ref, cwm1_ref, chm1_ref, cwi_ref, cb_ref,
                  wx_ref, wy_ref, wt_ref, ix_ref, iy_ref, it_ref):
    hp = lax.Precision.HIGHEST
    qT = q_ref[0]
    offT = jnp.dot(wo_ref[...], qT, preferred_element_type=jnp.float32) + bo_ref[...]
    refbT = jnp.dot(sc_ref[...], rp_ref[0], preferred_element_type=jnp.float32, precision=hp)
    xyz = refbT + offT
    x = xyz[0:1024]
    y = xyz[1024:2048]
    t = xyz[2048:3072]
    logits = jnp.dot(wa_ref[...], qT, preferred_element_type=jnp.float32) + ba_ref[...]
    e = jnp.exp(logits)
    s = jnp.dot(gs_ref[...], e, preferred_element_type=jnp.float32, precision=hp)
    sm = e * jnp.dot(ge_ref[...], 1.0 / s, preferred_element_type=jnp.float32, precision=hp)

    wx0, wx1, xc0, xc1 = _corner(x, cwm1_ref[...])
    wy0, wy1, yc0, yc1 = _corner(y, chm1_ref[...])
    wt0, wt1, tc0, tc1 = _corner(t, float(N_FRAMES - 1))
    wt0 = wt0 * sm
    wt1 = wt1 * sm
    Wi = cwi_ref[...]
    bs = cb_ref[...]
    ixw = xc0 | (xc1 << 16)
    iyw = (yc0 * Wi) | ((yc1 * Wi) << 16)
    itw = (tc0 * S_FRAME + bs) | ((tc1 * S_FRAME + bs) << 16)
    for ref, arr in ((wx_ref, _packbf(wx0, wx1)),
                     (wy_ref, _packbf(wy0, wy1)),
                     (wt_ref, _packbf(wt0, wt1)),
                     (ix_ref, ixw), (iy_ref, iyw), (it_ref, itw)):
        ref[...] = arr.reshape(1, MH, LP, TQ)


def _payload(queryT, rp12T, W_offT, b_off2, W_attnT, b_attnc, scale_matT, gsumT,
             gexpT, cwm1, chm1, cwi, cb):
    grid = (N_B, LQ // TQ)
    full = lambda n, i: (0, 0)
    out_spec = pl.BlockSpec((1, MH, LP, TQ), lambda n, i: (n, 0, 0, i))
    out_shape = jax.ShapeDtypeStruct((N_B, MH, LP, LQ), jnp.int32)
    return pl.pallas_call(
        _payload_body,
        grid=grid,
        in_specs=[
            pl.BlockSpec((1, D_MODEL, TQ), lambda n, i: (n, 0, i)),
            pl.BlockSpec((1, 12, TQ), lambda n, i: (n, 0, i)),
            pl.BlockSpec((3072, D_MODEL), full),
            pl.BlockSpec((3072, 1), full),
            pl.BlockSpec((1024, D_MODEL), full),
            pl.BlockSpec((1024, 1), full),
            pl.BlockSpec((3072, 12), full),
            pl.BlockSpec((MH, 1024), full),
            pl.BlockSpec((1024, MH), full),
            pl.BlockSpec((1024, 1), full),
            pl.BlockSpec((1024, 1), full),
            pl.BlockSpec((1024, 1), full),
            pl.BlockSpec((1024, 1), full),
        ],
        out_specs=[out_spec] * 6,
        out_shape=[out_shape] * 6,
    )(queryT, rp12T, W_offT, b_off2, W_attnT, b_attnc, scale_matT, gsumT, gexpT,
      cwm1, chm1, cwi, cb)


def _sc_sample(v0, v1, pwx, pwy, pwt, pix, piy, pit):
    mesh = plsc.VectorSubcoreMesh(core_axis_name="c", subcore_axis_name="s")
    n_pairs = NM // N_WORKERS

    @functools.partial(
        pl.kernel,
        out_type=jax.ShapeDtypeStruct((NM, DH, LQ), jnp.float32),
        mesh=mesh,
        compiler_params=pltpu.CompilerParams(needs_layout_passes=False),
        scratch_types=(
            [pltpu.VMEM((LEN_PAD,), jnp.int32)] * 2
            + [pltpu.VMEM((2, LP, QC), jnp.int32)] * 6
            + [pltpu.VMEM((DH, LQ), jnp.float32)]
            + [pltpu.SemaphoreType.DMA] * 2
        ),
    )
    def body(v0_hbm, v1_hbm, pwx_hbm, pwy_hbm, pwt_hbm, pix_hbm, piy_hbm, pit_hbm,
             out_hbm, t0v, t1v, bwx, bwy, bwt, bix, biy, bit, outv, sem0, sem1):
        wid = lax.axis_index("s") * 2 + lax.axis_index("c")
        planes = ((pwx_hbm, bwx), (pwy_hbm, bwy), (pwt_hbm, bwt),
                  (pix_hbm, bix), (piy_hbm, biy), (pit_hbm, bit))
        sems = (sem0, sem1)
        n_qc = LQ // QC

        def fire(nm, qc, b):
            qb = pl.multiple_of(qc * QC, QC)
            for (hbm, buf) in planes:
                pltpu.async_copy(hbm.at[nm, :, pl.ds(qb, QC)], buf.at[b], sems[b])

        def drain(nm, qc, b):
            qb = pl.multiple_of(qc * QC, QC)
            for (hbm, buf) in planes:
                pltpu.make_async_copy(hbm.at[nm, :, pl.ds(qb, QC)], buf.at[b],
                                      sems[b]).wait()

        def lp_body(lp, qo, acc, b):
            a0, a1, a2, a3 = acc
            wx0, wx1 = plsc.unpack(
                plsc.bitcast(bwx[b, lp, pl.ds(qo, 16)], jnp.bfloat16),
                format=plsc.PackFormat.INTERLEAVED)
            wy0, wy1 = plsc.unpack(
                plsc.bitcast(bwy[b, lp, pl.ds(qo, 16)], jnp.bfloat16),
                format=plsc.PackFormat.INTERLEAVED)
            wt0, wt1 = plsc.unpack(
                plsc.bitcast(bwt[b, lp, pl.ds(qo, 16)], jnp.bfloat16),
                format=plsc.PackFormat.INTERLEAVED)
            ixw = bix[b, lp, pl.ds(qo, 16)]
            iyw = biy[b, lp, pl.ds(qo, 16)]
            itw = bit[b, lp, pl.ds(qo, 16)]
            mask = jnp.int32(0xFFFF)
            xc0 = ixw & mask
            xc1 = lax.shift_right_logical(ixw, 16)
            yw0 = iyw & mask
            yw1 = lax.shift_right_logical(iyw, 16)
            tS0 = itw & mask
            tS1 = lax.shift_right_logical(itw, 16)
            for (r, wr) in ((tS0 + yw0, wt0 * wy0),
                            (tS0 + yw1, wt0 * wy1),
                            (tS1 + yw0, wt1 * wy0),
                            (tS1 + yw1, wt1 * wy1)):
                for (xc, wx) in ((xc0, wx0), (xc1, wx1)):
                    idx = r + xc
                    w = wr * wx
                    ve, vo = plsc.unpack(
                        plsc.bitcast(plsc.load_gather(t0v, [idx]), jnp.bfloat16),
                        format=plsc.PackFormat.INTERLEAVED)
                    a0 = a0 + ve * w
                    a1 = a1 + vo * w
                    ve, vo = plsc.unpack(
                        plsc.bitcast(plsc.load_gather(t1v, [idx]), jnp.bfloat16),
                        format=plsc.PackFormat.INTERLEAVED)
                    a2 = a2 + ve * w
                    a3 = a3 + vo * w
            return (a0, a1, a2, a3)

        def pair_body(p, _):
            nm = wid * n_pairs + p
            pltpu.sync_copy(v0_hbm.at[nm], t0v)
            pltpu.sync_copy(v1_hbm.at[nm], t1v)
            fire(nm, 0, 0)

            def qc2_body(qc2, _):
                for b in range(2):
                    qc = qc2 * 2 + b
                    qb = pl.multiple_of(qc * QC, QC)
                    drain(nm, qc, b)

                    @pl.when(qc + 1 < n_qc)
                    def _():
                        fire(nm, qc + 1, 1 - b)

                    def qv_body(qv, _):
                        qo = pl.multiple_of(qv * 16, 16)
                        z = jnp.zeros((16,), jnp.float32)
                        acc = lax.fori_loop(
                            0, LP, lambda lp, c: lp_body(lp, qo, c, b),
                            (z, z, z, z))
                        for dd in range(DH):
                            outv[dd, pl.ds(qb + qo, 16)] = acc[dd]
                        return 0

                    lax.fori_loop(0, QC // 16, qv_body, 0)
                return 0

            lax.fori_loop(0, n_qc // 2, qc2_body, 0)
            pltpu.sync_copy(outv, out_hbm.at[nm])
            return 0

        lax.fori_loop(0, n_pairs, pair_body, 0)

    return body(v0, v1, pwx, pwy, pwt, pix, piy, pit)


def _out_proj_body(s_ref, w_ref, b_ref, o_ref):
    y = lax.dot_general(s_ref[0], w_ref[...], (((0,), (0,)), ((), ())),
                        preferred_element_type=jnp.float32, precision=lax.Precision.HIGHEST)
    o_ref[...] = (y + b_ref[...])[None]


def _out_proj(sc_out, W, b):
    return pl.pallas_call(
        _out_proj_body,
        grid=(N_B,),
        in_specs=[
            pl.BlockSpec((1, D_MODEL, LQ), lambda n: (n, 0, 0)),
            pl.BlockSpec((D_MODEL, D_MODEL), lambda n: (0, 0)),
            pl.BlockSpec((D_MODEL,), lambda n: (0,)),
        ],
        out_specs=pl.BlockSpec((1, LQ, D_MODEL), lambda n: (n, 0, 0)),
        out_shape=jax.ShapeDtypeStruct((N_B, LQ, D_MODEL), jnp.float32),
    )(sc_out, W, b)


def _consts():
    perm_off = np.zeros(3072, np.int64)
    for c in range(3):
        for m in range(MH):
            for lvl in range(N_LEVELS):
                for p in range(N_POINTS):
                    col = ((m * N_LEVELS + lvl) * N_POINTS + p) * 3 + c
                    perm_off[c * 1024 + (m * N_LEVELS + lvl) * N_POINTS + p] = col
    sc = np.zeros((12, 3072), np.float32)
    for c in range(3):
        for m in range(MH):
            for lvl in range(N_LEVELS):
                H, W = SPATIAL[lvl]
                s3 = (W, H, N_FRAMES)
                for p in range(N_POINTS):
                    sc[lvl * 3 + c, c * 1024 + (m * N_LEVELS + lvl) * N_POINTS + p] = s3[c]
    gsumT = np.zeros((MH, 1024), np.float32)
    gexpT = np.zeros((1024, MH), np.float32)
    for i in range(1024):
        gsumT[i // 16, i] = 1.0
        gexpT[i, i // 16] = 1.0
    wm1 = np.zeros((1024, 1), np.float32)
    hm1 = np.zeros((1024, 1), np.float32)
    wi = np.zeros((1024, 1), np.int32)
    bs = np.zeros((1024, 1), np.int32)
    for m in range(MH):
        for lvl in range(N_LEVELS):
            H, W = SPATIAL[lvl]
            for p in range(N_POINTS):
                j = (m * N_LEVELS + lvl) * N_POINTS + p
                wm1[j, 0] = W - 1
                hm1[j, 0] = H - 1
                wi[j, 0] = W
                bs[j, 0] = LSI[lvl]
    perm_v = np.zeros(256, np.int64)
    for j in range(128):
        perm_v[j] = 4 * (j % 64) + 2 * (j // 64)
        perm_v[128 + j] = perm_v[j] + 1
    return (perm_off, jnp.asarray(sc.T.copy()), jnp.asarray(gsumT),
            jnp.asarray(gexpT), jnp.asarray(wm1), jnp.asarray(hm1),
            jnp.asarray(wi), jnp.asarray(bs), perm_v)


def kernel(query, reference_points, input_flatten, input_spatial_shapes,
           input_level_start_index, W_value, b_value, W_offsets, b_offsets,
           W_attn, b_attn, W_out, b_out):
    perm_off, scale_matT, gsumT, gexpT, wm1, hm1, wi, bs, perm_v = _consts()
    v0, v1 = _value_proj(input_flatten, W_value[:, perm_v].astype(jnp.bfloat16),
                         b_value[perm_v])
    queryT = jnp.transpose(query, (0, 2, 1)).astype(jnp.bfloat16)
    rp12T = jnp.transpose(reference_points.reshape(N_B, LQ, 12), (0, 2, 1))
    pay = _payload(queryT, rp12T,
                   W_offsets[:, perm_off].T.astype(jnp.bfloat16),
                   (b_offsets[perm_off] - 0.5).reshape(3072, 1),
                   W_attn.T.astype(jnp.bfloat16), b_attn.reshape(1024, 1),
                   scale_matT, gsumT, gexpT, wm1, hm1, wi, bs)
    pay = [p.reshape(NM, LP, LQ) for p in pay]
    sc_out = _sc_sample(v0, v1, *pay)
    return _out_proj(sc_out.reshape(N_B, D_MODEL, LQ), W_out, b_out)

# --- scband reference (transcript-rebuilt; emitter-appended) ---
"""Pipeline reference for scband-ms3-ddeform-attn-29927332118928 (READ-ONLY COPY).

The authoritative reference and input builder live on the scoring server;
editing this copy changes nothing except your own understanding.
"""

import jax, jax.numpy as jnp
import numpy as np

D_MODEL = 256
N_FRAMES = 3
N_LEVELS = 4
N_HEADS = 8
N_POINTS = 4
N_T_HEADS = N_HEADS * N_POINTS * 2
D_HEAD = D_MODEL // N_T_HEADS
SPATIAL_SHAPES = ((64, 64), (32, 32), (16, 16), (8, 8))


def setup_inputs(seed: int = 0):
    key = jax.random.key(seed)
    ks = jax.random.split(key, 10)
    N, Lq = 2, 2048
    ss = np.array([[64, 64], [32, 32], [16, 16], [8, 8]], dtype=np.int64)
    hw = ss[:, 0] * ss[:, 1]
    lsi = np.concatenate([[0], np.cumsum(hw)[:-1]]).astype(np.int64)
    S = int(hw.sum())
    Len_in = S * N_FRAMES
    return {
        "query": jax.random.normal(ks[0], (N, Lq, D_MODEL), dtype=jnp.float32),
        "reference_points": jax.random.uniform(ks[1], (N, Lq, N_LEVELS, 3), dtype=jnp.float32),
        "input_flatten": jax.random.normal(ks[2], (N, Len_in, D_MODEL), dtype=jnp.float32),
        "input_spatial_shapes": jnp.asarray(ss),
        "input_level_start_index": jnp.asarray(lsi),
        "W_value": jax.random.normal(ks[3], (D_MODEL, D_MODEL), dtype=jnp.float32) / np.sqrt(D_MODEL),
        "b_value": jnp.zeros((D_MODEL,), dtype=jnp.float32),
        "W_offsets": jax.random.normal(ks[4], (D_MODEL, N_T_HEADS * N_LEVELS * N_POINTS * 3), dtype=jnp.float32) * 0.01,
        "b_offsets": jax.random.normal(ks[5], (N_T_HEADS * N_LEVELS * N_POINTS * 3,), dtype=jnp.float32) * 0.5,
        "W_attn": jax.random.normal(ks[6], (D_MODEL, N_T_HEADS * N_LEVELS * N_POINTS), dtype=jnp.float32) * 0.01,
        "b_attn": jnp.full((N_T_HEADS * N_LEVELS * N_POINTS,), 1.0 / (N_LEVELS * N_POINTS), dtype=jnp.float32),
        "W_out": jax.random.normal(ks[7], (D_MODEL, D_MODEL), dtype=jnp.float32) / np.sqrt(D_MODEL),
        "b_out": jnp.zeros((D_MODEL,), dtype=jnp.float32),
    }


def _core(value, ss, lsi, loc, attn):
    # value: [N, Len_in, Mh, Dh] with Len_in = T * sum(H*W), frame-major layout
    N, Len_in, Mh, Dh = value.shape
    Lq = loc.shape[1]
    S = Len_in // N_FRAMES
    value = value.reshape(N, N_FRAMES, S, Mh, Dh)
    out = jnp.zeros((N, Lq, Mh, Dh), dtype=value.dtype)
    for lvl in range(N_LEVELS):
        H, W = SPATIAL_SHAPES[lvl]
        start = lsi[lvl].astype(jnp.int32)
        v = jax.lax.dynamic_slice_in_dim(value, start, H * W, axis=2).reshape(N, N_FRAMES, H, W, Mh, Dh)
        v2 = jnp.transpose(v, (0, 4, 1, 2, 3, 5)).reshape(N, Mh, N_FRAMES * H * W, Dh)
        l = loc[:, :, :, lvl]  # [N, Lq, Mh, P, 3]
        x = l[..., 0] * W - 0.5
        y = l[..., 1] * H - 0.5
        t = l[..., 2] * N_FRAMES - 0.5
        x0 = jnp.floor(x); y0 = jnp.floor(y); t0 = jnp.floor(t)
        samp = jnp.zeros(x.shape + (Dh,), dtype=value.dtype)
        for dt in (0.0, 1.0):
            for dy in (0.0, 1.0):
                for dx in (0.0, 1.0):
                    xi = x0 + dx; yi = y0 + dy; ti = t0 + dt
                    w = (1.0 - jnp.abs(x - xi)) * (1.0 - jnp.abs(y - yi)) * (1.0 - jnp.abs(t - ti))
                    valid = (xi >= 0) & (xi < W) & (yi >= 0) & (yi < H) & (ti >= 0) & (ti < N_FRAMES)
                    w = w * valid.astype(w.dtype)
                    xi_c = jnp.clip(xi, 0, W - 1).astype(jnp.int32)
                    yi_c = jnp.clip(yi, 0, H - 1).astype(jnp.int32)
                    ti_c = jnp.clip(ti, 0, N_FRAMES - 1).astype(jnp.int32)
                    lin = (ti_c * H + yi_c) * W + xi_c  # [N, Lq, Mh, P]
                    lin_t = jnp.transpose(lin, (0, 2, 1, 3)).reshape(N, Mh, Lq * N_POINTS)
                    g = jnp.take_along_axis(v2, lin_t[:, :, :, None], axis=2)
                    g = g.reshape(N, Mh, Lq, N_POINTS, Dh).transpose(0, 2, 1, 3, 4)
                    samp = samp + g * w[..., None]
        out = out + (samp * attn[:, :, :, lvl, :, None]).sum(axis=3)
    return out.reshape(N, Lq, Mh * Dh)


def reference(query, reference_points, input_flatten, input_spatial_shapes, input_level_start_index,
              W_value, b_value, W_offsets, b_offsets, W_attn, b_attn, W_out, b_out):
    N, Lq, _ = query.shape
    Len_in = input_flatten.shape[1]
    ss = input_spatial_shapes
    lsi = input_level_start_index
    value = input_flatten @ W_value + b_value
    value = value.reshape(N, Len_in, N_T_HEADS, D_HEAD)
    off = (query @ W_offsets + b_offsets).reshape(N, Lq, N_T_HEADS, N_LEVELS, N_POINTS, 3)
    attn = (query @ W_attn + b_attn).reshape(N, Lq, N_T_HEADS, N_LEVELS * N_POINTS)
    attn = jax.nn.softmax(attn, axis=-1).reshape(N, Lq, N_T_HEADS, N_LEVELS, N_POINTS)
    norm = jnp.stack([ss[:, 1], ss[:, 0], jnp.full((N_LEVELS,), N_FRAMES, dtype=ss.dtype)], axis=-1).astype(jnp.float32)
    loc = reference_points[:, :, None, :, None, :] + off / norm[None, None, None, :, None, :]
    out = _core(value, ss, lsi, loc, attn)
    return out @ W_out + b_out

if __name__ == "__main__":
    import jax
    _d = setup_inputs()
    print(jax.jit(kernel)(*tuple(_d.values())))

</pallas_src>

<mosaic_0001>
#map = affine_map<(d0, d1) -> (0, 0)>
#map1 = affine_map<(d0, d1) -> (0, 0, 0)>
module attributes {stable_mosaic.version = 14 : i64} {
  func.func @body(%arg0: i32, %arg1: i32, %arg2: memref<128x16384xi32, #tpu.memory_space<hbm>>, %arg3: memref<128x16384xi32, #tpu.memory_space<hbm>>, %arg4: memref<128x16x2048xi32, #tpu.memory_space<hbm>>, %arg5: memref<128x16x2048xi32, #tpu.memory_space<hbm>>, %arg6: memref<128x16x2048xi32, #tpu.memory_space<hbm>>, %arg7: memref<128x16x2048xi32, #tpu.memory_space<hbm>>, %arg8: memref<128x16x2048xi32, #tpu.memory_space<hbm>>, %arg9: memref<128x16x2048xi32, #tpu.memory_space<hbm>>, %arg10: memref<128x4x2048xf32, #tpu.memory_space<hbm>>, %arg11: memref<16384xi32, #tpu.memory_space<vmem>>, %arg12: memref<16384xi32, #tpu.memory_space<vmem>>, %arg13: memref<2x16x256xi32, #tpu.memory_space<vmem>>, %arg14: memref<2x16x256xi32, #tpu.memory_space<vmem>>, %arg15: memref<2x16x256xi32, #tpu.memory_space<vmem>>, %arg16: memref<2x16x256xi32, #tpu.memory_space<vmem>>, %arg17: memref<2x16x256xi32, #tpu.memory_space<vmem>>, %arg18: memref<2x16x256xi32, #tpu.memory_space<vmem>>, %arg19: memref<4x2048xf32, #tpu.memory_space<vmem>>, %arg20: memref<!tpu.dma_semaphore, #tpu.memory_space<semaphore_mem>>, %arg21: memref<!tpu.dma_semaphore, #tpu.memory_space<semaphore_mem>>) attributes {dimension_semantics = [#tpu.dimension_semantics<core_parallel>, #tpu.dimension_semantics<subcore_parallel>], iteration_bounds = array<i64: 2, 16>, scalar_prefetch = 0 : i64, scratch_operands = 11 : i64, tpu.core_type = #tpu.core_type<sc_vector_subcore>, window_params = [{transform_indices = #map}, {transform_indices = #map}, {transform_indices = #map1}, {transform_indices = #map1}, {transform_indices = #map1}, {transform_indices = #map1}, {transform_indices = #map1}, {transform_indices = #map1}, {transform_indices = #map1}]} {
    %mul3A = arith.constant 2 : i32
    %mul3A_0 = arith.muli %arg1, %mul3A : i32
    %add3A = arith.addi %mul3A_0, %arg0 : i32
    %scan3A = arith.constant 0 : i32
    %scan3A_1 = arith.constant 0 : i32
    %scan3A_2 = arith.constant 4 : i32
    %scan3A_3 = arith.addi %scan3A_1, %scan3A_2 : i32
    %scan3A_4 = arith.constant 1 : i32
    %scan3A_5 = scf.for %scan3A_7 = %scan3A_1 to %scan3A_3 step %scan3A_4 iter_args(%scan3A_8 = %scan3A) -> (i32)  : i32 {
      %mul3A_9 = arith.constant 4 : i32
      %mul3A_10 = arith.muli %add3A, %mul3A_9 : i32
      %add3A_11 = arith.addi %mul3A_10, %scan3A_7 : i32
      "tpu.region"() ({
        %run_scoped3A = tpu.sem_alloc : memref<!tpu.dma_semaphore, #tpu.memory_space<semaphore_mem>>
        %dma_start3A_110 = arith.constant 0 : i32
        %dma_start3A_111 = tpu.memref_slice %arg2[%add3A_11, %dma_start3A_110] : memref<128x16384xi32, #tpu.memory_space<hbm>> -> memref<1x16384xi32, #tpu.memory_space<hbm>>
        %dma_start3A_112 = tpu.memref_squeeze %dma_start3A_111 : memref<1x16384xi32, #tpu.memory_space<hbm>> -> memref<16384xi32, #tpu.memory_space<hbm>>
        %dma_start3A_113 = arith.constant 0 : i32
        %dma_start3A_114 = tpu.memref_slice %arg2[%add3A_11, %dma_start3A_113] : memref<128x16384xi32, #tpu.memory_space<hbm>> -> memref<1x16384xi32, #tpu.memory_space<hbm>>
        %dma_start3A_115 = tpu.memref_squeeze %dma_start3A_114 : memref<1x16384xi32, #tpu.memory_space<hbm>> -> memref<16384xi32, #tpu.memory_space<hbm>>
        tpu.enqueue_dma source(%dma_start3A_115 : memref<16384xi32, #tpu.memory_space<hbm>>) target(%arg11 : memref<16384xi32, #tpu.memory_space<vmem>>) target_semaphore(%run_scoped3A : memref<!tpu.dma_semaphore, #tpu.memory_space<semaphore_mem>>)
        %dma_wait3A = arith.constant 0 : i32
        %dma_wait3A_116 = tpu.memref_slice %arg2[%add3A_11, %dma_wait3A] : memref<128x16384xi32, #tpu.memory_space<hbm>> -> memref<1x16384xi32, #tpu.memory_space<hbm>>
        %dma_wait3A_117 = tpu.memref_squeeze %dma_wait3A_116 : memref<1x16384xi32, #tpu.memory_space<hbm>> -> memref<16384xi32, #tpu.memory_space<hbm>>
        %dma_wait3A_118 = arith.constant 0 : i32
        %dma_wait3A_119 = tpu.memref_slice %arg2[%add3A_11, %dma_wait3A_118] : memref<128x16384xi32, #tpu.memory_space<hbm>> -> memref<1x16384xi32, #tpu.memory_space<hbm>>
        %dma_wait3A_120 = tpu.memref_squeeze %dma_wait3A_119 : memref<1x16384xi32, #tpu.memory_space<hbm>> -> memref<16384xi32, #tpu.memory_space<hbm>>
        tpu.wait_dma2 semaphore(%run_scoped3A : memref<!tpu.dma_semaphore, #tpu.memory_space<semaphore_mem>>) src(%dma_wait3A_120 : memref<16384xi32, #tpu.memory_space<hbm>>) dst(%arg11 : memref<16384xi32, #tpu.memory_space<vmem>>)
        tpu.yield
      }) : () -> ()
      "tpu.region"() ({
        %run_scoped3A = tpu.sem_alloc : memref<!tpu.dma_semaphore, #tpu.memory_space<semaphore_mem>>
        %dma_start3A_110 = arith.constant 0 : i32
        %dma_start3A_111 = tpu.memref_slice %arg3[%add3A_11, %dma_start3A_110] : memref<128x16384xi32, #tpu.memory_space<hbm>> -> memref<1x16384xi32, #tpu.memory_space<hbm>>
        %dma_start3A_112 = tpu.memref_squeeze %dma_start3A_111 : memref<1x16384xi32, #tpu.memory_space<hbm>> -> memref<16384xi32, #tpu.memory_space<hbm>>
        %dma_start3A_113 = arith.constant 0 : i32
        %dma_start3A_114 = tpu.memref_slice %arg3[%add3A_11, %dma_start3A_113] : memref<128x16384xi32, #tpu.memory_space<hbm>> -> memref<1x16384xi32, #tpu.memory_space<hbm>>
        %dma_start3A_115 = tpu.memref_squeeze %dma_start3A_114 : memref<1x16384xi32, #tpu.memory_space<hbm>> -> memref<16384xi32, #tpu.memory_space<hbm>>
        tpu.enqueue_dma source(%dma_start3A_115 : memref<16384xi32, #tpu.memory_space<hbm>>) target(%arg12 : memref<16384xi32, #tpu.memory_space<vmem>>) target_semaphore(%run_scoped3A : memref<!tpu.dma_semaphore, #tpu.memory_space<semaphore_mem>>)
        %dma_wait3A = arith.constant 0 : i32
        %dma_wait3A_116 = tpu.memref_slice %arg3[%add3A_11, %dma_wait3A] : memref<128x16384xi32, #tpu.memory_space<hbm>> -> memref<1x16384xi32, #tpu.memory_space<hbm>>
        %dma_wait3A_117 = tpu.memref_squeeze %dma_wait3A_116 : memref<1x16384xi32, #tpu.memory_space<hbm>> -> memref<16384xi32, #tpu.memory_space<hbm>>
        %dma_wait3A_118 = arith.constant 0 : i32
        %dma_wait3A_119 = tpu.memref_slice %arg3[%add3A_11, %dma_wait3A_118] : memref<128x16384xi32, #tpu.memory_space<hbm>> -> memref<1x16384xi32, #tpu.memory_space<hbm>>
        %dma_wait3A_120 = tpu.memref_squeeze %dma_wait3A_119 : memref<1x16384xi32, #tpu.memory_space<hbm>> -> memref<16384xi32, #tpu.memory_space<hbm>>
        tpu.wait_dma2 semaphore(%run_scoped3A : memref<!tpu.dma_semaphore, #tpu.memory_space<semaphore_mem>>) src(%dma_wait3A_120 : memref<16384xi32, #tpu.memory_space<hbm>>) dst(%arg12 : memref<16384xi32, #tpu.memory_space<vmem>>)
        tpu.yield
      }) : () -> ()
      %multiple_of3A = arith.constant 0 : i32
      %multiple_of3A_12 = tpu.assume_multiple %multiple_of3A, 256 : i32
      %dma_start3A = arith.constant 0 : i32
      %dma_start3A_13 = arith.constant 0 : i32
      %dma_start3A_14 = arith.constant 0 : i32
      %dma_start3A_15 = tpu.memref_slice %arg13[%dma_start3A, %dma_start3A_13, %dma_start3A_14] : memref<2x16x256xi32, #tpu.memory_space<vmem>> -> memref<1x16x256xi32, #tpu.memory_space<vmem>>
      %dma_start3A_16 = tpu.memref_squeeze %dma_start3A_15 : memref<1x16x256xi32, #tpu.memory_space<vmem>> -> memref<16x256xi32, #tpu.memory_space<vmem>>
      %dma_start3A_17 = arith.constant 0 : i32
      %dma_start3A_18 = tpu.memref_slice %arg4[%add3A_11, %dma_start3A_17, %multiple_of3A_12] : memref<128x16x2048xi32, #tpu.memory_space<hbm>> -> memref<1x16x256xi32, #tpu.memory_space<hbm>>
      %dma_start3A_19 = tpu.memref_squeeze %dma_start3A_18 : memref<1x16x256xi32, #tpu.memory_space<hbm>> -> memref<16x256xi32, #tpu.memory_space<hbm>>
      %dma_start3A_20 = arith.constant 0 : i32
      %dma_start3A_21 = arith.constant 0 : i32
      %dma_start3A_22 = tpu.memref_slice %arg13[%dma_start3A, %dma_start3A_20, %dma_start3A_21] : memref<2x16x256xi32, #tpu.memory_space<vmem>> -> memref<1x16x256xi32, #tpu.memory_space<vmem>>
      %dma_start3A_23 = tpu.memref_squeeze %dma_start3A_22 : memref<1x16x256xi32, #tpu.memory_space<vmem>> -> memref<16x256xi32, #tpu.memory_space<vmem>>
      %dma_start3A_24 = arith.constant 0 : i32
      %dma_start3A_25 = tpu.memref_slice %arg4[%add3A_11, %dma_start3A_24, %multiple_of3A_12] : memref<128x16x2048xi32, #tpu.memory_space<hbm>> -> memref<1x16x256xi32, #tpu.memory_space<hbm>>
      %dma_start3A_26 = tpu.memref_squeeze %dma_start3A_25 : memref<1x16x256xi32, #tpu.memory_space<hbm>> -> memref<16x256xi32, #tpu.memory_space<hbm>>
      tpu.enqueue_dma source(%dma_start3A_26 : memref<16x256xi32, #tpu.memory_space<hbm>>) target(%dma_start3A_23 : memref<16x256xi32, #tpu.memory_space<vmem>>) target_semaphore(%arg20 : memref<!tpu.dma_semaphore, #tpu.memory_space<semaphore_mem>>)
      %dma_start3A_27 = arith.constant 0 : i32
      %dma_start3A_28 = arith.constant 0 : i32
      %dma_start3A_29 = arith.constant 0 : i32
      %dma_start3A_30 = tpu.memref_slice %arg14[%dma_start3A_27, %dma_start3A_28, %dma_start3A_29] : memref<2x16x256xi32, #tpu.memory_space<vmem>> -> memref<1x16x256xi32, #tpu.memory_space<vmem>>
      %dma_start3A_31 = tpu.memref_squeeze %dma_start3A_30 : memref<1x16x256xi32, #tpu.memory_space<vmem>> -> memref<16x256xi32, #tpu.memory_space<vmem>>
      %dma_start3A_32 = arith.constant 0 : i32
      %dma_start3A_33 = tpu.memref_slice %arg5[%add3A_11, %dma_start3A_32, %multiple_of3A_12] : memref<128x16x2048xi32, #tpu.memory_space<hbm>> -> memref<1x16x256xi32, #tpu.memory_space<hbm>>
      %dma_start3A_34 = tpu.memref_squeeze %dma_start3A_33 : memref<1x16x256xi32, #tpu.memory_space<hbm>> -> memref<16x256xi32, #tpu.memory_space<hbm>>
      %dma_start3A_35 = arith.constant 0 : i32
      %dma_start3A_36 = arith.constant 0 : i32
      %dma_start3A_37 = tpu.memref_slice %arg14[%dma_start3A_27, %dma_start3A_35, %dma_start3A_36] : memref<2x16x256xi32, #tpu.memory_space<vmem>> -> memref<1x16x256xi32, #tpu.memory_space<vmem>>
      %dma_start3A_38 = tpu.memref_squeeze %dma_start3A_37 : memref<1x16x256xi32, #tpu.memory_space<vmem>> -> memref<16x256xi32, #tpu.memory_space<vmem>>
      %dma_start3A_39 = arith.constant 0 : i32
      %dma_start3A_40 = tpu.memref_slice %arg5[%add3A_11, %dma_start3A_39, %multiple_of3A_12] : memref<128x16x2048xi32, #tpu.memory_space<hbm>> -> memref<1x16x256xi32, #tpu.memory_space<hbm>>
      %dma_start3A_41 = tpu.memref_squeeze %dma_start3A_40 : memref<1x16x256xi32, #tpu.memory_space<hbm>> -> memref<16x256xi32, #tpu.memory_space<hbm>>
      tpu.enqueue_dma source(%dma_start3A_41 : memref<16x256xi32, #tpu.memory_space<hbm>>) target(%dma_start3A_38 : memref<16x256xi32, #tpu.memory_space<vmem>>) target_semaphore(%arg20 : memref<!tpu.dma_semaphore, #tpu.memory_space<semaphore_mem>>)
      %dma_start3A_42 = arith.constant 0 : i32
      %dma_start3A_43 = arith.constant 0 : i32
      %dma_start3A_44 = arith.constant 0 : i32
      %dma_start3A_45 = tpu.memref_slice %arg15[%dma_start3A_42, %dma_start3A_43, %dma_start3A_44] : memref<2x16x256xi32, #tpu.memory_space<vmem>> -> memref<1x16x256xi32, #tpu.memory_space<vmem>>
      %dma_start3A_46 = tpu.memref_squeeze %dma_start3A_45 : memref<1x16x256xi32, #tpu.memory_space<vmem>> -> memref<16x256xi32, #tpu.memory_space<vmem>>
      %dma_start3A_47 = arith.constant 0 : i32
      %dma_start3A_48 = tpu.memref_slice %arg6[%add3A_11, %dma_start3A_47, %multiple_of3A_12] : memref<128x16x2048xi32, #tpu.memory_space<hbm>> -> memref<1x16x256xi32, #tpu.memory_space<hbm>>
      %dma_start3A_49 = tpu.memref_squeeze %dma_start3A_48 : memref<1x16x256xi32, #tpu.memory_space<hbm>> -> memref<16x256xi32, #tpu.memory_space<hbm>>
      %dma_start3A_50 = arith.constant 0 : i32
      %dma_start3A_51 = arith.constant 0 : i32
      %dma_start3A_52 = tpu.memref_slice %arg15[%dma_start3A_42, %dma_start3A_50, %dma_start3A_51] : memref<2x16x256xi32, #tpu.memory_space<vmem>> -> memref<1x16x256xi32, #tpu.memory_space<vmem>>
      %dma_start3A_53 = tpu.memref_squeeze %dma_start3A_52 : memref<1x16x256xi32, #tpu.memory_space<vmem>> -> memref<16x256xi32, #tpu.memory_space<vmem>>
      %dma_start3A_54 = arith.constant 0 : i32
      %dma_start3A_55 = tpu.memref_slice %arg6[%add3A_11, %dma_start3A_54, %multiple_of3A_12] : memref<128x16x2048xi32, #tpu.memory_space<hbm>> -> memref<1x16x256xi32, #tpu.memory_space<hbm>>
      %dma_start3A_56 = tpu.memref_squeeze %dma_start3A_55 : memref<1x16x256xi32, #tpu.memory_space<hbm>> -> memref<16x256xi32, #tpu.memory_space<hbm>>
      tpu.enqueue_dma source(%dma_start3A_56 : memref<16x256xi32, #tpu.memory_space<hbm>>) target(%dma_start3A_53 : memref<16x256xi32, #tpu.memory_space<vmem>>) target_semaphore(%arg20 : memref<!tpu.dma_semaphore, #tpu.memory_space<semaphore_mem>>)
      %dma_start3A_57 = arith.constant 0 : i32
      %dma_start3A_58 = arith.constant 0 : i32
      %dma_start3A_59 = arith.constant 0 : i32
      %dma_start3A_60 = tpu.memref_slice %arg16[%dma_start3A_57, %dma_start3A_58, %dma_start3A_59] : memref<2x16x256xi32, #tpu.memory_space<vmem>> -> memref<1x16x256xi32, #tpu.memory_space<vmem>>
      %dma_start3A_61 = tpu.memref_squeeze %dma_start3A_60 : memref<1x16x256xi32, #tpu.memory_space<vmem>> -> memref<16x256xi32, #tpu.memory_space<vmem>>
      %dma_start3A_62 = arith.constant 0 : i32
      %dma_start3A_63 = tpu.memref_slice %arg7[%add3A_11, %dma_start3A_62, %multiple_of3A_12] : memref<128x16x2048xi32, #tpu.memory_space<hbm>> -> memref<1x16x256xi32, #tpu.memory_space<hbm>>
      %dma_start3A_64 = tpu.memref_squeeze %dma_start3A_63 : memref<1x16x256xi32, #tpu.memory_space<hbm>> -> memref<16x256xi32, #tpu.memory_space<hbm>>
      %dma_start3A_65 = arith.constant 0 : i32
      %dma_start3A_66 = arith.constant 0 : i32
      %dma_start3A_67 = tpu.memref_slice %arg16[%dma_start3A_57, %dma_start3A_65, %dma_start3A_66] : memref<2x16x256xi32, #tpu.memory_space<vmem>> -> memref<1x16x256xi32, #tpu.memory_space<vmem>>
      %dma_start3A_68 = tpu.memref_squeeze %dma_start3A_67 : memref<1x16x256xi32, #tpu.memory_space<vmem>> -> memref<16x256xi32, #tpu.memory_space<vmem>>
      %dma_start3A_69 = arith.constant 0 : i32
      %dma_start3A_70 = tpu.memref_slice %arg7[%add3A_11, %dma_start3A_69, %multiple_of3A_12] : memref<128x16x2048xi32, #tpu.memory_space<hbm>> -> memref<1x16x256xi32, #tpu.memory_space<hbm>>
      %dma_start3A_71 = tpu.memref_squeeze %dma_start3A_70 : memref<1x16x256xi32, #tpu.memory_space<hbm>> -> memref<16x256xi32, #tpu.memory_space<hbm>>
      tpu.enqueue_dma source(%dma_start3A_71 : memref<16x256xi32, #tpu.memory_space<hbm>>) target(%dma_start3A_68 : memref<16x256xi32, #tpu.memory_space<vmem>>) target_semaphore(%arg20 : memref<!tpu.dma_semaphore, #tpu.memory_space<semaphore_mem>>)
      %dma_start3A_72 = arith.constant 0 : i32
      %dma_start3A_73 = arith.constant 0 : i32
      %dma_start3A_74 = arith.constant 0 : i32
      %dma_start3A_75 = tpu.memref_slice %arg17[%dma_start3A_72, %dma_start3A_73, %dma_start3A_74] : memref<2x16x256xi32, #tpu.memory_space<vmem>> -> memref<1x16x256xi32, #tpu.memory_space<vmem>>
      %dma_start3A_76 = tpu.memref_squeeze %dma_start3A_75 : memref<1x16x256xi32, #tpu.memory_space<vmem>> -> memref<16x256xi32, #tpu.memory_space<vmem>>
      %dma_start3A_77 = arith.constant 0 : i32
      %dma_start3A_78 = tpu.memref_slice %arg8[%add3A_11, %dma_start3A_77, %multiple_of3A_12] : memref<128x16x2048xi32, #tpu.memory_space<hbm>> -> memref<1x16x256xi32, #tpu.memory_space<hbm>>
      %dma_start3A_79 = tpu.memref_squeeze %dma_start3A_78 : memref<1x16x256xi32, #tpu.memory_space<hbm>> -> memref<16x256xi32, #tpu.memory_space<hbm>>
      %dma_start3A_80 = arith.constant 0 : i32
      %dma_start3A_81 = arith.constant 0 : i32
      %dma_start3A_82 = tpu.memref_slice %arg17[%dma_start3A_72, %dma_start3A_80, %dma_start3A_81] : memref<2x16x256xi32, #tpu.memory_space<vmem>> -> memref<1x16x256xi32, #tpu.memory_space<vmem>>
      %dma_start3A_83 = tpu.memref_squeeze %dma_start3A_82 : memref<1x16x256xi32, #tpu.memory_space<vmem>> -> memref<16x256xi32, #tpu.memory_space<vmem>>
      %dma_start3A_84 = arith.constant 0 : i32
      %dma_start3A_85 = tpu.memref_slice %arg8[%add3A_11, %dma_start3A_84, %multiple_of3A_12] : memref<128x16x2048xi32, #tpu.memory_space<hbm>> -> memref<1x16x256xi32, #tpu.memory_space<hbm>>
      %dma_start3A_86 = tpu.memref_squeeze %dma_start3A_85 : memref<1x16x256xi32, #tpu.memory_space<hbm>> -> memref<16x256xi32, #tpu.memory_space<hbm>>
      tpu.enqueue_dma source(%dma_start3A_86 : memref<16x256xi32, #tpu.memory_space<hbm>>) target(%dma_start3A_83 : memref<16x256xi32, #tpu.memory_space<vmem>>) target_semaphore(%arg20 : memref<!tpu.dma_semaphore, #tpu.memory_space<semaphore_mem>>)
      %dma_start3A_87 = arith.constant 0 : i32
      %dma_start3A_88 = arith.constant 0 : i32
      %dma_start3A_89 = arith.constant 0 : i32
      %dma_start3A_90 = tpu.memref_slice %arg18[%dma_start3A_87, %dma_start3A_88, %dma_start3A_89] : memref<2x16x256xi32, #tpu.memory_space<vmem>> -> memref<1x16x256xi32, #tpu.memory_space<vmem>>
      %dma_start3A_91 = tpu.memref_squeeze %dma_start3A_90 : memref<1x16x256xi32, #tpu.memory_space<vmem>> -> memref<16x256xi32, #tpu.memory_space<vmem>>
      %dma_start3A_92 = arith.constant 0 : i32
      %dma_start3A_93 = tpu.memref_slice %arg9[%add3A_11, %dma_start3A_92, %multiple_of3A_12] : memref<128x16x2048xi32, #tpu.memory_space<hbm>> -> memref<1x16x256xi32, #tpu.memory_space<hbm>>
      %dma_start3A_94 = tpu.memref_squeeze %dma_start3A_93 : memref<1x16x256xi32, #tpu.memory_space<hbm>> -> memref<16x256xi32, #tpu.memory_space<hbm>>
      %dma_start3A_95 = arith.constant 0 : i32
      %dma_start3A_96 = arith.constant 0 : i32
      %dma_start3A_97 = tpu.memref_slice %arg18[%dma_start3A_87, %dma_start3A_95, %dma_start3A_96] : memref<2x16x256xi32, #tpu.memory_space<vmem>> -> memref<1x16x256xi32, #tpu.memory_space<vmem>>
      %dma_start3A_98 = tpu.memref_squeeze %dma_start3A_97 : memref<1x16x256xi32, #tpu.memory_space<vmem>> -> memref<16x256xi32, #tpu.memory_space<vmem>>
      %dma_start3A_99 = arith.constant 0 : i32
      %dma_start3A_100 = tpu.memref_slice %arg9[%add3A_11, %dma_start3A_99, %multiple_of3A_12] : memref<128x16x2048xi32, #tpu.memory_space<hbm>> -> memref<1x16x256xi32, #tpu.memory_space<hbm>>
      %dma_start3A_101 = tpu.memref_squeeze %dma_start3A_100 : memref<1x16x256xi32, #tpu.memory_space<hbm>> -> memref<16x256xi32, #tpu.memory_space<hbm>>
      tpu.enqueue_dma source(%dma_start3A_101 : memref<16x256xi32, #tpu.memory_space<hbm>>) target(%dma_start3A_98 : memref<16x256xi32, #tpu.memory_space<vmem>>) target_semaphore(%arg20 : memref<!tpu.dma_semaphore, #tpu.memory_space<semaphore_mem>>)
      %scan3A_102 = arith.constant 0 : i32
      %scan3A_103 = arith.constant 0 : i32
      %scan3A_104 = arith.constant 4 : i32
      %scan3A_105 = arith.addi %scan3A_103, %scan3A_104 : i32
      %scan3A_106 = arith.constant 1 : i32
      %scan3A_107 = scf.for %scan3A_110 = %scan3A_103 to %scan3A_105 step %scan3A_106 iter_args(%scan3A_111 = %scan3A_102) -> (i32)  : i32 {
        %mul3A_112 = arith.constant 2 : i32
        %mul3A_113 = arith.muli %scan3A_110, %mul3A_112 : i32
        %add3A_114 = arith.constant 0 : i32
        %add3A_115 = arith.addi %mul3A_113, %add3A_114 : i32
        %mul3A_116 = arith.constant 256 : i32
        %mul3A_117 = arith.muli %add3A_115, %mul3A_116 : i32
        %multiple_of3A_118 = tpu.assume_multiple %mul3A_117, 256 : i32
        %mul3A_119 = arith.constant 256 : i32
        %mul3A_120 = arith.muli %add3A_115, %mul3A_119 : i32
        %multiple_of3A_121 = tpu.assume_multiple %mul3A_120, 256 : i32
        %dma_wait3A = arith.constant 0 : i32
        %dma_wait3A_122 = arith.constant 0 : i32
        %dma_wait3A_123 = arith.constant 0 : i32
        %dma_wait3A_124 = tpu.memref_slice %arg13[%dma_wait3A, %dma_wait3A_122, %dma_wait3A_123] : memref<2x16x256xi32, #tpu.memory_space<vmem>> -> memref<1x16x256xi32, #tpu.memory_space<vmem>>
        %dma_wait3A_125 = tpu.memref_squeeze %dma_wait3A_124 : memref<1x16x256xi32, #tpu.memory_space<vmem>> -> memref<16x256xi32, #tpu.memory_space<vmem>>
        %dma_wait3A_126 = arith.constant 0 : i32
        %dma_wait3A_127 = tpu.memref_slice %arg4[%add3A_11, %dma_wait3A_126, %multiple_of3A_121] : memref<128x16x2048xi32, #tpu.memory_space<hbm>> -> memref<1x16x256xi32, #tpu.memory_space<hbm>>
        %dma_wait3A_128 = tpu.memref_squeeze %dma_wait3A_127 : memref<1x16x256xi32, #tpu.memory_space<hbm>> -> memref<16x256xi32, #tpu.memory_space<hbm>>
        %dma_wait3A_129 = arith.constant 0 : i32
        %dma_wait3A_130 = arith.constant 0 : i32
        %dma_wait3A_131 = tpu.memref_slice %arg13[%dma_wait3A, %dma_wait3A_129, %dma_wait3A_130] : memref<2x16x256xi32, #tpu.memory_space<vmem>> -> memref<1x16x256xi32, #tpu.memory_space<vmem>>
        %dma_wait3A_132 = tpu.memref_squeeze %dma_wait3A_131 : memref<1x16x256xi32, #tpu.memory_space<vmem>> -> memref<16x256xi32, #tpu.memory_space<vmem>>
        %dma_wait3A_133 = arith.constant 0 : i32
        %dma_wait3A_134 = tpu.memref_slice %arg4[%add3A_11, %dma_wait3A_133, %multiple_of3A_121] : memref<128x16x2048xi32, #tpu.memory_space<hbm>> -> memref<1x16x256xi32, #tpu.memory_space<hbm>>
        %dma_wait3A_135 = tpu.memref_squeeze %dma_wait3A_134 : memref<1x16x256xi32, #tpu.memory_space<hbm>> -> memref<16x256xi32, #tpu.memory_space<hbm>>
        tpu.wait_dma2 semaphore(%arg20 : memref<!tpu.dma_semaphore, #tpu.memory_space<semaphore_mem>>) src(%dma_wait3A_135 : memref<16x256xi32, #tpu.memory_space<hbm>>) dst(%dma_wait3A_132 : memref<16x256xi32, #tpu.memory_space<vmem>>)
        %dma_wait3A_136 = arith.constant 0 : i32
        %dma_wait3A_137 = arith.constant 0 : i32
        %dma_wait3A_138 = arith.constant 0 : i32
        %dma_wait3A_139 = tpu.memref_slice %arg14[%dma_wait3A_136, %dma_wait3A_137, %dma_wait3A_138] : memref<2x16x256xi32, #tpu.memory_space<vmem>> -> memref<1x16x256xi32, #tpu.memory_space<vmem>>
        %dma_wait3A_140 = tpu.memref_squeeze %dma_wait3A_139 : memref<1x16x256xi32, #tpu.memory_space<vmem>> -> memref<16x256xi32, #tpu.memory_space<vmem>>
        %dma_wait3A_141 = arith.constant 0 : i32
        %dma_wait3A_142 = tpu.memref_slice %arg5[%add3A_11, %dma_wait3A_141, %multiple_of3A_121] : memref<128x16x2048xi32, #tpu.memory_space<hbm>> -> memref<1x16x256xi32, #tpu.memory_space<hbm>>
        %dma_wait3A_143 = tpu.memref_squeeze %dma_wait3A_142 : memref<1x16x256xi32, #tpu.memory_space<hbm>> -> memref<16x256xi32, #tpu.memory_space<hbm>>
        %dma_wait3A_144 = arith.constant 0 : i32
        %dma_wait3A_145 = arith.constant 0 : i32
        %dma_wait3A_146 = tpu.memref_slice %arg14[%dma_wait3A_136, %dma_wait3A_144, %dma_wait3A_145] : memref<2x16x256xi32, #tpu.memory_space<vmem>> -> memref<1x16x256xi32, #tpu.memory_space<vmem>>
        %dma_wait3A_147 = tpu.memref_squeeze %dma_wait3A_146 : memref<1x16x256xi32, #tpu.memory_space<vmem>> -> memref<16x256xi32, #tpu.memory_space<vmem>>
        %dma_wait3A_148 = arith.constant 0 : i32
        %dma_wait3A_149 = tpu.memref_slice %arg5[%add3A_11, %dma_wait3A_148, %multiple_of3A_121] : memref<128x16x2048xi32, #tpu.memory_space<hbm>> -> memref<1x16x256xi32, #tpu.memory_space<hbm>>
        %dma_wait3A_150 = tpu.memref_squeeze %dma_wait3A_149 : memref<1x16x256xi32, #tpu.memory_space<hbm>> -> memref<16x256xi32, #tpu.memory_space<hbm>>
        tpu.wait_dma2 semaphore(%arg20 : memref<!tpu.dma_semaphore, #tpu.memory_space<semaphore_mem>>) src(%dma_wait3A_150 : memref<16x256xi32, #tpu.memory_space<hbm>>) dst(%dma_wait3A_147 : memref<16x256xi32, #tpu.memory_space<vmem>>)
        %dma_wait3A_151 = arith.constant 0 : i32
        %dma_wait3A_152 = arith.constant 0 : i32
        %dma_wait3A_153 = arith.constant 0 : i32
        %dma_wait3A_154 = tpu.memref_slice %arg15[%dma_wait3A_151, %dma_wait3A_152, %dma_wait3A_153] : memref<2x16x256xi32, #tpu.memory_space<vmem>> -> memref<1x16x256xi32, #tpu.memory_space<vmem>>
        %dma_wait3A_155 = tpu.memref_squeeze %dma_wait3A_154 : memref<1x16x256xi32, #tpu.memory_space<vmem>> -> memref<16x256xi32, #tpu.memory_space<vmem>>
        %dma_wait3A_156 = arith.constant 0 : i32
        %dma_wait3A_157 = tpu.memref_slice %arg6[%add3A_11, %dma_wait3A_156, %multiple_of3A_121] : memref<128x16x2048xi32, #tpu.memory_space<hbm>> -> memref<1x16x256xi32, #tpu.memory_space<hbm>>
        %dma_wait3A_158 = tpu.memref_squeeze %dma_wait3A_157 : memref<1x16x256xi32, #tpu.memory_space<hbm>> -> memref<16x256xi32, #tpu.memory_space<hbm>>
        %dma_wait3A_159 = arith.constant 0 : i32
        %dma_wait3A_160 = arith.constant 0 : i32
        %dma_wait3A_161 = tpu.memref_slice %arg15[%dma_wait3A_151, %dma_wait3A_159, %dma_wait3A_160] : memref<2x16x256xi32, #tpu.memory_space<vmem>> -> memref<1x16x256xi32, #tpu.memory_space<vmem>>
        %dma_wait3A_162 = tpu.memref_squeeze %dma_wait3A_161 : memref<1x16x256xi32, #tpu.memory_space<vmem>> -> memref<16x256xi32, #tpu.memory_space<vmem>>
        %dma_wait3A_163 = arith.constant 0 : i32
        %dma_wait3A_164 = tpu.memref_slice %arg6[%add3A_11, %dma_wait3A_163, %multiple_of3A_121] : memref<128x16x2048xi32, #tpu.memory_space<hbm>> -> memref<1x16x256xi32, #tpu.memory_space<hbm>>
        %dma_wait3A_165 = tpu.memref_squeeze %dma_wait3A_164 : memref<1x16x256xi32, #tpu.memory_space<hbm>> -> memref<16x256xi32, #tpu.memory_space<hbm>>
        tpu.wait_dma2 semaphore(%arg20 : memref<!tpu.dma_semaphore, #tpu.memory_space<semaphore_mem>>) src(%dma_wait3A_165 : memref<16x256xi32, #tpu.memory_space<hbm>>) dst(%dma_wait3A_162 : memref<16x256xi32, #tpu.memory_space<vmem>>)
        %dma_wait3A_166 = arith.constant 0 : i32
        %dma_wait3A_167 = arith.constant 0 : i32
        %dma_wait3A_168 = arith.constant 0 : i32
        %dma_wait3A_169 = tpu.memref_slice %arg16[%dma_wait3A_166, %dma_wait3A_167, %dma_wait3A_168] : memref<2x16x256xi32, #tpu.memory_space<vmem>> -> memref<1x16x256xi32, #tpu.memory_space<vmem>>
        %dma_wait3A_170 = tpu.memref_squeeze %dma_wait3A_169 : memref<1x16x256xi32, #tpu.memory_space<vmem>> -> memref<16x256xi32, #tpu.memory_space<vmem>>
        %dma_wait3A_171 = arith.constant 0 : i32
        %dma_wait3A_172 = tpu.memref_slice %arg7[%add3A_11, %dma_wait3A_171, %multiple_of3A_121] : memref<128x16x2048xi32, #tpu.memory_space<hbm>> -> memref<1x16x256xi32, #tpu.memory_space<hbm>>
        %dma_wait3A_173 = tpu.memref_squeeze %dma_wait3A_172 : memref<1x16x256xi32, #tpu.memory_space<hbm>> -> memref<16x256xi32, #tpu.memory_space<hbm>>
        %dma_wait3A_174 = arith.constant 0 : i32
        %dma_wait3A_175 = arith.constant 0 : i32
        %dma_wait3A_176 = tpu.memref_slice %arg16[%dma_wait3A_166, %dma_wait3A_174, %dma_wait3A_175] : memref<2x16x256xi32, #tpu.memory_space<vmem>> -> memref<1x16x256xi32, #tpu.memory_space<vmem>>
        %dma_wait3A_177 = tpu.memref_squeeze %dma_wait3A_176 : memref<1x16x256xi32, #tpu.memory_space<vmem>> -> memref<16x256xi32, #tpu.memory_space<vmem>>
        %dma_wait3A_178 = arith.constant 0 : i32
        %dma_wait3A_179 = tpu.memref_slice %arg7[%add3A_11, %dma_wait3A_178, %multiple_of3A_121] : memref<128x16x2048xi32, #tpu.memory_space<hbm>> -> memref<1x16x256xi32, #tpu.memory_space<hbm>>
        %dma_wait3A_180 = tpu.memref_squeeze %dma_wait3A_179 : memref<1x16x256xi32, #tpu.memory_space<hbm>> -> memref<16x256xi32, #tpu.memory_space<hbm>>
        tpu.wait_dma2 semaphore(%arg20 : memref<!tpu.dma_semaphore, #tpu.memory_space<semaphore_mem>>) src(%dma_wait3A_180 : memref<16x256xi32, #tpu.memory_space<hbm>>) dst(%dma_wait3A_177 : memref<16x256xi32, #tpu.memory_space<vmem>>)
        %dma_wait3A_181 = arith.constant 0 : i32
        %dma_wait3A_182 = arith.constant 0 : i32
        %dma_wait3A_183 = arith.constant 0 : i32
        %dma_wait3A_184 = tpu.memref_slice %arg17[%dma_wait3A_181, %dma_wait3A_182, %dma_wait3A_183] : memref<2x16x256xi32, #tpu.memory_space<vmem>> -> memref<1x16x256xi32, #tpu.memory_space<vmem>>
        %dma_wait3A_185 = tpu.memref_squeeze %dma_wait3A_184 : memref<1x16x256xi32, #tpu.memory_space<vmem>> -> memref<16x256xi32, #tpu.memory_space<vmem>>
        %dma_wait3A_186 = arith.constant 0 : i32
        %dma_wait3A_187 = tpu.memref_slice %arg8[%add3A_11, %dma_wait3A_186, %multiple_of3A_121] : memref<128x16x2048xi32, #tpu.memory_space<hbm>> -> memref<1x16x256xi32, #tpu.memory_space<hbm>>
        %dma_wait3A_188 = tpu.memref_squeeze %dma_wait3A_187 : memref<1x16x256xi32, #tpu.memory_space<hbm>> -> memref<16x256xi32, #tpu.memory_space<hbm>>
        %dma_wait3A_189 = arith.constant 0 : i32
        %dma_wait3A_190 = arith.constant 0 : i32
        %dma_wait3A_191 = tpu.memref_slice %arg17[%dma_wait3A_181, %dma_wait3A_189, %dma_wait3A_190] : memref<2x16x256xi32, #tpu.memory_space<vmem>> -> memref<1x16x256xi32, #tpu.memory_space<vmem>>
        %dma_wait3A_192 = tpu.memref_squeeze %dma_wait3A_191 : memref<1x16x256xi32, #tpu.memory_space<vmem>> -> memref<16x256xi32, #tpu.memory_space<vmem>>
        %dma_wait3A_193 = arith.constant 0 : i32
        %dma_wait3A_194 = tpu.memref_slice %arg8[%add3A_11, %dma_wait3A_193, %multiple_of3A_121] : memref<128x16x2048xi32, #tpu.memory_space<hbm>> -> memref<1x16x256xi32, #tpu.memory_space<hbm>>
        %dma_wait3A_195 = tpu.memref_squeeze %dma_wait3A_194 : memref<1x16x256xi32, #tpu.memory_space<hbm>> -> memref<16x256xi32, #tpu.memory_space<hbm>>
        tpu.wait_dma2 semaphore(%arg20 : memref<!tpu.dma_semaphore, #tpu.memory_space<semaphore_mem>>) src(%dma_wait3A_195 : memref<16x256xi32, #tpu.memory_space<hbm>>) dst(%dma_wait3A_192 : memref<16x256xi32, #tpu.memory_space<vmem>>)
        %dma_wait3A_196 = arith.constant 0 : i32
        %dma_wait3A_197 = arith.constant 0 : i32
        %dma_wait3A_198 = arith.constant 0 : i32
        %dma_wait3A_199 = tpu.memref_slice %arg18[%dma_wait3A_196, %dma_wait3A_197, %dma_wait3A_198] : memref<2x16x256xi32, #tpu.memory_space<vmem>> -> memref<1x16x256xi32, #tpu.memory_space<vmem>>
        %dma_wait3A_200 = tpu.memref_squeeze %dma_wait3A_199 : memref<1x16x256xi32, #tpu.memory_space<vmem>> -> memref<16x256xi32, #tpu.memory_space<vmem>>
        %dma_wait3A_201 = arith.constant 0 : i32
        %dma_wait3A_202 = tpu.memref_slice %arg9[%add3A_11, %dma_wait3A_201, %multiple_of3A_121] : memref<128x16x2048xi32, #tpu.memory_space<hbm>> -> memref<1x16x256xi32, #tpu.memory_space<hbm>>
        %dma_wait3A_203 = tpu.memref_squeeze %dma_wait3A_202 : memref<1x16x256xi32, #tpu.memory_space<hbm>> -> memref<16x256xi32, #tpu.memory_space<hbm>>
        %dma_wait3A_204 = arith.constant 0 : i32
        %dma_wait3A_205 = arith.constant 0 : i32
        %dma_wait3A_206 = tpu.memref_slice %arg18[%dma_wait3A_196, %dma_wait3A_204, %dma_wait3A_205] : memref<2x16x256xi32, #tpu.memory_space<vmem>> -> memref<1x16x256xi32, #tpu.memory_space<vmem>>
        %dma_wait3A_207 = tpu.memref_squeeze %dma_wait3A_206 : memref<1x16x256xi32, #tpu.memory_space<vmem>> -> memref<16x256xi32, #tpu.memory_space<vmem>>
        %dma_wait3A_208 = arith.constant 0 : i32
        %dma_wait3A_209 = tpu.memref_slice %arg9[%add3A_11, %dma_wait3A_208, %multiple_of3A_121] : memref<128x16x2048xi32, #tpu.memory_space<hbm>> -> memref<1x16x256xi32, #tpu.memory_space<hbm>>
        %dma_wait3A_210 = tpu.memref_squeeze %dma_wait3A_209 : memref<1x16x256xi32, #tpu.memory_space<hbm>> -> memref<16x256xi32, #tpu.memory_space<hbm>>
        tpu.wait_dma2 semaphore(%arg20 : memref<!tpu.dma_semaphore, #tpu.memory_space<semaphore_mem>>) src(%dma_wait3A_210 : memref<16x256xi32, #tpu.memory_space<hbm>>) dst(%dma_wait3A_207 : memref<16x256xi32, #tpu.memory_space<vmem>>)
        %add3A_211 = arith.constant 1 : i32
        %add3A_212 = arith.addi %add3A_115, %add3A_211 : i32
        %lt3A = arith.constant 8 : i32
        %lt3A_213 = arith.cmpi slt, %add3A_212, %lt3A : i32
        %convert_element_type3A = arith.extui %lt3A_213 : i1 to i32
        %cond3A = arith.constant 0 : i32
        %cond3A_214 = arith.cmpi ne, %convert_element_type3A, %cond3A : i32
        scf.if %cond3A_214 {
          %add3A_337 = arith.constant 1 : i32
          %add3A_338 = arith.addi %add3A_115, %add3A_337 : i32
          %mul3A_339 = arith.constant 256 : i32
          %mul3A_340 = arith.muli %add3A_338, %mul3A_339 : i32
          %multiple_of3A_341 = tpu.assume_multiple %mul3A_340, 256 : i32
          %dma_start3A_342 = arith.constant 1 : i32
          %dma_start3A_343 = arith.constant 0 : i32
          %dma_start3A_344 = arith.constant 0 : i32
          %dma_start3A_345 = tpu.memref_slice %arg13[%dma_start3A_342, %dma_start3A_343, %dma_start3A_344] : memref<2x16x256xi32, #tpu.memory_space<vmem>> -> memref<1x16x256xi32, #tpu.memory_space<vmem>>
          %dma_start3A_346 = tpu.memref_squeeze %dma_start3A_345 : memref<1x16x256xi32, #tpu.memory_space<vmem>> -> memref<16x256xi32, #tpu.memory_space<vmem>>
          %dma_start3A_347 = arith.constant 0 : i32
          %dma_start3A_348 = tpu.memref_slice %arg4[%add3A_11, %dma_start3A_347, %multiple_of3A_341] : memref<128x16x2048xi32, #tpu.memory_space<hbm>> -> memref<1x16x256xi32, #tpu.memory_space<hbm>>
          %dma_start3A_349 = tpu.memref_squeeze %dma_start3A_348 : memref<1x16x256xi32, #tpu.memory_space<hbm>> -> memref<16x256xi32, #tpu.memory_space<hbm>>
          %dma_start3A_350 = arith.constant 0 : i32
          %dma_start3A_351 = arith.constant 0 : i32
          %dma_start3A_352 = tpu.memref_slice %arg13[%dma_start3A_342, %dma_start3A_350, %dma_start3A_351] : memref<2x16x256xi32, #tpu.memory_space<vmem>> -> memref<1x16x256xi32, #tpu.memory_space<vmem>>
          %dma_start3A_353 = tpu.memref_squeeze %dma_start3A_352 : memref<1x16x256xi32, #tpu.memory_space<vmem>> -> memref<16x256xi32, #tpu.memory_space<vmem>>
          %dma_start3A_354 = arith.constant 0 : i32
          %dma_start3A_355 = tpu.memref_slice %arg4[%add3A_11, %dma_start3A_354, %multiple_of3A_341] : memref<128x16x2048xi32, #tpu.memory_space<hbm>> -> memref<1x16x256xi32, #tpu.memory_space<hbm>>
          %dma_start3A_356 = tpu.memref_squeeze %dma_start3A_355 : memref<1x16x256xi32, #tpu.memory_space<hbm>> -> memref<16x256xi32, #tpu.memory_space<hbm>>
          tpu.enqueue_dma source(%dma_start3A_356 : memref<16x256xi32, #tpu.memory_space<hbm>>) target(%dma_start3A_353 : memref<16x256xi32, #tpu.memory_space<vmem>>) target_semaphore(%arg21 : memref<!tpu.dma_semaphore, #tpu.memory_space<semaphore_mem>>)
          %dma_start3A_357 = arith.constant 1 : i32
          %dma_start3A_358 = arith.constant 0 : i32
          %dma_start3A_359 = arith.constant 0 : i32
          %dma_start3A_360 = tpu.memref_slice %arg14[%dma_start3A_357, %dma_start3A_358, %dma_start3A_359] : memref<2x16x256xi32, #tpu.memory_space<vmem>> -> memref<1x16x256xi32, #tpu.memory_space<vmem>>
          %dma_start3A_361 = tpu.memref_squeeze %dma_start3A_360 : memref<1x16x256xi32, #tpu.memory_space<vmem>> -> memref<16x256xi32, #tpu.memory_space<vmem>>
          %dma_start3A_362 = arith.constant 0 : i32
          %dma_start3A_363 = tpu.memref_slice %arg5[%add3A_11, %dma_start3A_362, %multiple_of3A_341] : memref<128x16x2048xi32, #tpu.memory_space<hbm>> -> memref<1x16x256xi32, #tpu.memory_space<hbm>>
          %dma_start3A_364 = tpu.memref_squeeze %dma_start3A_363 : memref<1x16x256xi32, #tpu.memory_space<hbm>> -> memref<16x256xi32, #tpu.memory_space<hbm>>
          %dma_start3A_365 = arith.constant 0 : i32
          %dma_start3A_366 = arith.constant 0 : i32
          %dma_start3A_367 = tpu.memref_slice %arg14[%dma_start3A_357, %dma_start3A_365, %dma_start3A_366] : memref<2x16x256xi32, #tpu.memory_space<vmem>> -> memref<1x16x256xi32, #tpu.memory_space<vmem>>
          %dma_start3A_368 = tpu.memref_squeeze %dma_start3A_367 : memref<1x16x256xi32, #tpu.memory_space<vmem>> -> memref<16x256xi32, #tpu.memory_space<vmem>>
          %dma_start3A_369 = arith.constant 0 : i32
          %dma_start3A_370 = tpu.memref_slice %arg5[%add3A_11, %dma_start3A_369, %multiple_of3A_341] : memref<128x16x2048xi32, #tpu.memory_space<hbm>> -> memref<1x16x256xi32, #tpu.memory_space<hbm>>
          %dma_start3A_371 = tpu.memref_squeeze %dma_start3A_370 : memref<1x16x256xi32, #tpu.memory_space<hbm>> -> memref<16x256xi32, #tpu.memory_space<hbm>>
          tpu.enqueue_dma source(%dma_start3A_371 : memref<16x256xi32, #tpu.memory_space<hbm>>) target(%dma_start3A_368 : memref<16x256xi32, #tpu.memory_space<vmem>>) target_semaphore(%arg21 : memref<!tpu.dma_semaphore, #tpu.memory_space<semaphore_mem>>)
          %dma_start3A_372 = arith.constant 1 : i32
          %dma_start3A_373 = arith.constant 0 : i32
          %dma_start3A_374 = arith.constant 0 : i32
          %dma_start3A_375 = tpu.memref_slice %arg15[%dma_start3A_372, %dma_start3A_373, %dma_start3A_374] : memref<2x16x256xi32, #tpu.memory_space<vmem>> -> memref<1x16x256xi32, #tpu.memory_space<vmem>>
          %dma_start3A_376 = tpu.memref_squeeze %dma_start3A_375 : memref<1x16x256xi32, #tpu.memory_space<vmem>> -> memref<16x256xi32, #tpu.memory_space<vmem>>
          %dma_start3A_377 = arith.constant 0 : i32
          %dma_start3A_378 = tpu.memref_slice %arg6[%add3A_11, %dma_start3A_377, %multiple_of3A_341] : memref<128x16x2048xi32, #tpu.memory_space<hbm>> -> memref<1x16x256xi32, #tpu.memory_space<hbm>>
          %dma_start3A_379 = tpu.memref_squeeze %dma_start3A_378 : memref<1x16x256xi32, #tpu.memory_space<hbm>> -> memref<16x256xi32, #tpu.memory_space<hbm>>
          %dma_start3A_380 = arith.constant 0 : i32
          %dma_start3A_381 = arith.constant 0 : i32
          %dma_start3A_382 = tpu.memref_slice %arg15[%dma_start3A_372, %dma_start3A_380, %dma_start3A_381] : memref<2x16x256xi32, #tpu.memory_space<vmem>> -> memref<1x16x256xi32, #tpu.memory_space<vmem>>
          %dma_start3A_383 = tpu.memref_squeeze %dma_start3A_382 : memref<1x16x256xi32, #tpu.memory_space<vmem>> -> memref<16x256xi32, #tpu.memory_space<vmem>>
          %dma_start3A_384 = arith.constant 0 : i32
          %dma_start3A_385 = tpu.memref_slice %arg6[%add3A_11, %dma_start3A_384, %multiple_of3A_341] : memref<128x16x2048xi32, #tpu.memory_space<hbm>> -> memref<1x16x256xi32, #tpu.memory_space<hbm>>
          %dma_start3A_386 = tpu.memref_squeeze %dma_start3A_385 : memref<1x16x256xi32, #tpu.memory_space<hbm>> -> memref<16x256xi32, #tpu.memory_space<hbm>>
          tpu.enqueue_dma source(%dma_start3A_386 : memref<16x256xi32, #tpu.memory_space<hbm>>) target(%dma_start3A_383 : memref<16x256xi32, #tpu.memory_space<vmem>>) target_semaphore(%arg21 : memref<!tpu.dma_semaphore, #tpu.memory_space<semaphore_mem>>)
          %dma_start3A_387 = arith.constant 1 : i32
          %dma_start3A_388 = arith.constant 0 : i32
          %dma_start3A_389 = arith.constant 0 : i32
          %dma_start3A_390 = tpu.memref_slice %arg16[%dma_start3A_387, %dma_start3A_388, %dma_start3A_389] : memref<2x16x256xi32, #tpu.memory_space<vmem>> -> memref<1x16x256xi32, #tpu.memory_space<vmem>>
          %dma_start3A_391 = tpu.memref_squeeze %dma_start3A_390 : memref<1x16x256xi32, #tpu.memory_space<vmem>> -> memref<16x256xi32, #tpu.memory_space<vmem>>
          %dma_start3A_392 = arith.constant 0 : i32
          %dma_start3A_393 = tpu.memref_slice %arg7[%add3A_11, %dma_start3A_392, %multiple_of3A_341] : memref<128x16x2048xi32, #tpu.memory_space<hbm>> -> memref<1x16x256xi32, #tpu.memory_space<hbm>>
          %dma_start3A_394 = tpu.memref_squeeze %dma_start3A_393 : memref<1x16x256xi32, #tpu.memory_space<hbm>> -> memref<16x256xi32, #tpu.memory_space<hbm>>
          %dma_start3A_395 = arith.constant 0 : i32
          %dma_start3A_396 = arith.constant 0 : i32
          %dma_start3A_397 = tpu.memref_slice %arg16[%dma_start3A_387, %dma_start3A_395, %dma_start3A_396] : memref<2x16x256xi32, #tpu.memory_space<vmem>> -> memref<1x16x256xi32, #tpu.memory_space<vmem>>
          %dma_start3A_398 = tpu.memref_squeeze %dma_start3A_397 : memref<1x16x256xi32, #tpu.memory_space<vmem>> -> memref<16x256xi32, #tpu.memory_space<vmem>>
          %dma_start3A_399 = arith.constant 0 : i32
          %dma_start3A_400 = tpu.memref_slice %arg7[%add3A_11, %dma_start3A_399, %multiple_of3A_341] : memref<128x16x2048xi32, #tpu.memory_space<hbm>> -> memref<1x16x256xi32, #tpu.memory_space<hbm>>
          %dma_start3A_401 = tpu.memref_squeeze %dma_start3A_400 : memref<1x16x256xi32, #tpu.memory_space<hbm>> -> memref<16x256xi32, #tpu.memory_space<hbm>>
          tpu.enqueue_dma source(%dma_start3A_401 : memref<16x256xi32, #tpu.memory_space<hbm>>) target(%dma_start3A_398 : memref<16x256xi32, #tpu.memory_space<vmem>>) target_semaphore(%arg21 : memref<!tpu.dma_semaphore, #tpu.memory_space<semaphore_mem>>)
          %dma_start3A_402 = arith.constant 1 : i32
          %dma_start3A_403 = arith.constant 0 : i32
          %dma_start3A_404 = arith.constant 0 : i32
          %dma_start3A_405 = tpu.memref_slice %arg17[%dma_start3A_402, %dma_start3A_403, %dma_start3A_404] : memref<2x16x256xi32, #tpu.memory_space<vmem>> -> memref<1x16x256xi32, #tpu.memory_space<vmem>>
          %dma_start3A_406 = tpu.memref_squeeze %dma_start3A_405 : memref<1x16x256xi32, #tpu.memory_space<vmem>> -> memref<16x256xi32, #tpu.memory_space<vmem>>
          %dma_start3A_407 = arith.constant 0 : i32
          %dma_start3A_408 = tpu.memref_slice %arg8[%add3A_11, %dma_start3A_407, %multiple_of3A_341] : memref<128x16x2048xi32, #tpu.memory_space<hbm>> -> memref<1x16x256xi32, #tpu.memory_space<hbm>>
          %dma_start3A_409 = tpu.memref_squeeze %dma_start3A_408 : memref<1x16x256xi32, #tpu.memory_space<hbm>> -> memref<16x256xi32, #tpu.memory_space<hbm>>
          %dma_start3A_410 = arith.constant 0 : i32
          %dma_start3A_411 = arith.constant 0 : i32
          %dma_start3A_412 = tpu.memref_slice %arg17[%dma_start3A_402, %dma_start3A_410, %dma_start3A_411] : memref<2x16x256xi32, #tpu.memory_space<vmem>> -> memref<1x16x256xi32, #tpu.memory_space<vmem>>
          %dma_start3A_413 = tpu.memref_squeeze %dma_start3A_412 : memref<1x16x256xi32, #tpu.memory_space<vmem>> -> memref<16x256xi32, #tpu.memory_space<vmem>>
          %dma_start3A_414 = arith.constant 0 : i32
          %dma_start3A_415 = tpu.memref_slice %arg8[%add3A_11, %dma_start3A_414, %multiple_of3A_341] : memref<128x16x2048xi32, #tpu.memory_space<hbm>> -> memref<1x16x256xi32, #tpu.memory_space<hbm>>
          %dma_start3A_416 = tpu.memref_squeeze %dma_start3A_415 : memref<1x16x256xi32, #tpu.memory_space<hbm>> -> memref<16x256xi32, #tpu.memory_space<hbm>>
          tpu.enqueue_dma source(%dma_start3A_416 : memref<16x256xi32, #tpu.memory_space<hbm>>) target(%dma_start3A_413 : memref<16x256xi32, #tpu.memory_space<vmem>>) target_semaphore(%arg21 : memref<!tpu.dma_semaphore, #tpu.memory_space<semaphore_mem>>)
          %dma_start3A_417 = arith.constant 1 : i32
          %dma_start3A_418 = arith.constant 0 : i32
          %dma_start3A_419 = arith.constant 0 : i32
          %dma_start3A_420 = tpu.memref_slice %arg18[%dma_start3A_417, %dma_start3A_418, %dma_start3A_419] : memref<2x16x256xi32, #tpu.memory_space<vmem>> -> memref<1x16x256xi32, #tpu.memory_space<vmem>>
          %dma_start3A_421 = tpu.memref_squeeze %dma_start3A_420 : memref<1x16x256xi32, #tpu.memory_space<vmem>> -> memref<16x256xi32, #tpu.memory_space<vmem>>
          %dma_start3A_422 = arith.constant 0 : i32
          %dma_start3A_423 = tpu.memref_slice %arg9[%add3A_11, %dma_start3A_422, %multiple_of3A_341] : memref<128x16x2048xi32, #tpu.memory_space<hbm>> -> memref<1x16x256xi32, #tpu.memory_space<hbm>>
          %dma_start3A_424 = tpu.memref_squeeze %dma_start3A_423 : memref<1x16x256xi32, #tpu.memory_space<hbm>> -> memref<16x256xi32, #tpu.memory_space<hbm>>
          %dma_start3A_425 = arith.constant 0 : i32
          %dma_start3A_426 = arith.constant 0 : i32
          %dma_start3A_427 = tpu.memref_slice %arg18[%dma_start3A_417, %dma_start3A_425, %dma_start3A_426] : memref<2x16x256xi32, #tpu.memory_space<vmem>> -> memref<1x16x256xi32, #tpu.memory_space<vmem>>
          %dma_start3A_428 = tpu.memref_squeeze %dma_start3A_427 : memref<1x16x256xi32, #tpu.memory_space<vmem>> -> memref<16x256xi32, #tpu.memory_space<vmem>>
          %dma_start3A_429 = arith.constant 0 : i32
          %dma_start3A_430 = tpu.memref_slice %arg9[%add3A_11, %dma_start3A_429, %multiple_of3A_341] : memref<128x16x2048xi32, #tpu.memory_space<hbm>> -> memref<1x16x256xi32, #tpu.memory_space<hbm>>
          %dma_start3A_431 = tpu.memref_squeeze %dma_start3A_430 : memref<1x16x256xi32, #tpu.memory_space<hbm>> -> memref<16x256xi32, #tpu.memory_space<hbm>>
          tpu.enqueue_dma source(%dma_start3A_431 : memref<16x256xi32, #tpu.memory_space<hbm>>) target(%dma_start3A_428 : memref<16x256xi32, #tpu.memory_space<vmem>>) target_semaphore(%arg21 : memref<!tpu.dma_semaphore, #tpu.memory_space<semaphore_mem>>)
        } else {
        }
        %scan3A_215 = arith.constant 0 : i32
        %scan3A_216 = arith.constant 0 : i32
        %scan3A_217 = arith.constant 16 : i32
        %scan3A_218 = arith.addi %scan3A_216, %scan3A_217 : i32
        %scan3A_219 = arith.constant 1 : i32
        %scan3A_220 = scf.for %scan3A_337 = %scan3A_216 to %scan3A_218 step %scan3A_219 iter_args(%scan3A_338 = %scan3A_215) -> (i32)  : i32 {
          %mul3A_339 = arith.constant 16 : i32
          %mul3A_340 = arith.muli %scan3A_337, %mul3A_339 : i32
          %multiple_of3A_341 = tpu.assume_multiple %mul3A_340, 16 : i32
          %broadcast_in_dim3A = arith.constant 0.000000e+00 : f32
          %broadcast_in_dim3A_342 = vector.broadcast %broadcast_in_dim3A : f32 to vector<16xf32>
          %scan3A_343 = arith.constant 0 : i32
          %scan3A_344 = arith.constant 16 : i32
          %scan3A_345 = arith.addi %scan3A_343, %scan3A_344 : i32
          %scan3A_346 = arith.constant 1 : i32
          %scan3A_347:4 = scf.for %scan3A_369 = %scan3A_343 to %scan3A_345 step %scan3A_346 iter_args(%scan3A_370 = %broadcast_in_dim3A_342, %scan3A_371 = %broadcast_in_dim3A_342, %scan3A_372 = %broadcast_in_dim3A_342, %scan3A_373 = %broadcast_in_dim3A_342) -> (vector<16xf32>, vector<16xf32>, vector<16xf32>, vector<16xf32>)  : i32 {
            %get3A = arith.constant 0 : i32
            %get3A_374 = arith.index_cast %get3A : i32 to index
            %get3A_375 = arith.index_cast %scan3A_369 : i32 to index
            %get3A_376 = arith.index_cast %multiple_of3A_341 : i32 to index
            %get3A_377 = tpu.vector_load %arg13[%get3A_374, %get3A_375, %get3A_376] {strides = array<i32>} : memref<2x16x256xi32, #tpu.memory_space<vmem>>, vector<16xi32>,
            %bitcast3A = vector.bitcast %get3A_377 : vector<16xi32> to vector<32xbf16>
            %unpack3A = tpu.unpack_subelements %bitcast3A, 0 {pack_format = #tpu.pack_format<interleaved>} : vector<32xbf16> -> vector<16xf32>
            %unpack3A_378 = tpu.unpack_subelements %bitcast3A, 1 {pack_format = #tpu.pack_format<interleaved>} : vector<32xbf16> -> vector<16xf32>
            %get3A_379 = arith.constant 0 : i32
            %get3A_380 = arith.index_cast %get3A_379 : i32 to index
            %get3A_381 = arith.index_cast %scan3A_369 : i32 to index
            %get3A_382 = arith.index_cast %multiple_of3A_341 : i32 to index
            %get3A_383 = tpu.vector_load %arg14[%get3A_380, %get3A_381, %get3A_382] {strides = array<i32>} : memref<2x16x256xi32, #tpu.memory_space<vmem>>, vector<16xi32>,
            %bitcast3A_384 = vector.bitcast %get3A_383 : vector<16xi32> to vector<32xbf16>
            %unpack3A_385 = tpu.unpack_subelements %bitcast3A_384, 0 {pack_format = #tpu.pack_format<interleaved>} : vector<32xbf16> -> vector<16xf32>
            %unpack3A_386 = tpu.unpack_subelements %bitcast3A_384, 1 {pack_format = #tpu.pack_format<interleaved>} : vector<32xbf16> -> vector<16xf32>
            %get3A_387 = arith.constant 0 : i32
            %get3A_388 = arith.index_cast %get3A_387 : i32 to index
            %get3A_389 = arith.index_cast %scan3A_369 : i32 to index
            %get3A_390 = arith.index_cast %multiple_of3A_341 : i32 to index
            %get3A_391 = tpu.vector_load %arg15[%get3A_388, %get3A_389, %get3A_390] {strides = array<i32>} : memref<2x16x256xi32, #tpu.memory_space<vmem>>, vector<16xi32>,
            %bitcast3A_392 = vector.bitcast %get3A_391 : vector<16xi32> to vector<32xbf16>
            %unpack3A_393 = tpu.unpack_subelements %bitcast3A_392, 0 {pack_format = #tpu.pack_format<interleaved>} : vector<32xbf16> -> vector<16xf32>
            %unpack3A_394 = tpu.unpack_subelements %bitcast3A_392, 1 {pack_format = #tpu.pack_format<interleaved>} : vector<32xbf16> -> vector<16xf32>
            %get3A_395 = arith.constant 0 : i32
            %get3A_396 = arith.index_cast %get3A_395 : i32 to index
            %get3A_397 = arith.index_cast %scan3A_369 : i32 to index
            %get3A_398 = arith.index_cast %multiple_of3A_341 : i32 to index
            %get3A_399 = tpu.vector_load %arg16[%get3A_396, %get3A_397, %get3A_398] {strides = array<i32>} : memref<2x16x256xi32, #tpu.memory_space<vmem>>, vector<16xi32>,
            %get3A_400 = arith.constant 0 : i32
            %get3A_401 = arith.index_cast %get3A_400 : i32 to index
            %get3A_402 = arith.index_cast %scan3A_369 : i32 to index
            %get3A_403 = arith.index_cast %multiple_of3A_341 : i32 to index
            %get3A_404 = tpu.vector_load %arg17[%get3A_401, %get3A_402, %get3A_403] {strides = array<i32>} : memref<2x16x256xi32, #tpu.memory_space<vmem>>, vector<16xi32>,
            %get3A_405 = arith.constant 0 : i32
            %get3A_406 = arith.index_cast %get3A_405 : i32 to index
            %get3A_407 = arith.index_cast %scan3A_369 : i32 to index
            %get3A_408 = arith.index_cast %multiple_of3A_341 : i32 to index
            %get3A_409 = tpu.vector_load %arg18[%get3A_406, %get3A_407, %get3A_408] {strides = array<i32>} : memref<2x16x256xi32, #tpu.memory_space<vmem>>, vector<16xi32>,
            %and3A = arith.constant 65535 : i32
            %and3A_410 = vector.broadcast %and3A : i32 to vector<16xi32>
            %and3A_411 = arith.andi %get3A_399, %and3A_410 : vector<16xi32>
            %shift_right_logical3A = arith.constant 16 : i32
            %shift_right_logical3A_412 = vector.broadcast %shift_right_logical3A : i32 to vector<16xi32>
            %shift_right_logical3A_413 = arith.shrui %get3A_399, %shift_right_logical3A_412 : vector<16xi32>
            %and3A_414 = arith.constant 65535 : i32
            %and3A_415 = vector.broadcast %and3A_414 : i32 to vector<16xi32>
            %and3A_416 = arith.andi %get3A_404, %and3A_415 : vector<16xi32>
            %shift_right_logical3A_417 = arith.constant 16 : i32
            %shift_right_logical3A_418 = vector.broadcast %shift_right_logical3A_417 : i32 to vector<16xi32>
            %shift_right_logical3A_419 = arith.shrui %get3A_404, %shift_right_logical3A_418 : vector<16xi32>
            %and3A_420 = arith.constant 65535 : i32
            %and3A_421 = vector.broadcast %and3A_420 : i32 to vector<16xi32>
            %and3A_422 = arith.andi %get3A_409, %and3A_421 : vector<16xi32>
            %shift_right_logical3A_423 = arith.constant 16 : i32
            %shift_right_logical3A_424 = vector.broadcast %shift_right_logical3A_423 : i32 to vector<16xi32>
            %shift_right_logical3A_425 = arith.shrui %get3A_409, %shift_right_logical3A_424 : vector<16xi32>
            %add3A_426 = arith.addi %and3A_422, %and3A_416 : vector<16xi32>
            %mul3A_427 = arith.mulf %unpack3A_393, %unpack3A_385 : vector<16xf32>
            %add3A_428 = arith.addi %and3A_422, %shift_right_logical3A_419 : vector<16xi32>
            %mul3A_429 = arith.mulf %unpack3A_393, %unpack3A_386 : vector<16xf32>
            %add3A_430 = arith.addi %shift_right_logical3A_425, %and3A_416 : vector<16xi32>
            %mul3A_431 = arith.mulf %unpack3A_394, %unpack3A_385 : vector<16xf32>
            %add3A_432 = arith.addi %shift_right_logical3A_425, %shift_right_logical3A_419 : vector<16xi32>
            %mul3A_433 = arith.mulf %unpack3A_394, %unpack3A_386 : vector<16xf32>
            %add3A_434 = arith.addi %add3A_426, %and3A_411 : vector<16xi32>
            %mul3A_435 = arith.mulf %mul3A_427, %unpack3A : vector<16xf32>
            %gather3A = tpu.vector_load_idx %arg11[%add3A_434] : memref<16384xi32, #tpu.memory_space<vmem>>[vector<16xi32>], vector<16xi32>,
            %bitcast3A_436 = vector.bitcast %gather3A : vector<16xi32> to vector<32xbf16>
            %unpack3A_437 = tpu.unpack_subelements %bitcast3A_436, 0 {pack_format = #tpu.pack_format<interleaved>} : vector<32xbf16> -> vector<16xf32>
            %unpack3A_438 = tpu.unpack_subelements %bitcast3A_436, 1 {pack_format = #tpu.pack_format<interleaved>} : vector<32xbf16> -> vector<16xf32>
            %mul3A_439 = arith.mulf %unpack3A_437, %mul3A_435 : vector<16xf32>
            %add3A_440 = arith.addf %scan3A_370, %mul3A_439 : vector<16xf32>
            %mul3A_441 = arith.mulf %unpack3A_438, %mul3A_435 : vector<16xf32>
            %add3A_442 = arith.addf %scan3A_371, %mul3A_441 : vector<16xf32>
            %gather3A_443 = tpu.vector_load_idx %arg12[%add3A_434] : memref<16384xi32, #tpu.memory_space<vmem>>[vector<16xi32>], vector<16xi32>,
            %bitcast3A_444 = vector.bitcast %gather3A_443 : vector<16xi32> to vector<32xbf16>
            %unpack3A_445 = tpu.unpack_subelements %bitcast3A_444, 0 {pack_format = #tpu.pack_format<interleaved>} : vector<32xbf16> -> vector<16xf32>
            %unpack3A_446 = tpu.unpack_subelements %bitcast3A_444, 1 {pack_format = #tpu.pack_format<interleaved>} : vector<32xbf16> -> vector<16xf32>
            %mul3A_447 = arith.mulf %unpack3A_445, %mul3A_435 : vector<16xf32>
            %add3A_448 = arith.addf %scan3A_372, %mul3A_447 : vector<16xf32>
            %mul3A_449 = arith.mulf %unpack3A_446, %mul3A_435 : vector<16xf32>
            %add3A_450 = arith.addf %scan3A_373, %mul3A_449 : vector<16xf32>
            %add3A_451 = arith.addi %add3A_426, %shift_right_logical3A_413 : vector<16xi32>
            %mul3A_452 = arith.mulf %mul3A_427, %unpack3A_378 : vector<16xf32>
            %gather3A_453 = tpu.vector_load_idx %arg11[%add3A_451] : memref<16384xi32, #tpu.memory_space<vmem>>[vector<16xi32>], vector<16xi32>,
            %bitcast3A_454 = vector.bitcast %gather3A_453 : vector<16xi32> to vector<32xbf16>
            %unpack3A_455 = tpu.unpack_subelements %bitcast3A_454, 0 {pack_format = #tpu.pack_format<interleaved>} : vector<32xbf16> -> vector<16xf32>
            %unpack3A_456 = tpu.unpack_subelements %bitcast3A_454, 1 {pack_format = #tpu.pack_format<interleaved>} : vector<32xbf16> -> vector<16xf32>
            %mul3A_457 = arith.mulf %unpack3A_455, %mul3A_452 : vector<16xf32>
            %add3A_458 = arith.addf %add3A_440, %mul3A_457 : vector<16xf32>
            %mul3A_459 = arith.mulf %unpack3A_456, %mul3A_452 : vector<16xf32>
            %add3A_460 = arith.addf %add3A_442, %mul3A_459 : vector<16xf32>
            %gather3A_461 = tpu.vector_load_idx %arg12[%add3A_451] : memref<16384xi32, #tpu.memory_space<vmem>>[vector<16xi32>], vector<16xi32>,
            %bitcast3A_462 = vector.bitcast %gather3A_461 : vector<16xi32> to vector<32xbf16>
            %unpack3A_463 = tpu.unpack_subelements %bitcast3A_462, 0 {pack_format = #tpu.pack_format<interleaved>} : vector<32xbf16> -> vector<16xf32>
            %unpack3A_464 = tpu.unpack_subelements %bitcast3A_462, 1 {pack_format = #tpu.pack_format<interleaved>} : vector<32xbf16> -> vector<16xf32>
            %mul3A_465 = arith.mulf %unpack3A_463, %mul3A_452 : vector<16xf32>
            %add3A_466 = arith.addf %add3A_448, %mul3A_465 : vector<16xf32>
            %mul3A_467 = arith.mulf %unpack3A_464, %mul3A_452 : vector<16xf32>
            %add3A_468 = arith.addf %add3A_450, %mul3A_467 : vector<16xf32>
            %add3A_469 = arith.addi %add3A_428, %and3A_411 : vector<16xi32>
            %mul3A_470 = arith.mulf %mul3A_429, %unpack3A : vector<16xf32>
            %gather3A_471 = tpu.vector_load_idx %arg11[%add3A_469] : memref<16384xi32, #tpu.memory_space<vmem>>[vector<16xi32>], vector<16xi32>,
            %bitcast3A_472 = vector.bitcast %gather3A_471 : vector<16xi32> to vector<32xbf16>
            %unpack3A_473 = tpu.unpack_subelements %bitcast3A_472, 0 {pack_format = #tpu.pack_format<interleaved>} : vector<32xbf16> -> vector<16xf32>
            %unpack3A_474 = tpu.unpack_subelements %bitcast3A_472, 1 {pack_format = #tpu.pack_format<interleaved>} : vector<32xbf16> -> vector<16xf32>
            %mul3A_475 = arith.mulf %unpack3A_473, %mul3A_470 : vector<16xf32>
            %add3A_476 = arith.addf %add3A_458, %mul3A_475 : vector<16xf32>
            %mul3A_477 = arith.mulf %unpack3A_474, %mul3A_470 : vector<16xf32>
            %add3A_478 = arith.addf %add3A_460, %mul3A_477 : vector<16xf32>
            %gather3A_479 = tpu.vector_load_idx %arg12[%add3A_469] : memref<16384xi32, #tpu.memory_space<vmem>>[vector<16xi32>], vector<16xi32>,
            %bitcast3A_480 = vector.bitcast %gather3A_479 : vector<16xi32> to vector<32xbf16>
            %unpack3A_481 = tpu.unpack_subelements %bitcast3A_480, 0 {pack_format = #tpu.pack_format<interleaved>} : vector<32xbf16> -> vector<16xf32>
            %unpack3A_482 = tpu.unpack_subelements %bitcast3A_480, 1 {pack_format = #tpu.pack_format<interleaved>} : vector<32xbf16> -> vector<16xf32>
            %mul3A_483 = arith.mulf %unpack3A_481, %mul3A_470 : vector<16xf32>
            %add3A_484 = arith.addf %add3A_466, %mul3A_483 : vector<16xf32>
            %mul3A_485 = arith.mulf %unpack3A_482, %mul3A_470 : vector<16xf32>
            %add3A_486 = arith.addf %add3A_468, %mul3A_485 : vector<16xf32>
            %add3A_487 = arith.addi %add3A_428, %shift_right_logical3A_413 : vector<16xi32>
            %mul3A_488 = arith.mulf %mul3A_429, %unpack3A_378 : vector<16xf32>
            %gather3A_489 = tpu.vector_load_idx %arg11[%add3A_487] : memref<16384xi32, #tpu.memory_space<vmem>>[vector<16xi32>], vector<16xi32>,
            %bitcast3A_490 = vector.bitcast %gather3A_489 : vector<16xi32> to vector<32xbf16>
            %unpack3A_491 = tpu.unpack_subelements %bitcast3A_490, 0 {pack_format = #tpu.pack_format<interleaved>} : vector<32xbf16> -> vector<16xf32>
            %unpack3A_492 = tpu.unpack_subelements %bitcast3A_490, 1 {pack_format = #tpu.pack_format<interleaved>} : vector<32xbf16> -> vector<16xf32>
            %mul3A_493 = arith.mulf %unpack3A_491, %mul3A_488 : vector<16xf32>
            %add3A_494 = arith.addf %add3A_476, %mul3A_493 : vector<16xf32>
            %mul3A_495 = arith.mulf %unpack3A_492, %mul3A_488 : vector<16xf32>
            %add3A_496 = arith.addf %add3A_478, %mul3A_495 : vector<16xf32>
            %gather3A_497 = tpu.vector_load_idx %arg12[%add3A_487] : memref<16384xi32, #tpu.memory_space<vmem>>[vector<16xi32>], vector<16xi32>,
            %bitcast3A_498 = vector.bitcast %gather3A_497 : vector<16xi32> to vector<32xbf16>
            %unpack3A_499 = tpu.unpack_subelements %bitcast3A_498, 0 {pack_format = #tpu.pack_format<interleaved>} : vector<32xbf16> -> vector<16xf32>
            %unpack3A_500 = tpu.unpack_subelements %bitcast3A_498, 1 {pack_format = #tpu.pack_format<interleaved>} : vector<32xbf16> -> vector<16xf32>
            %mul3A_501 = arith.mulf %unpack3A_499, %mul3A_488 : vector<16xf32>
            %add3A_502 = arith.addf %add3A_484, %mul3A_501 : vector<16xf32>
            %mul3A_503 = arith.mulf %unpack3A_500, %mul3A_488 : vector<16xf32>
            %add3A_504 = arith.addf %add3A_486, %mul3A_503 : vector<16xf32>
            %add3A_505 = arith.addi %add3A_430, %and3A_411 : vector<16xi32>
            %mul3A_506 = arith.mulf %mul3A_431, %unpack3A : vector<16xf32>
            %gather3A_507 = tpu.vector_load_idx %arg11[%add3A_505] : memref<16384xi32, #tpu.memory_space<vmem>>[vector<16xi32>], vector<16xi32>,
            %bitcast3A_508 = vector.bitcast %gather3A_507 : vector<16xi32> to vector<32xbf16>
            %unpack3A_509 = tpu.unpack_subelements %bitcast3A_508, 0 {pack_format = #tpu.pack_format<interleaved>} : vector<32xbf16> -> vector<16xf32>
            %unpack3A_510 = tpu.unpack_subelements %bitcast3A_508, 1 {pack_format = #tpu.pack_format<interleaved>} : vector<32xbf16> -> vector<16xf32>
            %mul3A_511 = arith.mulf %unpack3A_509, %mul3A_506 : vector<16xf32>
            %add3A_512 = arith.addf %add3A_494, %mul3A_511 : vector<16xf32>
            %mul3A_513 = arith.mulf %unpack3A_510, %mul3A_506 : vector<16xf32>
            %add3A_514 = arith.addf %add3A_496, %mul3A_513 : vector<16xf32>
            %gather3A_515 = tpu.vector_load_idx %arg12[%add3A_505] : memref<16384xi32, #tpu.memory_space<vmem>>[vector<16xi32>], vector<16xi32>,
            %bitcast3A_516 = vector.bitcast %gather3A_515 : vector<16xi32> to vector<32xbf16>
            %unpack3A_517 = tpu.unpack_subelements %bitcast3A_516, 0 {pack_format = #tpu.pack_format<interleaved>} : vector<32xbf16> -> vector<16xf32>
            %unpack3A_518 = tpu.unpack_subelements %bitcast3A_516, 1 {pack_format = #tpu.pack_format<interleaved>} : vector<32xbf16> -> vector<16xf32>
            %mul3A_519 = arith.mulf %unpack3A_517, %mul3A_506 : vector<16xf32>
            %add3A_520 = arith.addf %add3A_502, %mul3A_519 : vector<16xf32>
            %mul3A_521 = arith.mulf %unpack3A_518, %mul3A_506 : vector<16xf32>
            %add3A_522 = arith.addf %add3A_504, %mul3A_521 : vector<16xf32>
            %add3A_523 = arith.addi %add3A_430, %shift_right_logical3A_413 : vector<16xi32>
            %mul3A_524 = arith.mulf %mul3A_431, %unpack3A_378 : vector<16xf32>
            %gather3A_525 = tpu.vector_load_idx %arg11[%add3A_523] : memref<16384xi32, #tpu.memory_space<vmem>>[vector<16xi32>], vector<16xi32>,
            %bitcast3A_526 = vector.bitcast %gather3A_525 : vector<16xi32> to vector<32xbf16>
            %unpack3A_527 = tpu.unpack_subelements %bitcast3A_526, 0 {pack_format = #tpu.pack_format<interleaved>} : vector<32xbf16> -> vector<16xf32>
            %unpack3A_528 = tpu.unpack_subelements %bitcast3A_526, 1 {pack_format = #tpu.pack_format<interleaved>} : vector<32xbf16> -> vector<16xf32>
            %mul3A_529 = arith.mulf %unpack3A_527, %mul3A_524 : vector<16xf32>
            %add3A_530 = arith.addf %add3A_512, %mul3A_529 : vector<16xf32>
            %mul3A_531 = arith.mulf %unpack3A_528, %mul3A_524 : vector<16xf32>
            %add3A_532 = arith.addf %add3A_514, %mul3A_531 : vector<16xf32>
            %gather3A_533 = tpu.vector_load_idx %arg12[%add3A_523] : memref<16384xi32, #tpu.memory_space<vmem>>[vector<16xi32>], vector<16xi32>,
            %bitcast3A_534 = vector.bitcast %gather3A_533 : vector<16xi32> to vector<32xbf16>
            %unpack3A_535 = tpu.unpack_subelements %bitcast3A_534, 0 {pack_format = #tpu.pack_format<interleaved>} : vector<32xbf16> -> vector<16xf32>
            %unpack3A_536 = tpu.unpack_subelements %bitcast3A_534, 1 {pack_format = #tpu.pack_format<interleaved>} : vector<32xbf16> -> vector<16xf32>
            %mul3A_537 = arith.mulf %unpack3A_535, %mul3A_524 : vector<16xf32>
            %add3A_538 = arith.addf %add3A_520, %mul3A_537 : vector<16xf32>
            %mul3A_539 = arith.mulf %unpack3A_536, %mul3A_524 : vector<16xf32>
            %add3A_540 = arith.addf %add3A_522, %mul3A_539 : vector<16xf32>
            %add3A_541 = arith.addi %add3A_432, %and3A_411 : vector<16xi32>
            %mul3A_542 = arith.mulf %mul3A_433, %unpack3A : vector<16xf32>
            %gather3A_543 = tpu.vector_load_idx %arg11[%add3A_541] : memref<16384xi32, #tpu.memory_space<vmem>>[vector<16xi32>], vector<16xi32>,
            %bitcast3A_544 = vector.bitcast %gather3A_543 : vector<16xi32> to vector<32xbf16>
            %unpack3A_545 = tpu.unpack_subelements %bitcast3A_544, 0 {pack_format = #tpu.pack_format<interleaved>} : vector<32xbf16> -> vector<16xf32>
            %unpack3A_546 = tpu.unpack_subelements %bitcast3A_544, 1 {pack_format = #tpu.pack_format<interleaved>} : vector<32xbf16> -> vector<16xf32>
            %mul3A_547 = arith.mulf %unpack3A_545, %mul3A_542 : vector<16xf32>
            %add3A_548 = arith.addf %add3A_530, %mul3A_547 : vector<16xf32>
            %mul3A_549 = arith.mulf %unpack3A_546, %mul3A_542 : vector<16xf32>
            %add3A_550 = arith.addf %add3A_532, %mul3A_549 : vector<16xf32>
            %gather3A_551 = tpu.vector_load_idx %arg12[%add3A_541] : memref<16384xi32, #tpu.memory_space<vmem>>[vector<16xi32>], vector<16xi32>,
            %bitcast3A_552 = vector.bitcast %gather3A_551 : vector<16xi32> to vector<32xbf16>
            %unpack3A_553 = tpu.unpack_subelements %bitcast3A_552, 0 {pack_format = #tpu.pack_format<interleaved>} : vector<32xbf16> -> vector<16xf32>
            %unpack3A_554 = tpu.unpack_subelements %bitcast3A_552, 1 {pack_format = #tpu.pack_format<interleaved>} : vector<32xbf16> -> vector<16xf32>
            %mul3A_555 = arith.mulf %unpack3A_553, %mul3A_542 : vector<16xf32>
            %add3A_556 = arith.addf %add3A_538, %mul3A_555 : vector<16xf32>
            %mul3A_557 = arith.mulf %unpack3A_554, %mul3A_542 : vector<16xf32>
            %add3A_558 = arith.addf %add3A_540, %mul3A_557 : vector<16xf32>
            %add3A_559 = arith.addi %add3A_432, %shift_right_logical3A_413 : vector<16xi32>
            %mul3A_560 = arith.mulf %mul3A_433, %unpack3A_378 : vector<16xf32>
            %gather3A_561 = tpu.vector_load_idx %arg11[%add3A_559] : memref<16384xi32, #tpu.memory_space<vmem>>[vector<16xi32>], vector<16xi32>,
            %bitcast3A_562 = vector.bitcast %gather3A_561 : vector<16xi32> to vector<32xbf16>
            %unpack3A_563 = tpu.unpack_subelements %bitcast3A_562, 0 {pack_format = #tpu.pack_format<interleaved>} : vector<32xbf16> -> vector<16xf32>
            %unpack3A_564 = tpu.unpack_subelements %bitcast3A_562, 1 {pack_format = #tpu.pack_format<interleaved>} : vector<32xbf16> -> vector<16xf32>
            %mul3A_565 = arith.mulf %unpack3A_563, %mul3A_560 : vector<16xf32>
            %add3A_566 = arith.addf %add3A_548, %mul3A_565 : vector<16xf32>
            %mul3A_567 = arith.mulf %unpack3A_564, %mul3A_560 : vector<16xf32>
            %add3A_568 = arith.addf %add3A_550, %mul3A_567 : vector<16xf32>
            %gather3A_569 = tpu.vector_load_idx %arg12[%add3A_559] : memref<16384xi32, #tpu.memory_space<vmem>>[vector<16xi32>], vector<16xi32>,
            %bitcast3A_570 = vector.bitcast %gather3A_569 : vector<16xi32> to vector<32xbf16>
            %unpack3A_571 = tpu.unpack_subelements %bitcast3A_570, 0 {pack_format = #tpu.pack_format<interleaved>} : vector<32xbf16> -> vector<16xf32>
            %unpack3A_572 = tpu.unpack_subelements %bitcast3A_570, 1 {pack_format = #tpu.pack_format<interleaved>} : vector<32xbf16> -> vector<16xf32>
            %mul3A_573 = arith.mulf %unpack3A_571, %mul3A_560 : vector<16xf32>
            %add3A_574 = arith.addf %add3A_556, %mul3A_573 : vector<16xf32>
            %mul3A_575 = arith.mulf %unpack3A_572, %mul3A_560 : vector<16xf32>
            %add3A_576 = arith.addf %add3A_558, %mul3A_575 : vector<16xf32>
            scf.yield %add3A_566, %add3A_568, %add3A_574, %add3A_576 : vector<16xf32>, vector<16xf32>, vector<16xf32>, vector<16xf32>
          }
          %scan3A_348 = arith.constant 16 : i32
          %add3A_349 = arith.addi %multiple_of3A_118, %multiple_of3A_341 : i32
          %swap3A = arith.constant 0 : i32
          %swap3A_350 = arith.index_cast %swap3A : i32 to index
          %swap3A_351 = arith.index_cast %add3A_349 : i32 to index
          %swap3A_352 = tpu.vector_load %arg19[%swap3A_350, %swap3A_351] {strides = array<i32>} : memref<4x2048xf32, #tpu.memory_space<vmem>>, vector<16xf32>,
          tpu.vector_store %arg19[%swap3A_350, %swap3A_351], %scan3A_347#0 {strides = array<i32>} : memref<4x2048xf32, #tpu.memory_space<vmem>>, vector<16xf32>,
          %add3A_353 = arith.addi %multiple_of3A_118, %multiple_of3A_341 : i32
          %swap3A_354 = arith.constant 1 : i32
          %swap3A_355 = arith.index_cast %swap3A_354 : i32 to index
          %swap3A_356 = arith.index_cast %add3A_353 : i32 to index
          %swap3A_357 = tpu.vector_load %arg19[%swap3A_355, %swap3A_356] {strides = array<i32>} : memref<4x2048xf32, #tpu.memory_space<vmem>>, vector<16xf32>,
          tpu.vector_store %arg19[%swap3A_355, %swap3A_356], %scan3A_347#1 {strides = array<i32>} : memref<4x2048xf32, #tpu.memory_space<vmem>>, vector<16xf32>,
          %add3A_358 = arith.addi %multiple_of3A_118, %multiple_of3A_341 : i32
          %swap3A_359 = arith.constant 2 : i32
          %swap3A_360 = arith.index_cast %swap3A_359 : i32 to index
          %swap3A_361 = arith.index_cast %add3A_358 : i32 to index
          %swap3A_362 = tpu.vector_load %arg19[%swap3A_360, %swap3A_361] {strides = array<i32>} : memref<4x2048xf32, #tpu.memory_space<vmem>>, vector<16xf32>,
          tpu.vector_store %arg19[%swap3A_360, %swap3A_361], %scan3A_347#2 {strides = array<i32>} : memref<4x2048xf32, #tpu.memory_space<vmem>>, vector<16xf32>,
          %add3A_363 = arith.addi %multiple_of3A_118, %multiple_of3A_341 : i32
          %swap3A_364 = arith.constant 3 : i32
          %swap3A_365 = arith.index_cast %swap3A_364 : i32 to index
          %swap3A_366 = arith.index_cast %add3A_363 : i32 to index
          %swap3A_367 = tpu.vector_load %arg19[%swap3A_365, %swap3A_366] {strides = array<i32>} : memref<4x2048xf32, #tpu.memory_space<vmem>>, vector<16xf32>,
          tpu.vector_store %arg19[%swap3A_365, %swap3A_366], %scan3A_347#3 {strides = array<i32>} : memref<4x2048xf32, #tpu.memory_space<vmem>>, vector<16xf32>,
          %scan3A_368 = arith.constant 0 : i32
          scf.yield %scan3A_368 : i32
        }
        %scan3A_221 = arith.constant 16 : i32
        %mul3A_222 = arith.constant 2 : i32
        %mul3A_223 = arith.muli %scan3A_110, %mul3A_222 : i32
        %add3A_224 = arith.constant 1 : i32
        %add3A_225 = arith.addi %mul3A_223, %add3A_224 : i32
        %mul3A_226 = arith.constant 256 : i32
        %mul3A_227 = arith.muli %add3A_225, %mul3A_226 : i32
        %multiple_of3A_228 = tpu.assume_multiple %mul3A_227, 256 : i32
        %mul3A_229 = arith.constant 256 : i32
        %mul3A_230 = arith.muli %add3A_225, %mul3A_229 : i32
        %multiple_of3A_231 = tpu.assume_multiple %mul3A_230, 256 : i32
        %dma_wait3A_232 = arith.constant 1 : i32
        %dma_wait3A_233 = arith.constant 0 : i32
        %dma_wait3A_234 = arith.constant 0 : i32
        %dma_wait3A_235 = tpu.memref_slice %arg13[%dma_wait3A_232, %dma_wait3A_233, %dma_wait3A_234] : memref<2x16x256xi32, #tpu.memory_space<vmem>> -> memref<1x16x256xi32, #tpu.memory_space<vmem>>
        %dma_wait3A_236 = tpu.memref_squeeze %dma_wait3A_235 : memref<1x16x256xi32, #tpu.memory_space<vmem>> -> memref<16x256xi32, #tpu.memory_space<vmem>>
        %dma_wait3A_237 = arith.constant 0 : i32
        %dma_wait3A_238 = tpu.memref_slice %arg4[%add3A_11, %dma_wait3A_237, %multiple_of3A_231] : memref<128x16x2048xi32, #tpu.memory_space<hbm>> -> memref<1x16x256xi32, #tpu.memory_space<hbm>>
        %dma_wait3A_239 = tpu.memref_squeeze %dma_wait3A_238 : memref<1x16x256xi32, #tpu.memory_space<hbm>> -> memref<16x256xi32, #tpu.memory_space<hbm>>
        %dma_wait3A_240 = arith.constant 0 : i32
        %dma_wait3A_241 = arith.constant 0 : i32
        %dma_wait3A_242 = tpu.memref_slice %arg13[%dma_wait3A_232, %dma_wait3A_240, %dma_wait3A_241] : memref<2x16x256xi32, #tpu.memory_space<vmem>> -> memref<1x16x256xi32, #tpu.memory_space<vmem>>
        %dma_wait3A_243 = tpu.memref_squeeze %dma_wait3A_242 : memref<1x16x256xi32, #tpu.memory_space<vmem>> -> memref<16x256xi32, #tpu.memory_space<vmem>>
        %dma_wait3A_244 = arith.constant 0 : i32
        %dma_wait3A_245 = tpu.memref_slice %arg4[%add3A_11, %dma_wait3A_244, %multiple_of3A_231] : memref<128x16x2048xi32, #tpu.memory_space<hbm>> -> memref<1x16x256xi32, #tpu.memory_space<hbm>>
        %dma_wait3A_246 = tpu.memref_squeeze %dma_wait3A_245 : memref<1x16x256xi32, #tpu.memory_space<hbm>> -> memref<16x256xi32, #tpu.memory_space<hbm>>
        tpu.wait_dma2 semaphore(%arg21 : memref<!tpu.dma_semaphore, #tpu.memory_space<semaphore_mem>>) src(%dma_wait3A_246 : memref<16x256xi32, #tpu.memory_space<hbm>>) dst(%dma_wait3A_243 : memref<16x256xi32, #tpu.memory_space<vmem>>)
        %dma_wait3A_247 = arith.constant 1 : i32
        %dma_wait3A_248 = arith.constant 0 : i32
        %dma_wait3A_249 = arith.constant 0 : i32
        %dma_wait3A_250 = tpu.memref_slice %arg14[%dma_wait3A_247, %dma_wait3A_248, %dma_wait3A_249] : memref<2x16x256xi32, #tpu.memory_space<vmem>> -> memref<1x16x256xi32, #tpu.memory_space<vmem>>
        %dma_wait3A_251 = tpu.memref_squeeze %dma_wait3A_250 : memref<1x16x256xi32, #tpu.memory_space<vmem>> -> memref<16x256xi32, #tpu.memory_space<vmem>>
        %dma_wait3A_252 = arith.constant 0 : i32
        %dma_wait3A_253 = tpu.memref_slice %arg5[%add3A_11, %dma_wait3A_252, %multiple_of3A_231] : memref<128x16x2048xi32, #tpu.memory_space<hbm>> -> memref<1x16x256xi32, #tpu.memory_space<hbm>>
        %dma_wait3A_254 = tpu.memref_squeeze %dma_wait3A_253 : memref<1x16x256xi32, #tpu.memory_space<hbm>> -> memref<16x256xi32, #tpu.memory_space<hbm>>
        %dma_wait3A_255 = arith.constant 0 : i32
        %dma_wait3A_256 = arith.constant 0 : i32
        %dma_wait3A_257 = tpu.memref_slice %arg14[%dma_wait3A_247, %dma_wait3A_255, %dma_wait3A_256] : memref<2x16x256xi32, #tpu.memory_space<vmem>> -> memref<1x16x256xi32, #tpu.memory_space<vmem>>
        %dma_wait3A_258 = tpu.memref_squeeze %dma_wait3A_257 : memref<1x16x256xi32, #tpu.memory_space<vmem>> -> memref<16x256xi32, #tpu.memory_space<vmem>>
        %dma_wait3A_259 = arith.constant 0 : i32
        %dma_wait3A_260 = tpu.memref_slice %arg5[%add3A_11, %dma_wait3A_259, %multiple_of3A_231] : memref<128x16x2048xi32, #tpu.memory_space<hbm>> -> memref<1x16x256xi32, #tpu.memory_space<hbm>>
        %dma_wait3A_261 = tpu.memref_squeeze %dma_wait3A_260 : memref<1x16x256xi32, #tpu.memory_space<hbm>> -> memref<16x256xi32, #tpu.memory_space<hbm>>
        tpu.wait_dma2 semaphore(%arg21 : memref<!tpu.dma_semaphore, #tpu.memory_space<semaphore_mem>>) src(%dma_wait3A_261 : memref<16x256xi32, #tpu.memory_space<hbm>>) dst(%dma_wait3A_258 : memref<16x256xi32, #tpu.memory_space<vmem>>)
        %dma_wait3A_262 = arith.constant 1 : i32
        %dma_wait3A_263 = arith.constant 0 : i32
        %dma_wait3A_264 = arith.constant 0 : i32
        %dma_wait3A_265 = tpu.memref_slice %arg15[%dma_wait3A_262, %dma_wait3A_263, %dma_wait3A_264] : memref<2x16x256xi32, #tpu.memory_space<vmem>> -> memref<1x16x256xi32, #tpu.memory_space<vmem>>
        %dma_wait3A_266 = tpu.memref_squeeze %dma_wait3A_265 : memref<1x16x256xi32, #tpu.memory_space<vmem>> -> memref<16x256xi32, #tpu.memory_space<vmem>>
        %dma_wait3A_267 = arith.constant 0 : i32
        %dma_wait3A_268 = tpu.memref_slice %arg6[%add3A_11, %dma_wait3A_267, %multiple_of3A_231] : memref<128x16x2048xi32, #tpu.memory_space<hbm>> -> memref<1x16x256xi32, #tpu.memory_space<hbm>>
        %dma_wait3A_269 = tpu.memref_squeeze %dma_wait3A_268 : memref<1x16x256xi32, #tpu.memory_space<hbm>> -> memref<16x256xi32, #tpu.memory_space<hbm>>
        %dma_wait3A_270 = arith.constant 0 : i32
        %dma_wait3A_271 = arith.constant 0 : i32
        %dma_wait3A_272 = tpu.memref_slice %arg15[%dma_wait3A_262, %dma_wait3A_270, %dma_wait3A_271] : memref<2x16x256xi32, #tpu.memory_space<vmem>> -> memref<1x16x256xi32, #tpu.memory_space<vmem>>
        %dma_wait3A_273 = tpu.memref_squeeze %dma_wait3A_272 : memref<1x16x256xi32, #tpu.memory_space<vmem>> -> memref<16x256xi32, #tpu.memory_space<vmem>>
        %dma_wait3A_274 = arith.constant 0 : i32
        %dma_wait3A_275 = tpu.memref_slice %arg6[%add3A_11, %dma_wait3A_274, %multiple_of3A_231] : memref<128x16x2048xi32, #tpu.memory_space<hbm>> -> memref<1x16x256xi32, #tpu.memory_space<hbm>>
        %dma_wait3A_276 = tpu.memref_squeeze %dma_wait3A_275 : memref<1x16x256xi32, #tpu.memory_space<hbm>> -> memref<16x256xi32, #tpu.memory_space<hbm>>
        tpu.wait_dma2 semaphore(%arg21 : memref<!tpu.dma_semaphore, #tpu.memory_space<semaphore_mem>>) src(%dma_wait3A_276 : memref<16x256xi32, #tpu.memory_space<hbm>>) dst(%dma_wait3A_273 : memref<16x256xi32, #tpu.memory_space<vmem>>)
        %dma_wait3A_277 = arith.constant 1 : i32
        %dma_wait3A_278 = arith.constant 0 : i32
        %dma_wait3A_279 = arith.constant 0 : i32
        %dma_wait3A_280 = tpu.memref_slice %arg16[%dma_wait3A_277, %dma_wait3A_278, %dma_wait3A_279] : memref<2x16x256xi32, #tpu.memory_space<vmem>> -> memref<1x16x256xi32, #tpu.memory_space<vmem>>
        %dma_wait3A_281 = tpu.memref_squeeze %dma_wait3A_280 : memref<1x16x256xi32, #tpu.memory_space<vmem>> -> memref<16x256xi32, #tpu.memory_space<vmem>>
        %dma_wait3A_282 = arith.constant 0 : i32
        %dma_wait3A_283 = tpu.memref_slice %arg7[%add3A_11, %dma_wait3A_282, %multiple_of3A_231] : memref<128x16x2048xi32, #tpu.memory_space<hbm>> -> memref<1x16x256xi32, #tpu.memory_space<hbm>>
        %dma_wait3A_284 = tpu.memref_squeeze %dma_wait3A_283 : memref<1x16x256xi32, #tpu.memory_space<hbm>> -> memref<16x256xi32, #tpu.memory_space<hbm>>
        %dma_wait3A_285 = arith.constant 0 : i32
        %dma_wait3A_286 = arith.constant 0 : i32
        %dma_wait3A_287 = tpu.memref_slice %arg16[%dma_wait3A_277, %dma_wait3A_285, %dma_wait3A_286] : memref<2x16x256xi32, #tpu.memory_space<vmem>> -> memref<1x16x256xi32, #tpu.memory_space<vmem>>
        %dma_wait3A_288 = tpu.memref_squeeze %dma_wait3A_287 : memref<1x16x256xi32, #tpu.memory_space<vmem>> -> memref<16x256xi32, #tpu.memory_space<vmem>>
        %dma_wait3A_289 = arith.constant 0 : i32
        %dma_wait3A_290 = tpu.memref_slice %arg7[%add3A_11, %dma_wait3A_289, %multiple_of3A_231] : memref<128x16x2048xi32, #tpu.memory_space<hbm>> -> memref<1x16x256xi32, #tpu.memory_space<hbm>>
        %dma_wait3A_291 = tpu.memref_squeeze %dma_wait3A_290 : memref<1x16x256xi32, #tpu.memory_space<hbm>> -> memref<16x256xi32, #tpu.memory_space<hbm>>
        tpu.wait_dma2 semaphore(%arg21 : memref<!tpu.dma_semaphore, #tpu.memory_space<semaphore_mem>>) src(%dma_wait3A_291 : memref<16x256xi32, #tpu.memory_space<hbm>>) dst(%dma_wait3A_288 : memref<16x256xi32, #tpu.memory_space<vmem>>)
        %dma_wait3A_292 = arith.constant 1 : i32
        %dma_wait3A_293 = arith.constant 0 : i32
        %dma_wait3A_294 = arith.constant 0 : i32
        %dma_wait3A_295 = tpu.memref_slice %arg17[%dma_wait3A_292, %dma_wait3A_293, %dma_wait3A_294] : memref<2x16x256xi32, #tpu.memory_space<vmem>> -> memref<1x16x256xi32, #tpu.memory_space<vmem>>
        %dma_wait3A_296 = tpu.memref_squeeze %dma_wait3A_295 : memref<1x16x256xi32, #tpu.memory_space<vmem>> -> memref<16x256xi32, #tpu.memory_space<vmem>>
        %dma_wait3A_297 = arith.constant 0 : i32
        %dma_wait3A_298 = tpu.memref_slice %arg8[%add3A_11, %dma_wait3A_297, %multiple_of3A_231] : memref<128x16x2048xi32, #tpu.memory_space<hbm>> -> memref<1x16x256xi32, #tpu.memory_space<hbm>>
        %dma_wait3A_299 = tpu.memref_squeeze %dma_wait3A_298 : memref<1x16x256xi32, #tpu.memory_space<hbm>> -> memref<16x256xi32, #tpu.memory_space<hbm>>
        %dma_wait3A_300 = arith.constant 0 : i32
        %dma_wait3A_301 = arith.constant 0 : i32
        %dma_wait3A_302 = tpu.memref_slice %arg17[%dma_wait3A_292, %dma_wait3A_300, %dma_wait3A_301] : memref<2x16x256xi32, #tpu.memory_space<vmem>> -> memref<1x16x256xi32, #tpu.memory_space<vmem>>
        %dma_wait3A_303 = tpu.memref_squeeze %dma_wait3A_302 : memref<1x16x256xi32, #tpu.memory_space<vmem>> -> memref<16x256xi32, #tpu.memory_space<vmem>>
        %dma_wait3A_304 = arith.constant 0 : i32
        %dma_wait3A_305 = tpu.memref_slice %arg8[%add3A_11, %dma_wait3A_304, %multiple_of3A_231] : memref<128x16x2048xi32, #tpu.memory_space<hbm>> -> memref<1x16x256xi32, #tpu.memory_space<hbm>>
        %dma_wait3A_306 = tpu.memref_squeeze %dma_wait3A_305 : memref<1x16x256xi32, #tpu.memory_space<hbm>> -> memref<16x256xi32, #tpu.memory_space<hbm>>
        tpu.wait_dma2 semaphore(%arg21 : memref<!tpu.dma_semaphore, #tpu.memory_space<semaphore_mem>>) src(%dma_wait3A_306 : memref<16x256xi32, #tpu.memory_space<hbm>>) dst(%dma_wait3A_303 : memref<16x256xi32, #tpu.memory_space<vmem>>)
        %dma_wait3A_307 = arith.constant 1 : i32
        %dma_wait3A_308 = arith.constant 0 : i32
        %dma_wait3A_309 = arith.constant 0 : i32
        %dma_wait3A_310 = tpu.memref_slice %arg18[%dma_wait3A_307, %dma_wait3A_308, %dma_wait3A_309] : memref<2x16x256xi32, #tpu.memory_space<vmem>> -> memref<1x16x256xi32, #tpu.memory_space<vmem>>
        %dma_wait3A_311 = tpu.memref_squeeze %dma_wait3A_310 : memref<1x16x256xi32, #tpu.memory_space<vmem>> -> memref<16x256xi32, #tpu.memory_space<vmem>>
        %dma_wait3A_312 = arith.constant 0 : i32
        %dma_wait3A_313 = tpu.memref_slice %arg9[%add3A_11, %dma_wait3A_312, %multiple_of3A_231] : memref<128x16x2048xi32, #tpu.memory_space<hbm>> -> memref<1x16x256xi32, #tpu.memory_space<hbm>>
        %dma_wait3A_314 = tpu.memref_squeeze %dma_wait3A_313 : memref<1x16x256xi32, #tpu.memory_space<hbm>> -> memref<16x256xi32, #tpu.memory_space<hbm>>
        %dma_wait3A_315 = arith.constant 0 : i32
        %dma_wait3A_316 = arith.constant 0 : i32
        %dma_wait3A_317 = tpu.memref_slice %arg18[%dma_wait3A_307, %dma_wait3A_315, %dma_wait3A_316] : memref<2x16x256xi32, #tpu.memory_space<vmem>> -> memref<1x16x256xi32, #tpu.memory_space<vmem>>
        %dma_wait3A_318 = tpu.memref_squeeze %dma_wait3A_317 : memref<1x16x256xi32, #tpu.memory_space<vmem>> -> memref<16x256xi32, #tpu.memory_space<vmem>>
        %dma_wait3A_319 = arith.constant 0 : i32
        %dma_wait3A_320 = tpu.memref_slice %arg9[%add3A_11, %dma_wait3A_319, %multiple_of3A_231] : memref<128x16x2048xi32, #tpu.memory_space<hbm>> -> memref<1x16x256xi32, #tpu.memory_space<hbm>>
        %dma_wait3A_321 = tpu.memref_squeeze %dma_wait3A_320 : memref<1x16x256xi32, #tpu.memory_space<hbm>> -> memref<16x256xi32, #tpu.memory_space<hbm>>
        tpu.wait_dma2 semaphore(%arg21 : memref<!tpu.dma_semaphore, #tpu.memory_space<semaphore_mem>>) src(%dma_wait3A_321 : memref<16x256xi32, #tpu.memory_space<hbm>>) dst(%dma_wait3A_318 : memref<16x256xi32, #tpu.memory_space<vmem>>)
        %add3A_322 = arith.constant 1 : i32
        %add3A_323 = arith.addi %add3A_225, %add3A_322 : i32
        %lt3A_324 = arith.constant 8 : i32
        %lt3A_325 = arith.cmpi slt, %add3A_323, %lt3A_324 : i32
        %convert_element_type3A_326 = arith.extui %lt3A_325 : i1 to i32
        %cond3A_327 = arith.constant 0 : i32
        %cond3A_328 = arith.cmpi ne, %convert_element_type3A_326, %cond3A_327 : i32
        scf.if %cond3A_328 {
          %add3A_337 = arith.constant 1 : i32
          %add3A_338 = arith.addi %add3A_225, %add3A_337 : i32
          %mul3A_339 = arith.constant 256 : i32
          %mul3A_340 = arith.muli %add3A_338, %mul3A_339 : i32
          %multiple_of3A_341 = tpu.assume_multiple %mul3A_340, 256 : i32
          %dma_start3A_342 = arith.constant 0 : i32
          %dma_start3A_343 = arith.constant 0 : i32
          %dma_start3A_344 = arith.constant 0 : i32
          %dma_start3A_345 = tpu.memref_slice %arg13[%dma_start3A_342, %dma_start3A_343, %dma_start3A_344] : memref<2x16x256xi32, #tpu.memory_space<vmem>> -> memref<1x16x256xi32, #tpu.memory_space<vmem>>
          %dma_start3A_346 = tpu.memref_squeeze %dma_start3A_345 : memref<1x16x256xi32, #tpu.memory_space<vmem>> -> memref<16x256xi32, #tpu.memory_space<vmem>>
          %dma_start3A_347 = arith.constant 0 : i32
          %dma_start3A_348 = tpu.memref_slice %arg4[%add3A_11, %dma_start3A_347, %multiple_of3A_341] : memref<128x16x2048xi32, #tpu.memory_space<hbm>> -> memref<1x16x256xi32, #tpu.memory_space<hbm>>
          %dma_start3A_349 = tpu.memref_squeeze %dma_start3A_348 : memref<1x16x256xi32, #tpu.memory_space<hbm>> -> memref<16x256xi32, #tpu.memory_space<hbm>>
          %dma_start3A_350 = arith.constant 0 : i32
          %dma_start3A_351 = arith.constant 0 : i32
          %dma_start3A_352 = tpu.memref_slice %arg13[%dma_start3A_342, %dma_start3A_350, %dma_start3A_351] : memref<2x16x256xi32, #tpu.memory_space<vmem>> -> memref<1x16x256xi32, #tpu.memory_space<vmem>>
          %dma_start3A_353 = tpu.memref_squeeze %dma_start3A_352 : memref<1x16x256xi32, #tpu.memory_space<vmem>> -> memref<16x256xi32, #tpu.memory_space<vmem>>
          %dma_start3A_354 = arith.constant 0 : i32
          %dma_start3A_355 = tpu.memref_slice %arg4[%add3A_11, %dma_start3A_354, %multiple_of3A_341] : memref<128x16x2048xi32, #tpu.memory_space<hbm>> -> memref<1x16x256xi32, #tpu.memory_space<hbm>>
          %dma_start3A_356 = tpu.memref_squeeze %dma_start3A_355 : memref<1x16x256xi32, #tpu.memory_space<hbm>> -> memref<16x256xi32, #tpu.memory_space<hbm>>
          tpu.enqueue_dma source(%dma_start3A_356 : memref<16x256xi32, #tpu.memory_space<hbm>>) target(%dma_start3A_353 : memref<16x256xi32, #tpu.memory_space<vmem>>) target_semaphore(%arg20 : memref<!tpu.dma_semaphore, #tpu.memory_space<semaphore_mem>>)
          %dma_start3A_357 = arith.constant 0 : i32
          %dma_start3A_358 = arith.constant 0 : i32
          %dma_start3A_359 = arith.constant 0 : i32
          %dma_start3A_360 = tpu.memref_slice %arg14[%dma_start3A_357, %dma_start3A_358, %dma_start3A_359] : memref<2x16x256xi32, #tpu.memory_space<vmem>> -> memref<1x16x256xi32, #tpu.memory_space<vmem>>
          %dma_start3A_361 = tpu.memref_squeeze %dma_start3A_360 : memref<1x16x256xi32, #tpu.memory_space<vmem>> -> memref<16x256xi32, #tpu.memory_space<vmem>>
          %dma_start3A_362 = arith.constant 0 : i32
          %dma_start3A_363 = tpu.memref_slice %arg5[%add3A_11, %dma_start3A_362, %multiple_of3A_341] : memref<128x16x2048xi32, #tpu.memory_space<hbm>> -> memref<1x16x256xi32, #tpu.memory_space<hbm>>
          %dma_start3A_364 = tpu.memref_squeeze %dma_start3A_363 : memref<1x16x256xi32, #tpu.memory_space<hbm>> -> memref<16x256xi32, #tpu.memory_space<hbm>>
          %dma_start3A_365 = arith.constant 0 : i32
          %dma_start3A_366 = arith.constant 0 : i32
          %dma_start3A_367 = tpu.memref_slice %arg14[%dma_start3A_357, %dma_start3A_365, %dma_start3A_366] : memref<2x16x256xi32, #tpu.memory_space<vmem>> -> memref<1x16x256xi32, #tpu.memory_space<vmem>>
          %dma_start3A_368 = tpu.memref_squeeze %dma_start3A_367 : memref<1x16x256xi32, #tpu.memory_space<vmem>> -> memref<16x256xi32, #tpu.memory_space<vmem>>
          %dma_start3A_369 = arith.constant 0 : i32
          %dma_start3A_370 = tpu.memref_slice %arg5[%add3A_11, %dma_start3A_369, %multiple_of3A_341] : memref<128x16x2048xi32, #tpu.memory_space<hbm>> -> memref<1x16x256xi32, #tpu.memory_space<hbm>>
          %dma_start3A_371 = tpu.memref_squeeze %dma_start3A_370 : memref<1x16x256xi32, #tpu.memory_space<hbm>> -> memref<16x256xi32, #tpu.memory_space<hbm>>
          tpu.enqueue_dma source(%dma_start3A_371 : memref<16x256xi32, #tpu.memory_space<hbm>>) target(%dma_start3A_368 : memref<16x256xi32, #tpu.memory_space<vmem>>) target_semaphore(%arg20 : memref<!tpu.dma_semaphore, #tpu.memory_space<semaphore_mem>>)
          %dma_start3A_372 = arith.constant 0 : i32
          %dma_start3A_373 = arith.constant 0 : i32
          %dma_start3A_374 = arith.constant 0 : i32
          %dma_start3A_375 = tpu.memref_slice %arg15[%dma_start3A_372, %dma_start3A_373, %dma_start3A_374] : memref<2x16x256xi32, #tpu.memory_space<vmem>> -> memref<1x16x256xi32, #tpu.memory_space<vmem>>
          %dma_start3A_376 = tpu.memref_squeeze %dma_start3A_375 : memref<1x16x256xi32, #tpu.memory_space<vmem>> -> memref<16x256xi32, #tpu.memory_space<vmem>>
          %dma_start3A_377 = arith.constant 0 : i32
          %dma_start3A_378 = tpu.memref_slice %arg6[%add3A_11, %dma_start3A_377, %multiple_of3A_341] : memref<128x16x2048xi32, #tpu.memory_space<hbm>> -> memref<1x16x256xi32, #tpu.memory_space<hbm>>
          %dma_start3A_379 = tpu.memref_squeeze %dma_start3A_378 : memref<1x16x256xi32, #tpu.memory_space<hbm>> -> memref<16x256xi32, #tpu.memory_space<hbm>>
          %dma_start3A_380 = arith.constant 0 : i32
          %dma_start3A_381 = arith.constant 0 : i32
          %dma_start3A_382 = tpu.memref_slice %arg15[%dma_start3A_372, %dma_start3A_380, %dma_start3A_381] : memref<2x16x256xi32, #tpu.memory_space<vmem>> -> memref<1x16x256xi32, #tpu.memory_space<vmem>>
          %dma_start3A_383 = tpu.memref_squeeze %dma_start3A_382 : memref<1x16x256xi32, #tpu.memory_space<vmem>> -> memref<16x256xi32, #tpu.memory_space<vmem>>
          %dma_start3A_384 = arith.constant 0 : i32
          %dma_start3A_385 = tpu.memref_slice %arg6[%add3A_11, %dma_start3A_384, %multiple_of3A_341] : memref<128x16x2048xi32, #tpu.memory_space<hbm>> -> memref<1x16x256xi32, #tpu.memory_space<hbm>>
          %dma_start3A_386 = tpu.memref_squeeze %dma_start3A_385 : memref<1x16x256xi32, #tpu.memory_space<hbm>> -> memref<16x256xi32, #tpu.memory_space<hbm>>
          tpu.enqueue_dma source(%dma_start3A_386 : memref<16x256xi32, #tpu.memory_space<hbm>>) target(%dma_start3A_383 : memref<16x256xi32, #tpu.memory_space<vmem>>) target_semaphore(%arg20 : memref<!tpu.dma_semaphore, #tpu.memory_space<semaphore_mem>>)
          %dma_start3A_387 = arith.constant 0 : i32
          %dma_start3A_388 = arith.constant 0 : i32
          %dma_start3A_389 = arith.constant 0 : i32
          %dma_start3A_390 = tpu.memref_slice %arg16[%dma_start3A_387, %dma_start3A_388, %dma_start3A_389] : memref<2x16x256xi32, #tpu.memory_space<vmem>> -> memref<1x16x256xi32, #tpu.memory_space<vmem>>
          %dma_start3A_391 = tpu.memref_squeeze %dma_start3A_390 : memref<1x16x256xi32, #tpu.memory_space<vmem>> -> memref<16x256xi32, #tpu.memory_space<vmem>>
          %dma_start3A_392 = arith.constant 0 : i32
          %dma_start3A_393 = tpu.memref_slice %arg7[%add3A_11, %dma_start3A_392, %multiple_of3A_341] : memref<128x16x2048xi32, #tpu.memory_space<hbm>> -> memref<1x16x256xi32, #tpu.memory_space<hbm>>
          %dma_start3A_394 = tpu.memref_squeeze %dma_start3A_393 : memref<1x16x256xi32, #tpu.memory_space<hbm>> -> memref<16x256xi32, #tpu.memory_space<hbm>>
          %dma_start3A_395 = arith.constant 0 : i32
          %dma_start3A_396 = arith.constant 0 : i32
          %dma_start3A_397 = tpu.memref_slice %arg16[%dma_start3A_387, %dma_start3A_395, %dma_start3A_396] : memref<2x16x256xi32, #tpu.memory_space<vmem>> -> memref<1x16x256xi32, #tpu.memory_space<vmem>>
          %dma_start3A_398 = tpu.memref_squeeze %dma_start3A_397 : memref<1x16x256xi32, #tpu.memory_space<vmem>> -> memref<16x256xi32, #tpu.memory_space<vmem>>
          %dma_start3A_399 = arith.constant 0 : i32
          %dma_start3A_400 = tpu.memref_slice %arg7[%add3A_11, %dma_start3A_399, %multiple_of3A_341] : memref<128x16x2048xi32, #tpu.memory_space<hbm>> -> memref<1x16x256xi32, #tpu.memory_space<hbm>>
          %dma_start3A_401 = tpu.memref_squeeze %dma_start3A_400 : memref<1x16x256xi32, #tpu.memory_space<hbm>> -> memref<16x256xi32, #tpu.memory_space<hbm>>
          tpu.enqueue_dma source(%dma_start3A_401 : memref<16x256xi32, #tpu.memory_space<hbm>>) target(%dma_start3A_398 : memref<16x256xi32, #tpu.memory_space<vmem>>) target_semaphore(%arg20 : memref<!tpu.dma_semaphore, #tpu.memory_space<semaphore_mem>>)
          %dma_start3A_402 = arith.constant 0 : i32
          %dma_start3A_403 = arith.constant 0 : i32
          %dma_start3A_404 = arith.constant 0 : i32
          %dma_start3A_405 = tpu.memref_slice %arg17[%dma_start3A_402, %dma_start3A_403, %dma_start3A_404] : memref<2x16x256xi32, #tpu.memory_space<vmem>> -> memref<1x16x256xi32, #tpu.memory_space<vmem>>
          %dma_start3A_406 = tpu.memref_squeeze %dma_start3A_405 : memref<1x16x256xi32, #tpu.memory_space<vmem>> -> memref<16x256xi32, #tpu.memory_space<vmem>>
          %dma_start3A_407 = arith.constant 0 : i32
          %dma_start3A_408 = tpu.memref_slice %arg8[%add3A_11, %dma_start3A_407, %multiple_of3A_341] : memref<128x16x2048xi32, #tpu.memory_space<hbm>> -> memref<1x16x256xi32, #tpu.memory_space<hbm>>
          %dma_start3A_409 = tpu.memref_squeeze %dma_start3A_408 : memref<1x16x256xi32, #tpu.memory_space<hbm>> -> memref<16x256xi32, #tpu.memory_space<hbm>>
          %dma_start3A_410 = arith.constant 0 : i32
          %dma_start3A_411 = arith.constant 0 : i32
          %dma_start3A_412 = tpu.memref_slice %arg17[%dma_start3A_402, %dma_start3A_410, %dma_start3A_411] : memref<2x16x256xi32, #tpu.memory_space<vmem>> -> memref<1x16x256xi32, #tpu.memory_space<vmem>>
          %dma_start3A_413 = tpu.memref_squeeze %dma_start3A_412 : memref<1x16x256xi32, #tpu.memory_space<vmem>> -> memref<16x256xi32, #tpu.memory_space<vmem>>
          %dma_start3A_414 = arith.constant 0 : i32
          %dma_start3A_415 = tpu.memref_slice %arg8[%add3A_11, %dma_start3A_414, %multiple_of3A_341] : memref<128x16x2048xi32, #tpu.memory_space<hbm>> -> memref<1x16x256xi32, #tpu.memory_space<hbm>>
          %dma_start3A_416 = tpu.memref_squeeze %dma_start3A_415 : memref<1x16x256xi32, #tpu.memory_space<hbm>> -> memref<16x256xi32, #tpu.memory_space<hbm>>
          tpu.enqueue_dma source(%dma_start3A_416 : memref<16x256xi32, #tpu.memory_space<hbm>>) target(%dma_start3A_413 : memref<16x256xi32, #tpu.memory_space<vmem>>) target_semaphore(%arg20 : memref<!tpu.dma_semaphore, #tpu.memory_space<semaphore_mem>>)
          %dma_start3A_417 = arith.constant 0 : i32
          %dma_start3A_418 = arith.constant 0 : i32
          %dma_start3A_419 = arith.constant 0 : i32
          %dma_start3A_420 = tpu.memref_slice %arg18[%dma_start3A_417, %dma_start3A_418, %dma_start3A_419] : memref<2x16x256xi32, #tpu.memory_space<vmem>> -> memref<1x16x256xi32, #tpu.memory_space<vmem>>
          %dma_start3A_421 = tpu.memref_squeeze %dma_start3A_420 : memref<1x16x256xi32, #tpu.memory_space<vmem>> -> memref<16x256xi32, #tpu.memory_space<vmem>>
          %dma_start3A_422 = arith.constant 0 : i32
          %dma_start3A_423 = tpu.memref_slice %arg9[%add3A_11, %dma_start3A_422, %multiple_of3A_341] : memref<128x16x2048xi32, #tpu.memory_space<hbm>> -> memref<1x16x256xi32, #tpu.memory_space<hbm>>
          %dma_start3A_424 = tpu.memref_squeeze %dma_start3A_423 : memref<1x16x256xi32, #tpu.memory_space<hbm>> -> memref<16x256xi32, #tpu.memory_space<hbm>>
          %dma_start3A_425 = arith.constant 0 : i32
          %dma_start3A_426 = arith.constant 0 : i32
          %dma_start3A_427 = tpu.memref_slice %arg18[%dma_start3A_417, %dma_start3A_425, %dma_start3A_426] : memref<2x16x256xi32, #tpu.memory_space<vmem>> -> memref<1x16x256xi32, #tpu.memory_space<vmem>>
          %dma_start3A_428 = tpu.memref_squeeze %dma_start3A_427 : memref<1x16x256xi32, #tpu.memory_space<vmem>> -> memref<16x256xi32, #tpu.memory_space<vmem>>
          %dma_start3A_429 = arith.constant 0 : i32
          %dma_start3A_430 = tpu.memref_slice %arg9[%add3A_11, %dma_start3A_429, %multiple_of3A_341] : memref<128x16x2048xi32, #tpu.memory_space<hbm>> -> memref<1x16x256xi32, #tpu.memory_space<hbm>>
          %dma_start3A_431 = tpu.memref_squeeze %dma_start3A_430 : memref<1x16x256xi32, #tpu.memory_space<hbm>> -> memref<16x256xi32, #tpu.memory_space<hbm>>
          tpu.enqueue_dma source(%dma_start3A_431 : memref<16x256xi32, #tpu.memory_space<hbm>>) target(%dma_start3A_428 : memref<16x256xi32, #tpu.memory_space<vmem>>) target_semaphore(%arg20 : memref<!tpu.dma_semaphore, #tpu.memory_space<semaphore_mem>>)
        } else {
        }
        %scan3A_329 = arith.constant 0 : i32
        %scan3A_330 = arith.constant 0 : i32
        %scan3A_331 = arith.constant 16 : i32
        %scan3A_332 = arith.addi %scan3A_330, %scan3A_331 : i32
        %scan3A_333 = arith.constant 1 : i32
        %scan3A_334 = scf.for %scan3A_337 = %scan3A_330 to %scan3A_332 step %scan3A_333 iter_args(%scan3A_338 = %scan3A_329) -> (i32)  : i32 {
          %mul3A_339 = arith.constant 16 : i32
          %mul3A_340 = arith.muli %scan3A_337, %mul3A_339 : i32
          %multiple_of3A_341 = tpu.assume_multiple %mul3A_340, 16 : i32
          %broadcast_in_dim3A = arith.constant 0.000000e+00 : f32
          %broadcast_in_dim3A_342 = vector.broadcast %broadcast_in_dim3A : f32 to vector<16xf32>
          %scan3A_343 = arith.constant 0 : i32
          %scan3A_344 = arith.constant 16 : i32
          %scan3A_345 = arith.addi %scan3A_343, %scan3A_344 : i32
          %scan3A_346 = arith.constant 1 : i32
          %scan3A_347:4 = scf.for %scan3A_369 = %scan3A_343 to %scan3A_345 step %scan3A_346 iter_args(%scan3A_370 = %broadcast_in_dim3A_342, %scan3A_371 = %broadcast_in_dim3A_342, %scan3A_372 = %broadcast_in_dim3A_342, %scan3A_373 = %broadcast_in_dim3A_342) -> (vector<16xf32>, vector<16xf32>, vector<16xf32>, vector<16xf32>)  : i32 {
            %get3A = arith.constant 1 : i32
            %get3A_374 = arith.index_cast %get3A : i32 to index
            %get3A_375 = arith.index_cast %scan3A_369 : i32 to index
            %get3A_376 = arith.index_cast %multiple_of3A_341 : i32 to index
            %get3A_377 = tpu.vector_load %arg13[%get3A_374, %get3A_375, %get3A_376] {strides = array<i32>} : memref<2x16x256xi32, #tpu.memory_space<vmem>>, vector<16xi32>,
            %bitcast3A = vector.bitcast %get3A_377 : vector<16xi32> to vector<32xbf16>
            %unpack3A = tpu.unpack_subelements %bitcast3A, 0 {pack_format = #tpu.pack_format<interleaved>} : vector<32xbf16> -> vector<16xf32>
            %unpack3A_378 = tpu.unpack_subelements %bitcast3A, 1 {pack_format = #tpu.pack_format<interleaved>} : vector<32xbf16> -> vector<16xf32>
            %get3A_379 = arith.constant 1 : i32
            %get3A_380 = arith.index_cast %get3A_379 : i32 to index
            %get3A_381 = arith.index_cast %scan3A_369 : i32 to index
            %get3A_382 = arith.index_cast %multiple_of3A_341 : i32 to index
            %get3A_383 = tpu.vector_load %arg14[%get3A_380, %get3A_381, %get3A_382] {strides = array<i32>} : memref<2x16x256xi32, #tpu.memory_space<vmem>>, vector<16xi32>,
            %bitcast3A_384 = vector.bitcast %get3A_383 : vector<16xi32> to vector<32xbf16>
            %unpack3A_385 = tpu.unpack_subelements %bitcast3A_384, 0 {pack_format = #tpu.pack_format<interleaved>} : vector<32xbf16> -> vector<16xf32>
            %unpack3A_386 = tpu.unpack_subelements %bitcast3A_384, 1 {pack_format = #tpu.pack_format<interleaved>} : vector<32xbf16> -> vector<16xf32>
            %get3A_387 = arith.constant 1 : i32
            %get3A_388 = arith.index_cast %get3A_387 : i32 to index
            %get3A_389 = arith.index_cast %scan3A_369 : i32 to index
            %get3A_390 = arith.index_cast %multiple_of3A_341 : i32 to index
            %get3A_391 = tpu.vector_load %arg15[%get3A_388, %get3A_389, %get3A_390] {strides = array<i32>} : memref<2x16x256xi32, #tpu.memory_space<vmem>>, vector<16xi32>,
            %bitcast3A_392 = vector.bitcast %get3A_391 : vector<16xi32> to vector<32xbf16>
            %unpack3A_393 = tpu.unpack_subelements %bitcast3A_392, 0 {pack_format = #tpu.pack_format<interleaved>} : vector<32xbf16> -> vector<16xf32>
            %unpack3A_394 = tpu.unpack_subelements %bitcast3A_392, 1 {pack_format = #tpu.pack_format<interleaved>} : vector<32xbf16> -> vector<16xf32>
            %get3A_395 = arith.constant 1 : i32
            %get3A_396 = arith.index_cast %get3A_395 : i32 to index
            %get3A_397 = arith.index_cast %scan3A_369 : i32 to index
            %get3A_398 = arith.index_cast %multiple_of3A_341 : i32 to index
            %get3A_399 = tpu.vector_load %arg16[%get3A_396, %get3A_397, %get3A_398] {strides = array<i32>} : memref<2x16x256xi32, #tpu.memory_space<vmem>>, vector<16xi32>,
            %get3A_400 = arith.constant 1 : i32
            %get3A_401 = arith.index_cast %get3A_400 : i32 to index
            %get3A_402 = arith.index_cast %scan3A_369 : i32 to index
            %get3A_403 = arith.index_cast %multiple_of3A_341 : i32 to index
            %get3A_404 = tpu.vector_load %arg17[%get3A_401, %get3A_402, %get3A_403] {strides = array<i32>} : memref<2x16x256xi32, #tpu.memory_space<vmem>>, vector<16xi32>,
            %get3A_405 = arith.constant 1 : i32
            %get3A_406 = arith.index_cast %get3A_405 : i32 to index
            %get3A_407 = arith.index_cast %scan3A_369 : i32 to index
            %get3A_408 = arith.index_cast %multiple_of3A_341 : i32 to index
            %get3A_409 = tpu.vector_load %arg18[%get3A_406, %get3A_407, %get3A_408] {strides = array<i32>} : memref<2x16x256xi32, #tpu.memory_space<vmem>>, vector<16xi32>,
            %and3A = arith.constant 65535 : i32
            %and3A_410 = vector.broadcast %and3A : i32 to vector<16xi32>
            %and3A_411 = arith.andi %get3A_399, %and3A_410 : vector<16xi32>
            %shift_right_logical3A = arith.constant 16 : i32
            %shift_right_logical3A_412 = vector.broadcast %shift_right_logical3A : i32 to vector<16xi32>
            %shift_right_logical3A_413 = arith.shrui %get3A_399, %shift_right_logical3A_412 : vector<16xi32>
            %and3A_414 = arith.constant 65535 : i32
            %and3A_415 = vector.broadcast %and3A_414 : i32 to vector<16xi32>
            %and3A_416 = arith.andi %get3A_404, %and3A_415 : vector<16xi32>
            %shift_right_logical3A_417 = arith.constant 16 : i32
            %shift_right_logical3A_418 = vector.broadcast %shift_right_logical3A_417 : i32 to vector<16xi32>
            %shift_right_logical3A_419 = arith.shrui %get3A_404, %shift_right_logical3A_418 : vector<16xi32>
            %and3A_420 = arith.constant 65535 : i32
            %and3A_421 = vector.broadcast %and3A_420 : i32 to vector<16xi32>
            %and3A_422 = arith.andi %get3A_409, %and3A_421 : vector<16xi32>
            %shift_right_logical3A_423 = arith.constant 16 : i32
            %shift_right_logical3A_424 = vector.broadcast %shift_right_logical3A_423 : i32 to vector<16xi32>
            %shift_right_logical3A_425 = arith.shrui %get3A_409, %shift_right_logical3A_424 : vector<16xi32>
            %add3A_426 = arith.addi %and3A_422, %and3A_416 : vector<16xi32>
            %mul3A_427 = arith.mulf %unpack3A_393, %unpack3A_385 : vector<16xf32>
            %add3A_428 = arith.addi %and3A_422, %shift_right_logical3A_419 : vector<16xi32>
            %mul3A_429 = arith.mulf %unpack3A_393, %unpack3A_386 : vector<16xf32>
            %add3A_430 = arith.addi %shift_right_logical3A_425, %and3A_416 : vector<16xi32>
            %mul3A_431 = arith.mulf %unpack3A_394, %unpack3A_385 : vector<16xf32>
            %add3A_432 = arith.addi %shift_right_logical3A_425, %shift_right_logical3A_419 : vector<16xi32>
            %mul3A_433 = arith.mulf %unpack3A_394, %unpack3A_386 : vector<16xf32>
            %add3A_434 = arith.addi %add3A_426, %and3A_411 : vector<16xi32>
            %mul3A_435 = arith.mulf %mul3A_427, %unpack3A : vector<16xf32>
            %gather3A = tpu.vector_load_idx %arg11[%add3A_434] : memref<16384xi32, #tpu.memory_space<vmem>>[vector<16xi32>], vector<16xi32>,
            %bitcast3A_436 = vector.bitcast %gather3A : vector<16xi32> to vector<32xbf16>
            %unpack3A_437 = tpu.unpack_subelements %bitcast3A_436, 0 {pack_format = #tpu.pack_format<interleaved>} : vector<32xbf16> -> vector<16xf32>
            %unpack3A_438 = tpu.unpack_subelements %bitcast3A_436, 1 {pack_format = #tpu.pack_format<interleaved>} : vector<32xbf16> -> vector<16xf32>
            %mul3A_439 = arith.mulf %unpack3A_437, %mul3A_435 : vector<16xf32>
            %add3A_440 = arith.addf %scan3A_370, %mul3A_439 : vector<16xf32>
            %mul3A_441 = arith.mulf %unpack3A_438, %mul3A_435 : vector<16xf32>
            %add3A_442 = arith.addf %scan3A_371, %mul3A_441 : vector<16xf32>
            %gather3A_443 = tpu.vector_load_idx %arg12[%add3A_434] : memref<16384xi32, #tpu.memory_space<vmem>>[vector<16xi32>], vector<16xi32>,
            %bitcast3A_444 = vector.bitcast %gather3A_443 : vector<16xi32> to vector<32xbf16>
            %unpack3A_445 = tpu.unpack_subelements %bitcast3A_444, 0 {pack_format = #tpu.pack_format<interleaved>} : vector<32xbf16> -> vector<16xf32>
            %unpack3A_446 = tpu.unpack_subelements %bitcast3A_444, 1 {pack_format = #tpu.pack_format<interleaved>} : vector<32xbf16> -> vector<16xf32>
            %mul3A_447 = arith.mulf %unpack3A_445, %mul3A_435 : vector<16xf32>
            %add3A_448 = arith.addf %scan3A_372, %mul3A_447 : vector<16xf32>
            %mul3A_449 = arith.mulf %unpack3A_446, %mul3A_435 : vector<16xf32>
            %add3A_450 = arith.addf %scan3A_373, %mul3A_449 : vector<16xf32>
            %add3A_451 = arith.addi %add3A_426, %shift_right_logical3A_413 : vector<16xi32>
            %mul3A_452 = arith.mulf %mul3A_427, %unpack3A_378 : vector<16xf32>
            %gather3A_453 = tpu.vector_load_idx %arg11[%add3A_451] : memref<16384xi32, #tpu.memory_space<vmem>>[vector<16xi32>], vector<16xi32>,
            %bitcast3A_454 = vector.bitcast %gather3A_453 : vector<16xi32> to vector<32xbf16>
            %unpack3A_455 = tpu.unpack_subelements %bitcast3A_454, 0 {pack_format = #tpu.pack_format<interleaved>} : vector<32xbf16> -> vector<16xf32>
            %unpack3A_456 = tpu.unpack_subelements %bitcast3A_454, 1 {pack_format = #tpu.pack_format<interleaved>} : vector<32xbf16> -> vector<16xf32>
            %mul3A_457 = arith.mulf %unpack3A_455, %mul3A_452 : vector<16xf32>
            %add3A_458 = arith.addf %add3A_440, %mul3A_457 : vector<16xf32>
            %mul3A_459 = arith.mulf %unpack3A_456, %mul3A_452 : vector<16xf32>
            %add3A_460 = arith.addf %add3A_442, %mul3A_459 : vector<16xf32>
            %gather3A_461 = tpu.vector_load_idx %arg12[%add3A_451] : memref<16384xi32, #tpu.memory_space<vmem>>[vector<16xi32>], vector<16xi32>,
            %bitcast3A_462 = vector.bitcast %gather3A_461 : vector<16xi32> to vector<32xbf16>
            %unpack3A_463 = tpu.unpack_subelements %bitcast3A_462, 0 {pack_format = #tpu.pack_format<interleaved>} : vector<32xbf16> -> vector<16xf32>
            %unpack3A_464 = tpu.unpack_subelements %bitcast3A_462, 1 {pack_format = #tpu.pack_format<interleaved>} : vector<32xbf16> -> vector<16xf32>
            %mul3A_465 = arith.mulf %unpack3A_463, %mul3A_452 : vector<16xf32>
            %add3A_466 = arith.addf %add3A_448, %mul3A_465 : vector<16xf32>
            %mul3A_467 = arith.mulf %unpack3A_464, %mul3A_452 : vector<16xf32>
            %add3A_468 = arith.addf %add3A_450, %mul3A_467 : vector<16xf32>
            %add3A_469 = arith.addi %add3A_428, %and3A_411 : vector<16xi32>
            %mul3A_470 = arith.mulf %mul3A_429, %unpack3A : vector<16xf32>
            %gather3A_471 = tpu.vector_load_idx %arg11[%add3A_469] : memref<16384xi32, #tpu.memory_space<vmem>>[vector<16xi32>], vector<16xi32>,
            %bitcast3A_472 = vector.bitcast %gather3A_471 : vector<16xi32> to vector<32xbf16>
            %unpack3A_473 = tpu.unpack_subelements %bitcast3A_472, 0 {pack_format = #tpu.pack_format<interleaved>} : vector<32xbf16> -> vector<16xf32>
            %unpack3A_474 = tpu.unpack_subelements %bitcast3A_472, 1 {pack_format = #tpu.pack_format<interleaved>} : vector<32xbf16> -> vector<16xf32>
            %mul3A_475 = arith.mulf %unpack3A_473, %mul3A_470 : vector<16xf32>
            %add3A_476 = arith.addf %add3A_458, %mul3A_475 : vector<16xf32>
            %mul3A_477 = arith.mulf %unpack3A_474, %mul3A_470 : vector<16xf32>
            %add3A_478 = arith.addf %add3A_460, %mul3A_477 : vector<16xf32>
            %gather3A_479 = tpu.vector_load_idx %arg12[%add3A_469] : memref<16384xi32, #tpu.memory_space<vmem>>[vector<16xi32>], vector<16xi32>,
            %bitcast3A_480 = vector.bitcast %gather3A_479 : vector<16xi32> to vector<32xbf16>
            %unpack3A_481 = tpu.unpack_subelements %bitcast3A_480, 0 {pack_format = #tpu.pack_format<interleaved>} : vector<32xbf16> -> vector<16xf32>
            %unpack3A_482 = tpu.unpack_subelements %bitcast3A_480, 1 {pack_format = #tpu.pack_format<interleaved>} : vector<32xbf16> -> vector<16xf32>
            %mul3A_483 = arith.mulf %unpack3A_481, %mul3A_470 : vector<16xf32>
            %add3A_484 = arith.addf %add3A_466, %mul3A_483 : vector<16xf32>
            %mul3A_485 = arith.mulf %unpack3A_482, %mul3A_470 : vector<16xf32>
            %add3A_486 = arith.addf %add3A_468, %mul3A_485 : vector<16xf32>
            %add3A_487 = arith.addi %add3A_428, %shift_right_logical3A_413 : vector<16xi32>
            %mul3A_488 = arith.mulf %mul3A_429, %unpack3A_378 : vector<16xf32>
            %gather3A_489 = tpu.vector_load_idx %arg11[%add3A_487] : memref<16384xi32, #tpu.memory_space<vmem>>[vector<16xi32>], vector<16xi32>,
            %bitcast3A_490 = vector.bitcast %gather3A_489 : vector<16xi32> to vector<32xbf16>
            %unpack3A_491 = tpu.unpack_subelements %bitcast3A_490, 0 {pack_format = #tpu.pack_format<interleaved>} : vector<32xbf16> -> vector<16xf32>
            %unpack3A_492 = tpu.unpack_subelements %bitcast3A_490, 1 {pack_format = #tpu.pack_format<interleaved>} : vector<32xbf16> -> vector<16xf32>
            %mul3A_493 = arith.mulf %unpack3A_491, %mul3A_488 : vector<16xf32>
            %add3A_494 = arith.addf %add3A_476, %mul3A_493 : vector<16xf32>
            %mul3A_495 = arith.mulf %unpack3A_492, %mul3A_488 : vector<16xf32>
            %add3A_496 = arith.addf %add3A_478, %mul3A_495 : vector<16xf32>
            %gather3A_497 = tpu.vector_load_idx %arg12[%add3A_487] : memref<16384xi32, #tpu.memory_space<vmem>>[vector<16xi32>], vector<16xi32>,
            %bitcast3A_498 = vector.bitcast %gather3A_497 : vector<16xi32> to vector<32xbf16>
            %unpack3A_499 = tpu.unpack_subelements %bitcast3A_498, 0 {pack_format = #tpu.pack_format<interleaved>} : vector<32xbf16> -> vector<16xf32>
            %unpack3A_500 = tpu.unpack_subelements %bitcast3A_498, 1 {pack_format = #tpu.pack_format<interleaved>} : vector<32xbf16> -> vector<16xf32>
            %mul3A_501 = arith.mulf %unpack3A_499, %mul3A_488 : vector<16xf32>
            %add3A_502 = arith.addf %add3A_484, %mul3A_501 : vector<16xf32>
            %mul3A_503 = arith.mulf %unpack3A_500, %mul3A_488 : vector<16xf32>
            %add3A_504 = arith.addf %add3A_486, %mul3A_503 : vector<16xf32>
            %add3A_505 = arith.addi %add3A_430, %and3A_411 : vector<16xi32>
            %mul3A_506 = arith.mulf %mul3A_431, %unpack3A : vector<16xf32>
            %gather3A_507 = tpu.vector_load_idx %arg11[%add3A_505] : memref<16384xi32, #tpu.memory_space<vmem>>[vector<16xi32>], vector<16xi32>,
            %bitcast3A_508 = vector.bitcast %gather3A_507 : vector<16xi32> to vector<32xbf16>
            %unpack3A_509 = tpu.unpack_subelements %bitcast3A_508, 0 {pack_format = #tpu.pack_format<interleaved>} : vector<32xbf16> -> vector<16xf32>
            %unpack3A_510 = tpu.unpack_subelements %bitcast3A_508, 1 {pack_format = #tpu.pack_format<interleaved>} : vector<32xbf16> -> vector<16xf32>
            %mul3A_511 = arith.mulf %unpack3A_509, %mul3A_506 : vector<16xf32>
            %add3A_512 = arith.addf %add3A_494, %mul3A_511 : vector<16xf32>
            %mul3A_513 = arith.mulf %unpack3A_510, %mul3A_506 : vector<16xf32>
            %add3A_514 = arith.addf %add3A_496, %mul3A_513 : vector<16xf32>
            %gather3A_515 = tpu.vector_load_idx %arg12[%add3A_505] : memref<16384xi32, #tpu.memory_space<vmem>>[vector<16xi32>], vector<16xi32>,
            %bitcast3A_516 = vector.bitcast %gather3A_515 : vector<16xi32> to vector<32xbf16>
            %unpack3A_517 = tpu.unpack_subelements %bitcast3A_516, 0 {pack_format = #tpu.pack_format<interleaved>} : vector<32xbf16> -> vector<16xf32>
            %unpack3A_518 = tpu.unpack_subelements %bitcast3A_516, 1 {pack_format = #tpu.pack_format<interleaved>} : vector<32xbf16> -> vector<16xf32>
            %mul3A_519 = arith.mulf %unpack3A_517, %mul3A_506 : vector<16xf32>
            %add3A_520 = arith.addf %add3A_502, %mul3A_519 : vector<16xf32>
            %mul3A_521 = arith.mulf %unpack3A_518, %mul3A_506 : vector<16xf32>
            %add3A_522 = arith.addf %add3A_504, %mul3A_521 : vector<16xf32>
            %add3A_523 = arith.addi %add3A_430, %shift_right_logical3A_413 : vector<16xi32>
            %mul3A_524 = arith.mulf %mul3A_431, %unpack3A_378 : vector<16xf32>
            %gather3A_525 = tpu.vector_load_idx %arg11[%add3A_523] : memref<16384xi32, #tpu.memory_space<vmem>>[vector<16xi32>], vector<16xi32>,
            %bitcast3A_526 = vector.bitcast %gather3A_525 : vector<16xi32> to vector<32xbf16>
            %unpack3A_527 = tpu.unpack_subelements %bitcast3A_526, 0 {pack_format = #tpu.pack_format<interleaved>} : vector<32xbf16> -> vector<16xf32>
            %unpack3A_528 = tpu.unpack_subelements %bitcast3A_526, 1 {pack_format = #tpu.pack_format<interleaved>} : vector<32xbf16> -> vector<16xf32>
            %mul3A_529 = arith.mulf %unpack3A_527, %mul3A_524 : vector<16xf32>
            %add3A_530 = arith.addf %add3A_512, %mul3A_529 : vector<16xf32>
            %mul3A_531 = arith.mulf %unpack3A_528, %mul3A_524 : vector<16xf32>
            %add3A_532 = arith.addf %add3A_514, %mul3A_531 : vector<16xf32>
            %gather3A_533 = tpu.vector_load_idx %arg12[%add3A_523] : memref<16384xi32, #tpu.memory_space<vmem>>[vector<16xi32>], vector<16xi32>,
            %bitcast3A_534 = vector.bitcast %gather3A_533 : vector<16xi32> to vector<32xbf16>
            %unpack3A_535 = tpu.unpack_subelements %bitcast3A_534, 0 {pack_format = #tpu.pack_format<interleaved>} : vector<32xbf16> -> vector<16xf32>
            %unpack3A_536 = tpu.unpack_subelements %bitcast3A_534, 1 {pack_format = #tpu.pack_format<interleaved>} : vector<32xbf16> -> vector<16xf32>
            %mul3A_537 = arith.mulf %unpack3A_535, %mul3A_524 : vector<16xf32>
            %add3A_538 = arith.addf %add3A_520, %mul3A_537 : vector<16xf32>
            %mul3A_539 = arith.mulf %unpack3A_536, %mul3A_524 : vector<16xf32>
            %add3A_540 = arith.addf %add3A_522, %mul3A_539 : vector<16xf32>
            %add3A_541 = arith.addi %add3A_432, %and3A_411 : vector<16xi32>
            %mul3A_542 = arith.mulf %mul3A_433, %unpack3A : vector<16xf32>
            %gather3A_543 = tpu.vector_load_idx %arg11[%add3A_541] : memref<16384xi32, #tpu.memory_space<vmem>>[vector<16xi32>], vector<16xi32>,
            %bitcast3A_544 = vector.bitcast %gather3A_543 : vector<16xi32> to vector<32xbf16>
            %unpack3A_545 = tpu.unpack_subelements %bitcast3A_544, 0 {pack_format = #tpu.pack_format<interleaved>} : vector<32xbf16> -> vector<16xf32>
            %unpack3A_546 = tpu.unpack_subelements %bitcast3A_544, 1 {pack_format = #tpu.pack_format<interleaved>} : vector<32xbf16> -> vector<16xf32>
            %mul3A_547 = arith.mulf %unpack3A_545, %mul3A_542 : vector<16xf32>
            %add3A_548 = arith.addf %add3A_530, %mul3A_547 : vector<16xf32>
            %mul3A_549 = arith.mulf %unpack3A_546, %mul3A_542 : vector<16xf32>
            %add3A_550 = arith.addf %add3A_532, %mul3A_549 : vector<16xf32>
            %gather3A_551 = tpu.vector_load_idx %arg12[%add3A_541] : memref<16384xi32, #tpu.memory_space<vmem>>[vector<16xi32>], vector<16xi32>,
            %bitcast3A_552 = vector.bitcast %gather3A_551 : vector<16xi32> to vector<32xbf16>
            %unpack3A_553 = tpu.unpack_subelements %bitcast3A_552, 0 {pack_format = #tpu.pack_format<interleaved>} : vector<32xbf16> -> vector<16xf32>
            %unpack3A_554 = tpu.unpack_subelements %bitcast3A_552, 1 {pack_format = #tpu.pack_format<interleaved>} : vector<32xbf16> -> vector<16xf32>
            %mul3A_555 = arith.mulf %unpack3A_553, %mul3A_542 : vector<16xf32>
            %add3A_556 = arith.addf %add3A_538, %mul3A_555 : vector<16xf32>
            %mul3A_557 = arith.mulf %unpack3A_554, %mul3A_542 : vector<16xf32>
            %add3A_558 = arith.addf %add3A_540, %mul3A_557 : vector<16xf32>
            %add3A_559 = arith.addi %add3A_432, %shift_right_logical3A_413 : vector<16xi32>
            %mul3A_560 = arith.mulf %mul3A_433, %unpack3A_378 : vector<16xf32>
            %gather3A_561 = tpu.vector_load_idx %arg11[%add3A_559] : memref<16384xi32, #tpu.memory_space<vmem>>[vector<16xi32>], vector<16xi32>,
            %bitcast3A_562 = vector.bitcast %gather3A_561 : vector<16xi32> to vector<32xbf16>
            %unpack3A_563 = tpu.unpack_subelements %bitcast3A_562, 0 {pack_format = #tpu.pack_format<interleaved>} : vector<32xbf16> -> vector<16xf32>
            %unpack3A_564 = tpu.unpack_subelements %bitcast3A_562, 1 {pack_format = #tpu.pack_format<interleaved>} : vector<32xbf16> -> vector<16xf32>
            %mul3A_565 = arith.mulf %unpack3A_563, %mul3A_560 : vector<16xf32>
            %add3A_566 = arith.addf %add3A_548, %mul3A_565 : vector<16xf32>
            %mul3A_567 = arith.mulf %unpack3A_564, %mul3A_560 : vector<16xf32>
            %add3A_568 = arith.addf %add3A_550, %mul3A_567 : vector<16xf32>
            %gather3A_569 = tpu.vector_load_idx %arg12[%add3A_559] : memref<16384xi32, #tpu.memory_space<vmem>>[vector<16xi32>], vector<16xi32>,
            %bitcast3A_570 = vector.bitcast %gather3A_569 : vector<16xi32> to vector<32xbf16>
            %unpack3A_571 = tpu.unpack_subelements %bitcast3A_570, 0 {pack_format = #tpu.pack_format<interleaved>} : vector<32xbf16> -> vector<16xf32>
            %unpack3A_572 = tpu.unpack_subelements %bitcast3A_570, 1 {pack_format = #tpu.pack_format<interleaved>} : vector<32xbf16> -> vector<16xf32>
            %mul3A_573 = arith.mulf %unpack3A_571, %mul3A_560 : vector<16xf32>
            %add3A_574 = arith.addf %add3A_556, %mul3A_573 : vector<16xf32>
            %mul3A_575 = arith.mulf %unpack3A_572, %mul3A_560 : vector<16xf32>
            %add3A_576 = arith.addf %add3A_558, %mul3A_575 : vector<16xf32>
            scf.yield %add3A_566, %add3A_568, %add3A_574, %add3A_576 : vector<16xf32>, vector<16xf32>, vector<16xf32>, vector<16xf32>
          }
          %scan3A_348 = arith.constant 16 : i32
          %add3A_349 = arith.addi %multiple_of3A_228, %multiple_of3A_341 : i32
          %swap3A = arith.constant 0 : i32
          %swap3A_350 = arith.index_cast %swap3A : i32 to index
          %swap3A_351 = arith.index_cast %add3A_349 : i32 to index
          %swap3A_352 = tpu.vector_load %arg19[%swap3A_350, %swap3A_351] {strides = array<i32>} : memref<4x2048xf32, #tpu.memory_space<vmem>>, vector<16xf32>,
          tpu.vector_store %arg19[%swap3A_350, %swap3A_351], %scan3A_347#0 {strides = array<i32>} : memref<4x2048xf32, #tpu.memory_space<vmem>>, vector<16xf32>,
          %add3A_353 = arith.addi %multiple_of3A_228, %multiple_of3A_341 : i32
          %swap3A_354 = arith.constant 1 : i32
          %swap3A_355 = arith.index_cast %swap3A_354 : i32 to index
          %swap3A_356 = arith.index_cast %add3A_353 : i32 to index
          %swap3A_357 = tpu.vector_load %arg19[%swap3A_355, %swap3A_356] {strides = array<i32>} : memref<4x2048xf32, #tpu.memory_space<vmem>>, vector<16xf32>,
          tpu.vector_store %arg19[%swap3A_355, %swap3A_356], %scan3A_347#1 {strides = array<i32>} : memref<4x2048xf32, #tpu.memory_space<vmem>>, vector<16xf32>,
          %add3A_358 = arith.addi %multiple_of3A_228, %multiple_of3A_341 : i32
          %swap3A_359 = arith.constant 2 : i32
          %swap3A_360 = arith.index_cast %swap3A_359 : i32 to index
          %swap3A_361 = arith.index_cast %add3A_358 : i32 to index
          %swap3A_362 = tpu.vector_load %arg19[%swap3A_360, %swap3A_361] {strides = array<i32>} : memref<4x2048xf32, #tpu.memory_space<vmem>>, vector<16xf32>,
          tpu.vector_store %arg19[%swap3A_360, %swap3A_361], %scan3A_347#2 {strides = array<i32>} : memref<4x2048xf32, #tpu.memory_space<vmem>>, vector<16xf32>,
          %add3A_363 = arith.addi %multiple_of3A_228, %multiple_of3A_341 : i32
          %swap3A_364 = arith.constant 3 : i32
          %swap3A_365 = arith.index_cast %swap3A_364 : i32 to index
          %swap3A_366 = arith.index_cast %add3A_363 : i32 to index
          %swap3A_367 = tpu.vector_load %arg19[%swap3A_365, %swap3A_366] {strides = array<i32>} : memref<4x2048xf32, #tpu.memory_space<vmem>>, vector<16xf32>,
          tpu.vector_store %arg19[%swap3A_365, %swap3A_366], %scan3A_347#3 {strides = array<i32>} : memref<4x2048xf32, #tpu.memory_space<vmem>>, vector<16xf32>,
          %scan3A_368 = arith.constant 0 : i32
          scf.yield %scan3A_368 : i32
        }
        %scan3A_335 = arith.constant 16 : i32
        %scan3A_336 = arith.constant 0 : i32
        scf.yield %scan3A_336 : i32
      }
      %scan3A_108 = arith.constant 4 : i32
      "tpu.region"() ({
        %run_scoped3A = tpu.sem_alloc : memref<!tpu.dma_semaphore, #tpu.memory_space<semaphore_mem>>
        %dma_start3A_110 = arith.constant 0 : i32
        %dma_start3A_111 = arith.constant 0 : i32
        %dma_start3A_112 = tpu.memref_slice %arg10[%add3A_11, %dma_start3A_110, %dma_start3A_111] : memref<128x4x2048xf32, #tpu.memory_space<hbm>> -> memref<1x4x2048xf32, #tpu.memory_space<hbm>>
        %dma_start3A_113 = tpu.memref_squeeze %dma_start3A_112 : memref<1x4x2048xf32, #tpu.memory_space<hbm>> -> memref<4x2048xf32, #tpu.memory_space<hbm>>
        %dma_start3A_114 = arith.constant 0 : i32
        %dma_start3A_115 = arith.constant 0 : i32
        %dma_start3A_116 = tpu.memref_slice %arg10[%add3A_11, %dma_start3A_114, %dma_start3A_115] : memref<128x4x2048xf32, #tpu.memory_space<hbm>> -> memref<1x4x2048xf32, #tpu.memory_space<hbm>>
        %dma_start3A_117 = tpu.memref_squeeze %dma_start3A_116 : memref<1x4x2048xf32, #tpu.memory_space<hbm>> -> memref<4x2048xf32, #tpu.memory_space<hbm>>
        tpu.enqueue_dma source(%arg19 : memref<4x2048xf32, #tpu.memory_space<vmem>>) target(%dma_start3A_117 : memref<4x2048xf32, #tpu.memory_space<hbm>>) target_semaphore(%run_scoped3A : memref<!tpu.dma_semaphore, #tpu.memory_space<semaphore_mem>>)
        %dma_wait3A = arith.constant 0 : i32
        %dma_wait3A_118 = arith.constant 0 : i32
        %dma_wait3A_119 = tpu.memref_slice %arg10[%add3A_11, %dma_wait3A, %dma_wait3A_118] : memref<128x4x2048xf32, #tpu.memory_space<hbm>> -> memref<1x4x2048xf32, #tpu.memory_space<hbm>>
        %dma_wait3A_120 = tpu.memref_squeeze %dma_wait3A_119 : memref<1x4x2048xf32, #tpu.memory_space<hbm>> -> memref<4x2048xf32, #tpu.memory_space<hbm>>
        %dma_wait3A_121 = arith.constant 0 : i32
        %dma_wait3A_122 = arith.constant 0 : i32
        %dma_wait3A_123 = tpu.memref_slice %arg10[%add3A_11, %dma_wait3A_121, %dma_wait3A_122] : memref<128x4x2048xf32, #tpu.memory_space<hbm>> -> memref<1x4x2048xf32, #tpu.memory_space<hbm>>
        %dma_wait3A_124 = tpu.memref_squeeze %dma_wait3A_123 : memref<1x4x2048xf32, #tpu.memory_space<hbm>> -> memref<4x2048xf32, #tpu.memory_space<hbm>>
        tpu.wait_dma2 semaphore(%run_scoped3A : memref<!tpu.dma_semaphore, #tpu.memory_space<semaphore_mem>>) src(%arg19 : memref<4x2048xf32, #tpu.memory_space<vmem>>) dst(%dma_wait3A_124 : memref<4x2048xf32, #tpu.memory_space<hbm>>)
        tpu.yield
      }) : () -> ()
      %scan3A_109 = arith.constant 0 : i32
      scf.yield %scan3A_109 : i32
    }
    %scan3A_6 = arith.constant 4 : i32
    return
  }
}

module attributes {stable_mosaic.version = 14 : i64} {
  func.func @_value_proj_body(%arg0: i32, %arg1: i32, %arg2: memref<1x1024x256xf32, #tpu.memory_space<vmem>>, %arg3: memref<256x256xbf16, #tpu.memory_space<vmem>>, %arg4: memref<256xf32, #tpu.memory_space<vmem>>, %arg5: memref<64x1024xi32, #tpu.memory_space<vmem>>, %arg6: memref<64x1024xi32, #tpu.memory_space<vmem>>) attributes {dimension_semantics = [#tpu.dimension_semantics<arbitrary>, #tpu.dimension_semantics<arbitrary>], iteration_bounds = array<i64: 2, 16>, scalar_prefetch = 0 : i64, scratch_operands = 0 : i64, tpu.core_type = #tpu.core_type<tc>, window_params = [{transform_indices = @transform_0, window_bounds = array<i64: 1, 1024, 256>}, {pipeline_mode = #tpu.pipeline_mode<synchronous>, transform_indices = @transform_1, window_bounds = array<i64: 256, 256>}, {pipeline_mode = #tpu.pipeline_mode<synchronous>, transform_indices = @transform_2, window_bounds = array<i64: 256>}, {transform_indices = @transform_3, window_bounds = array<i64: 64, 1024>}, {transform_indices = @transform_4, window_bounds = array<i64: 64, 1024>}]} {
    %get3A = arith.constant 0 : index
    %get3A_0 = arith.constant 0 : index
    %get3A_1 = arith.constant 0 : index
    %get3A_2 = vector.load %arg2[%get3A, %get3A_0, %get3A_1] : memref<1x1024x256xf32, #tpu.memory_space<vmem>>, vector<1x1024x256xf32>
    %get3A_3 = vector.shape_cast %get3A_2 : vector<1x1024x256xf32> to vector<1024x256xf32>
    %convert_element_type3A = arith.truncf %get3A_3 : vector<1024x256xf32> to vector<1024x256xbf16>
    %get3A_4 = arith.constant 0 : index
    %get3A_5 = arith.constant 0 : index
    %get3A_6 = vector.load %arg3[%get3A_4, %get3A_5] : memref<256x256xbf16, #tpu.memory_space<vmem>>, vector<256x256xbf16>
    %dot_general3A = arith.constant dense<0.000000e+00> : vector<1024x256xf32>
    %dot_general3A_7 = tpu.matmul %convert_element_type3A, %get3A_6, %dot_general3A {dimension_numbers = #tpu.dot_dimension_numbers<[1], [0], [0], [1], [0, 0, 1, 1], [], []>, transpose_lhs_hint = false} : vector<1024x256xbf16>, vector<256x256xbf16>, vector<1024x256xf32> -> vector<1024x256xf32>
    %get3A_8 = arith.constant 0 : index
    %get3A_9 = vector.load %arg4[%get3A_8] : memref<256xf32, #tpu.memory_space<vmem>>, vector<256xf32>
    %broadcast_in_dim3A = vector.shape_cast %get3A_9 : vector<256xf32> to vector<1x256xf32>
    %add3A = vector.broadcast %broadcast_in_dim3A : vector<1x256xf32> to vector<1024x256xf32>
    %add3A_10 = arith.addf %dot_general3A_7, %add3A : vector<1024x256xf32>
    %transpose3A = tpu.transpose %add3A_10, [1, 0] : vector<1024x256xf32> -> vector<256x1024xf32>
    %convert_element_type3A_11 = arith.truncf %transpose3A : vector<256x1024xf32> to vector<256x1024xbf16>
    %slice3A = vector.extract_strided_slice %convert_element_type3A_11 {offsets = [0, 0], sizes = [128, 1024], strides = [1, 1]} : vector<256x1024xbf16> to vector<128x1024xbf16>
    %bitcast_convert_type3A = tpu.bitcast %slice3A : vector<128x1024xbf16> -> vector<128x1024xi16>
    %convert_element_type3A_12 = arith.extui %bitcast_convert_type3A : vector<128x1024xi16> to vector<128x1024xi32>
    %slice3A_13 = vector.extract_strided_slice %convert_element_type3A_11 {offsets = [128, 0], sizes = [128, 1024], strides = [1, 1]} : vector<256x1024xbf16> to vector<128x1024xbf16>
    %bitcast_convert_type3A_14 = tpu.bitcast %slice3A_13 : vector<128x1024xbf16> -> vector<128x1024xi16>
    %convert_element_type3A_15 = arith.extui %bitcast_convert_type3A_14 : vector<128x1024xi16> to vector<128x1024xi32>
    %shift_left3A = arith.constant 16 : i32
    %shift_left3A_16 = vector.broadcast %shift_left3A : i32 to vector<128x1024xi32>
    %shift_left3A_17 = arith.shli %convert_element_type3A_15, %shift_left3A_16 : vector<128x1024xi32>
    %or3A = arith.ori %convert_element_type3A_12, %shift_left3A_17 : vector<128x1024xi32>
    %slice3A_18 = vector.extract_strided_slice %or3A {offsets = [0, 0], sizes = [64, 1024], strides = [1, 1]} : vector<128x1024xi32> to vector<64x1024xi32>
    %swap3A = arith.constant 0 : index
    %swap3A_19 = arith.constant 0 : index
    %swap3A_20 = vector.load %arg5[%swap3A, %swap3A_19] : memref<64x1024xi32, #tpu.memory_space<vmem>>, vector<64x1024xi32>
    tpu.vector_store %arg5[%swap3A, %swap3A_19], %slice3A_18 {strides = array<i32>} : memref<64x1024xi32, #tpu.memory_space<vmem>>, vector<64x1024xi32>,
    %slice3A_21 = vector.extract_strided_slice %or3A {offsets = [64, 0], sizes = [64, 1024], strides = [1, 1]} : vector<128x1024xi32> to vector<64x1024xi32>
    %swap3A_22 = arith.constant 0 : index
    %swap3A_23 = arith.constant 0 : index
    %swap3A_24 = vector.load %arg6[%swap3A_22, %swap3A_23] : memref<64x1024xi32, #tpu.memory_space<vmem>>, vector<64x1024xi32>
    tpu.vector_store %arg6[%swap3A_22, %swap3A_23], %slice3A_21 {strides = array<i32>} : memref<64x1024xi32, #tpu.memory_space<vmem>>, vector<64x1024xi32>,
    return
  }
  func.func @transform_0(%arg0: i32, %arg1: i32) -> (i32, i32, i32) {
    %c0_i32 = arith.constant 0 : i32
    %c0_i32_0 = arith.constant 0 : i32
    return %arg0, %arg1, %c0_i32 : i32, i32, i32
  }
  func.func @transform_1(%arg0: i32, %arg1: i32) -> (i32, i32) {
    %c0_i32 = arith.constant 0 : i32
    %c0_i32_0 = arith.constant 0 : i32
    %c0_i32_1 = arith.constant 0 : i32
    return %c0_i32, %c0_i32_0 : i32, i32
  }
  func.func @transform_2(%arg0: i32, %arg1: i32) -> i32 {
    %c0_i32 = arith.constant 0 : i32
    %c0_i32_0 = arith.constant 0 : i32
    return %c0_i32 : i32
  }
  func.func @transform_3(%arg0: i32, %arg1: i32) -> (i32, i32) {
    %c0_i32 = arith.constant 0 : i32
    return %arg0, %arg1 : i32, i32
  }
  func.func @transform_4(%arg0: i32, %arg1: i32) -> (i32, i32) {
    %c0_i32 = arith.constant 0 : i32
    return %arg0, %arg1 : i32, i32
  }
}

module attributes {stable_mosaic.version = 14 : i64} {
  func.func @_payload_body(%arg0: i32, %arg1: i32, %arg2: memref<1x256x256xbf16, #tpu.memory_space<vmem>>, %arg3: memref<1x12x256xf32, #tpu.memory_space<vmem>>, %arg4: memref<3072x256xbf16, #tpu.memory_space<vmem>>, %arg5: memref<3072x1xf32, #tpu.memory_space<vmem>>, %arg6: memref<1024x256xbf16, #tpu.memory_space<vmem>>, %arg7: memref<1024x1xf32, #tpu.memory_space<vmem>>, %arg8: memref<3072x12xf32, #tpu.memory_space<vmem>>, %arg9: memref<64x1024xf32, #tpu.memory_space<vmem>>, %arg10: memref<1024x64xf32, #tpu.memory_space<vmem>>, %arg11: memref<1024x1xf32, #tpu.memory_space<vmem>>, %arg12: memref<1024x1xf32, #tpu.memory_space<vmem>>, %arg13: memref<1024x1xi32, #tpu.memory_space<vmem>>, %arg14: memref<1024x1xi32, #tpu.memory_space<vmem>>, %arg15: memref<1x64x16x256xi32, #tpu.memory_space<vmem>>, %arg16: memref<1x64x16x256xi32, #tpu.memory_space<vmem>>, %arg17: memref<1x64x16x256xi32, #tpu.memory_space<vmem>>, %arg18: memref<1x64x16x256xi32, #tpu.memory_space<vmem>>, %arg19: memref<1x64x16x256xi32, #tpu.memory_space<vmem>>, %arg20: memref<1x64x16x256xi32, #tpu.memory_space<vmem>>) attributes {dimension_semantics = [#tpu.dimension_semantics<arbitrary>, #tpu.dimension_semantics<arbitrary>], iteration_bounds = array<i64: 2, 8>, scalar_prefetch = 0 : i64, scratch_operands = 0 : i64, tpu.core_type = #tpu.core_type<tc>, window_params = [{transform_indices = @transform_0, window_bounds = array<i64: 1, 256, 256>}, {transform_indices = @transform_1, window_bounds = array<i64: 1, 12, 256>}, {pipeline_mode = #tpu.pipeline_mode<synchronous>, transform_indices = @transform_2, window_bounds = array<i64: 3072, 256>}, {pipeline_mode = #tpu.pipeline_mode<synchronous>, transform_indices = @transform_3, window_bounds = array<i64: 3072, 1>}, {pipeline_mode = #tpu.pipeline_mode<synchronous>, transform_indices = @transform_4, window_bounds = array<i64: 1024, 256>}, {pipeline_mode = #tpu.pipeline_mode<synchronous>, transform_indices = @transform_5, window_bounds = array<i64: 1024, 1>}, {pipeline_mode = #tpu.pipeline_mode<synchronous>, transform_indices = @transform_6, window_bounds = array<i64: 3072, 12>}, {pipeline_mode = #tpu.pipeline_mode<synchronous>, transform_indices = @transform_7, window_bounds = array<i64: 64, 1024>}, {pipeline_mode = #tpu.pipeline_mode<synchronous>, transform_indices = @transform_8, window_bounds = array<i64: 1024, 64>}, {pipeline_mode = #tpu.pipeline_mode<synchronous>, transform_indices = @transform_9, window_bounds = array<i64: 1024, 1>}, {pipeline_mode = #tpu.pipeline_mode<synchronous>, transform_indices = @transform_10, window_bounds = array<i64: 1024, 1>}, {pipeline_mode = #tpu.pipeline_mode<synchronous>, transform_indices = @transform_11, window_bounds = array<i64: 1024, 1>}, {pipeline_mode = #tpu.pipeline_mode<synchronous>, transform_indices = @transform_12, window_bounds = array<i64: 1024, 1>}, {transform_indices = @transform_13, window_bounds = array<i64: 1, 64, 16, 256>}, {transform_indices = @transform_14, window_bounds = array<i64: 1, 64, 16, 256>}, {transform_indices = @transform_15, window_bounds = array<i64: 1, 64, 16, 256>}, {transform_indices = @transform_16, window_bounds = array<i64: 1, 64, 16, 256>}, {transform_indices = @transform_17, window_bounds = array<i64: 1, 64, 16, 256>}, {transform_indices = @transform_18, window_bounds = array<i64: 1, 64, 16, 256>}]} {
    %get3A = arith.constant 0 : index
    %get3A_0 = arith.constant 0 : index
    %get3A_1 = arith.constant 0 : index
    %get3A_2 = vector.load %arg2[%get3A, %get3A_0, %get3A_1] : memref<1x256x256xbf16, #tpu.memory_space<vmem>>, vector<1x256x256xbf16>
    %get3A_3 = vector.shape_cast %get3A_2 : vector<1x256x256xbf16> to vector<256x256xbf16>
    %get3A_4 = arith.constant 0 : index
    %get3A_5 = arith.constant 0 : index
    %get3A_6 = vector.load %arg4[%get3A_4, %get3A_5] : memref<3072x256xbf16, #tpu.memory_space<vmem>>, vector<3072x256xbf16>
    %dot_general3A = arith.constant dense<0.000000e+00> : vector<3072x256xf32>
    %dot_general3A_7 = tpu.matmul %get3A_6, %get3A_3, %dot_general3A {dimension_numbers = #tpu.dot_dimension_numbers<[1], [0], [0], [1], [0, 0, 1, 1], [], []>, transpose_lhs_hint = false} : vector<3072x256xbf16>, vector<256x256xbf16>, vector<3072x256xf32> -> vector<3072x256xf32>
    %get3A_8 = arith.constant 0 : index
    %get3A_9 = arith.constant 0 : index
    %get3A_10 = vector.load %arg5[%get3A_8, %get3A_9] : memref<3072x1xf32, #tpu.memory_space<vmem>>, vector<3072x1xf32>
    %add3A = vector.broadcast %get3A_10 : vector<3072x1xf32> to vector<3072x256xf32>
    %add3A_11 = arith.addf %dot_general3A_7, %add3A : vector<3072x256xf32>
    %get3A_12 = arith.constant 0 : index
    %get3A_13 = arith.constant 0 : index
    %get3A_14 = vector.load %arg8[%get3A_12, %get3A_13] : memref<3072x12xf32, #tpu.memory_space<vmem>>, vector<3072x12xf32>
    %get3A_15 = arith.constant 0 : index
    %get3A_16 = arith.constant 0 : index
    %get3A_17 = arith.constant 0 : index
    %get3A_18 = vector.load %arg3[%get3A_15, %get3A_16, %get3A_17] : memref<1x12x256xf32, #tpu.memory_space<vmem>>, vector<1x12x256xf32>
    %get3A_19 = vector.shape_cast %get3A_18 : vector<1x12x256xf32> to vector<12x256xf32>
    %dot_general3A_20 = arith.constant dense<0.000000e+00> : vector<3072x256xf32>
    %dot_general3A_21 = tpu.matmul %get3A_14, %get3A_19, %dot_general3A_20 {dimension_numbers = #tpu.dot_dimension_numbers<[1], [0], [0], [1], [0, 0, 1, 1], [], []>, precision = #tpu.contract_precision<fp32>, transpose_lhs_hint = false} : vector<3072x12xf32>, vector<12x256xf32>, vector<3072x256xf32> -> vector<3072x256xf32>
    %add3A_22 = arith.addf %dot_general3A_21, %add3A_11 : vector<3072x256xf32>
    %slice3A = vector.extract_strided_slice %add3A_22 {offsets = [0, 0], sizes = [1024, 256], strides = [1, 1]} : vector<3072x256xf32> to vector<1024x256xf32>
    %slice3A_23 = vector.extract_strided_slice %add3A_22 {offsets = [1024, 0], sizes = [1024, 256], strides = [1, 1]} : vector<3072x256xf32> to vector<1024x256xf32>
    %slice3A_24 = vector.extract_strided_slice %add3A_22 {offsets = [2048, 0], sizes = [1024, 256], strides = [1, 1]} : vector<3072x256xf32> to vector<1024x256xf32>
    %get3A_25 = arith.constant 0 : index
    %get3A_26 = arith.constant 0 : index
    %get3A_27 = vector.load %arg6[%get3A_25, %get3A_26] : memref<1024x256xbf16, #tpu.memory_space<vmem>>, vector<1024x256xbf16>
    %dot_general3A_28 = arith.constant dense<0.000000e+00> : vector<1024x256xf32>
    %dot_general3A_29 = tpu.matmul %get3A_27, %get3A_3, %dot_general3A_28 {dimension_numbers = #tpu.dot_dimension_numbers<[1], [0], [0], [1], [0, 0, 1, 1], [], []>, transpose_lhs_hint = false} : vector<1024x256xbf16>, vector<256x256xbf16>, vector<1024x256xf32> -> vector<1024x256xf32>
    %get3A_30 = arith.constant 0 : index
    %get3A_31 = arith.constant 0 : index
    %get3A_32 = vector.load %arg7[%get3A_30, %get3A_31] : memref<1024x1xf32, #tpu.memory_space<vmem>>, vector<1024x1xf32>
    %add3A_33 = vector.broadcast %get3A_32 : vector<1024x1xf32> to vector<1024x256xf32>
    %add3A_34 = arith.addf %dot_general3A_29, %add3A_33 : vector<1024x256xf32>
    %exp3A = math.exp %add3A_34 : vector<1024x256xf32>
    %get3A_35 = arith.constant 0 : index
    %get3A_36 = arith.constant 0 : index
    %get3A_37 = vector.load %arg9[%get3A_35, %get3A_36] : memref<64x1024xf32, #tpu.memory_space<vmem>>, vector<64x1024xf32>
    %dot_general3A_38 = arith.constant dense<0.000000e+00> : vector<64x256xf32>
    %dot_general3A_39 = tpu.matmul %get3A_37, %exp3A, %dot_general3A_38 {dimension_numbers = #tpu.dot_dimension_numbers<[1], [0], [0], [1], [0, 0, 1, 1], [], []>, precision = #tpu.contract_precision<fp32>, transpose_lhs_hint = false} : vector<64x1024xf32>, vector<1024x256xf32>, vector<64x256xf32> -> vector<64x256xf32>
    %get3A_40 = arith.constant 0 : index
    %get3A_41 = arith.constant 0 : index
    %get3A_42 = vector.load %arg10[%get3A_40, %get3A_41] : memref<1024x64xf32, #tpu.memory_space<vmem>>, vector<1024x64xf32>
    %div3A = arith.constant 1.000000e+00 : f32
    %div3A_43 = vector.broadcast %div3A : f32 to vector<64x256xf32>
    %div3A_44 = arith.divf %div3A_43, %dot_general3A_39 : vector<64x256xf32>
    %dot_general3A_45 = arith.constant dense<0.000000e+00> : vector<1024x256xf32>
    %dot_general3A_46 = tpu.matmul %get3A_42, %div3A_44, %dot_general3A_45 {dimension_numbers = #tpu.dot_dimension_numbers<[1], [0], [0], [1], [0, 0, 1, 1], [], []>, precision = #tpu.contract_precision<fp32>, transpose_lhs_hint = false} : vector<1024x64xf32>, vector<64x256xf32>, vector<1024x256xf32> -> vector<1024x256xf32>
    %mul3A = arith.mulf %exp3A, %dot_general3A_46 : vector<1024x256xf32>
    %get3A_47 = arith.constant 0 : index
    %get3A_48 = arith.constant 0 : index
    %get3A_49 = vector.load %arg11[%get3A_47, %get3A_48] : memref<1024x1xf32, #tpu.memory_space<vmem>>, vector<1024x1xf32>
    %floor3A = math.floor %slice3A : vector<1024x256xf32>
    %sub3A = arith.subf %slice3A, %floor3A : vector<1024x256xf32>
    %add3A_50 = arith.constant 1.000000e+00 : f32
    %add3A_51 = vector.broadcast %add3A_50 : f32 to vector<1024x256xf32>
    %add3A_52 = arith.addf %floor3A, %add3A_51 : vector<1024x256xf32>
    %ge3A = arith.constant 0.000000e+00 : f32
    %ge3A_53 = vector.broadcast %ge3A : f32 to vector<1024x256xf32>
    %ge3A_54 = arith.cmpf oge, %floor3A, %ge3A_53 : vector<1024x256xf32>
    %le3A = vector.broadcast %get3A_49 : vector<1024x1xf32> to vector<1024x256xf32>
    %le3A_55 = arith.cmpf ole, %floor3A, %le3A : vector<1024x256xf32>
    %and3A = arith.andi %ge3A_54, %le3A_55 : vector<1024x256xi1>
    %sub3A_56 = arith.constant 1.000000e+00 : f32
    %sub3A_57 = vector.broadcast %sub3A_56 : f32 to vector<1024x256xf32>
    %sub3A_58 = arith.subf %sub3A_57, %sub3A : vector<1024x256xf32>
    %jit3A = arith.constant 0.000000e+00 : f32
    %broadcast_in_dim3A = vector.broadcast %jit3A : f32 to vector<1024x256xf32>
    %select_n3A = arith.select %and3A, %sub3A_58, %broadcast_in_dim3A : vector<1024x256xi1>, vector<1024x256xf32>
    %ge3A_59 = arith.constant 0.000000e+00 : f32
    %ge3A_60 = vector.broadcast %ge3A_59 : f32 to vector<1024x256xf32>
    %ge3A_61 = arith.cmpf oge, %add3A_52, %ge3A_60 : vector<1024x256xf32>
    %le3A_62 = vector.broadcast %get3A_49 : vector<1024x1xf32> to vector<1024x256xf32>
    %le3A_63 = arith.cmpf ole, %add3A_52, %le3A_62 : vector<1024x256xf32>
    %and3A_64 = arith.andi %ge3A_61, %le3A_63 : vector<1024x256xi1>
    %jit3A_65 = arith.constant 0.000000e+00 : f32
    %broadcast_in_dim3A_66 = vector.broadcast %jit3A_65 : f32 to vector<1024x256xf32>
    %select_n3A_67 = arith.select %and3A_64, %sub3A, %broadcast_in_dim3A_66 : vector<1024x256xi1>, vector<1024x256xf32>
    %jit3A_68 = arith.constant 0.000000e+00 : f32
    %max3A = vector.broadcast %jit3A_68 : f32 to vector<1024x256xf32>
    %max3A_69 = arith.maximumf %max3A, %floor3A : vector<1024x256xf32>
    %min3A = vector.broadcast %get3A_49 : vector<1024x1xf32> to vector<1024x256xf32>
    %min3A_70 = arith.minimumf %min3A, %max3A_69 : vector<1024x256xf32>
    %convert_element_type3A = arith.fptosi %min3A_70 : vector<1024x256xf32> to vector<1024x256xi32>
    %jit3A_71 = arith.constant 0.000000e+00 : f32
    %max3A_72 = vector.broadcast %jit3A_71 : f32 to vector<1024x256xf32>
    %max3A_73 = arith.maximumf %max3A_72, %add3A_52 : vector<1024x256xf32>
    %min3A_74 = vector.broadcast %get3A_49 : vector<1024x1xf32> to vector<1024x256xf32>
    %min3A_75 = arith.minimumf %min3A_74, %max3A_73 : vector<1024x256xf32>
    %convert_element_type3A_76 = arith.fptosi %min3A_75 : vector<1024x256xf32> to vector<1024x256xi32>
    %get3A_77 = arith.constant 0 : index
    %get3A_78 = arith.constant 0 : index
    %get3A_79 = vector.load %arg12[%get3A_77, %get3A_78] : memref<1024x1xf32, #tpu.memory_space<vmem>>, vector<1024x1xf32>
    %floor3A_80 = math.floor %slice3A_23 : vector<1024x256xf32>
    %sub3A_81 = arith.subf %slice3A_23, %floor3A_80 : vector<1024x256xf32>
    %add3A_82 = arith.constant 1.000000e+00 : f32
    %add3A_83 = vector.broadcast %add3A_82 : f32 to vector<1024x256xf32>
    %add3A_84 = arith.addf %floor3A_80, %add3A_83 : vector<1024x256xf32>
    %ge3A_85 = arith.constant 0.000000e+00 : f32
    %ge3A_86 = vector.broadcast %ge3A_85 : f32 to vector<1024x256xf32>
    %ge3A_87 = arith.cmpf oge, %floor3A_80, %ge3A_86 : vector<1024x256xf32>
    %le3A_88 = vector.broadcast %get3A_79 : vector<1024x1xf32> to vector<1024x256xf32>
    %le3A_89 = arith.cmpf ole, %floor3A_80, %le3A_88 : vector<1024x256xf32>
    %and3A_90 = arith.andi %ge3A_87, %le3A_89 : vector<1024x256xi1>
    %sub3A_91 = arith.constant 1.000000e+00 : f32
    %sub3A_92 = vector.broadcast %sub3A_91 : f32 to vector<1024x256xf32>
    %sub3A_93 = arith.subf %sub3A_92, %sub3A_81 : vector<1024x256xf32>
    %jit3A_94 = arith.constant 0.000000e+00 : f32
    %broadcast_in_dim3A_95 = vector.broadcast %jit3A_94 : f32 to vector<1024x256xf32>
    %select_n3A_96 = arith.select %and3A_90, %sub3A_93, %broadcast_in_dim3A_95 : vector<1024x256xi1>, vector<1024x256xf32>
    %ge3A_97 = arith.constant 0.000000e+00 : f32
    %ge3A_98 = vector.broadcast %ge3A_97 : f32 to vector<1024x256xf32>
    %ge3A_99 = arith.cmpf oge, %add3A_84, %ge3A_98 : vector<1024x256xf32>
    %le3A_100 = vector.broadcast %get3A_79 : vector<1024x1xf32> to vector<1024x256xf32>
    %le3A_101 = arith.cmpf ole, %add3A_84, %le3A_100 : vector<1024x256xf32>
    %and3A_102 = arith.andi %ge3A_99, %le3A_101 : vector<1024x256xi1>
    %jit3A_103 = arith.constant 0.000000e+00 : f32
    %broadcast_in_dim3A_104 = vector.broadcast %jit3A_103 : f32 to vector<1024x256xf32>
    %select_n3A_105 = arith.select %and3A_102, %sub3A_81, %broadcast_in_dim3A_104 : vector<1024x256xi1>, vector<1024x256xf32>
    %jit3A_106 = arith.constant 0.000000e+00 : f32
    %max3A_107 = vector.broadcast %jit3A_106 : f32 to vector<1024x256xf32>
    %max3A_108 = arith.maximumf %max3A_107, %floor3A_80 : vector<1024x256xf32>
    %min3A_109 = vector.broadcast %get3A_79 : vector<1024x1xf32> to vector<1024x256xf32>
    %min3A_110 = arith.minimumf %min3A_109, %max3A_108 : vector<1024x256xf32>
    %convert_element_type3A_111 = arith.fptosi %min3A_110 : vector<1024x256xf32> to vector<1024x256xi32>
    %jit3A_112 = arith.constant 0.000000e+00 : f32
    %max3A_113 = vector.broadcast %jit3A_112 : f32 to vector<1024x256xf32>
    %max3A_114 = arith.maximumf %max3A_113, %add3A_84 : vector<1024x256xf32>
    %min3A_115 = vector.broadcast %get3A_79 : vector<1024x1xf32> to vector<1024x256xf32>
    %min3A_116 = arith.minimumf %min3A_115, %max3A_114 : vector<1024x256xf32>
    %convert_element_type3A_117 = arith.fptosi %min3A_116 : vector<1024x256xf32> to vector<1024x256xi32>
    %floor3A_118 = math.floor %slice3A_24 : vector<1024x256xf32>
    %sub3A_119 = arith.subf %slice3A_24, %floor3A_118 : vector<1024x256xf32>
    %add3A_120 = arith.constant 1.000000e+00 : f32
    %add3A_121 = vector.broadcast %add3A_120 : f32 to vector<1024x256xf32>
    %add3A_122 = arith.addf %floor3A_118, %add3A_121 : vector<1024x256xf32>
    %ge3A_123 = arith.constant 0.000000e+00 : f32
    %ge3A_124 = vector.broadcast %ge3A_123 : f32 to vector<1024x256xf32>
    %ge3A_125 = arith.cmpf oge, %floor3A_118, %ge3A_124 : vector<1024x256xf32>
    %le3A_126 = arith.constant 2.000000e+00 : f32
    %le3A_127 = vector.broadcast %le3A_126 : f32 to vector<1024x256xf32>
    %le3A_128 = arith.cmpf ole, %floor3A_118, %le3A_127 : vector<1024x256xf32>
    %and3A_129 = arith.andi %ge3A_125, %le3A_128 : vector<1024x256xi1>
    %sub3A_130 = arith.constant 1.000000e+00 : f32
    %sub3A_131 = vector.broadcast %sub3A_130 : f32 to vector<1024x256xf32>
    %sub3A_132 = arith.subf %sub3A_131, %sub3A_119 : vector<1024x256xf32>
    %jit3A_133 = arith.constant 0.000000e+00 : f32
    %broadcast_in_dim3A_134 = vector.broadcast %jit3A_133 : f32 to vector<1024x256xf32>
    %select_n3A_135 = arith.select %and3A_129, %sub3A_132, %broadcast_in_dim3A_134 : vector<1024x256xi1>, vector<1024x256xf32>
    %ge3A_136 = arith.constant 0.000000e+00 : f32
    %ge3A_137 = vector.broadcast %ge3A_136 : f32 to vector<1024x256xf32>
    %ge3A_138 = arith.cmpf oge, %add3A_122, %ge3A_137 : vector<1024x256xf32>
    %le3A_139 = arith.constant 2.000000e+00 : f32
    %le3A_140 = vector.broadcast %le3A_139 : f32 to vector<1024x256xf32>
    %le3A_141 = arith.cmpf ole, %add3A_122, %le3A_140 : vector<1024x256xf32>
    %and3A_142 = arith.andi %ge3A_138, %le3A_141 : vector<1024x256xi1>
    %jit3A_143 = arith.constant 0.000000e+00 : f32
    %broadcast_in_dim3A_144 = vector.broadcast %jit3A_143 : f32 to vector<1024x256xf32>
    %select_n3A_145 = arith.select %and3A_142, %sub3A_119, %broadcast_in_dim3A_144 : vector<1024x256xi1>, vector<1024x256xf32>
    %jit3A_146 = arith.constant 0.000000e+00 : f32
    %jit3A_147 = arith.constant 2.000000e+00 : f32
    %max3A_148 = vector.broadcast %jit3A_146 : f32 to vector<1024x256xf32>
    %max3A_149 = arith.maximumf %max3A_148, %floor3A_118 : vector<1024x256xf32>
    %min3A_150 = vector.broadcast %jit3A_147 : f32 to vector<1024x256xf32>
    %min3A_151 = arith.minimumf %min3A_150, %max3A_149 : vector<1024x256xf32>
    %convert_element_type3A_152 = arith.fptosi %min3A_151 : vector<1024x256xf32> to vector<1024x256xi32>
    %jit3A_153 = arith.constant 0.000000e+00 : f32
    %jit3A_154 = arith.constant 2.000000e+00 : f32
    %max3A_155 = vector.broadcast %jit3A_153 : f32 to vector<1024x256xf32>
    %max3A_156 = arith.maximumf %max3A_155, %add3A_122 : vector<1024x256xf32>
    %min3A_157 = vector.broadcast %jit3A_154 : f32 to vector<1024x256xf32>
    %min3A_158 = arith.minimumf %min3A_157, %max3A_156 : vector<1024x256xf32>
    %convert_element_type3A_159 = arith.fptosi %min3A_158 : vector<1024x256xf32> to vector<1024x256xi32>
    %mul3A_160 = arith.mulf %select_n3A_135, %mul3A : vector<1024x256xf32>
    %mul3A_161 = arith.mulf %select_n3A_145, %mul3A : vector<1024x256xf32>
    %get3A_162 = arith.constant 0 : index
    %get3A_163 = arith.constant 0 : index
    %get3A_164 = vector.load %arg13[%get3A_162, %get3A_163] : memref<1024x1xi32, #tpu.memory_space<vmem>>, vector<1024x1xi32>
    %get3A_165 = arith.constant 0 : index
    %get3A_166 = arith.constant 0 : index
    %get3A_167 = vector.load %arg14[%get3A_165, %get3A_166] : memref<1024x1xi32, #tpu.memory_space<vmem>>, vector<1024x1xi32>
    %shift_left3A = arith.constant 16 : i32
    %shift_left3A_168 = vector.broadcast %shift_left3A : i32 to vector<1024x256xi32>
    %shift_left3A_169 = arith.shli %convert_element_type3A_76, %shift_left3A_168 : vector<1024x256xi32>
    %or3A = arith.ori %convert_element_type3A, %shift_left3A_169 : vector<1024x256xi32>
    %mul3A_170 = vector.broadcast %get3A_164 : vector<1024x1xi32> to vector<1024x256xi32>
    %mul3A_171 = arith.muli %convert_element_type3A_111, %mul3A_170 : vector<1024x256xi32>
    %mul3A_172 = vector.broadcast %get3A_164 : vector<1024x1xi32> to vector<1024x256xi32>
    %mul3A_173 = arith.muli %convert_element_type3A_117, %mul3A_172 : vector<1024x256xi32>
    %shift_left3A_174 = arith.constant 16 : i32
    %shift_left3A_175 = vector.broadcast %shift_left3A_174 : i32 to vector<1024x256xi32>
    %shift_left3A_176 = arith.shli %mul3A_173, %shift_left3A_175 : vector<1024x256xi32>
    %or3A_177 = arith.ori %mul3A_171, %shift_left3A_176 : vector<1024x256xi32>
    %mul3A_178 = arith.constant 5440 : i32
    %mul3A_179 = vector.broadcast %mul3A_178 : i32 to vector<1024x256xi32>
    %mul3A_180 = arith.muli %convert_element_type3A_152, %mul3A_179 : vector<1024x256xi32>
    %add3A_181 = vector.broadcast %get3A_167 : vector<1024x1xi32> to vector<1024x256xi32>
    %add3A_182 = arith.addi %mul3A_180, %add3A_181 : vector<1024x256xi32>
    %mul3A_183 = arith.constant 5440 : i32
    %mul3A_184 = vector.broadcast %mul3A_183 : i32 to vector<1024x256xi32>
    %mul3A_185 = arith.muli %convert_element_type3A_159, %mul3A_184 : vector<1024x256xi32>
    %add3A_186 = vector.broadcast %get3A_167 : vector<1024x1xi32> to vector<1024x256xi32>
    %add3A_187 = arith.addi %mul3A_185, %add3A_186 : vector<1024x256xi32>
    %shift_left3A_188 = arith.constant 16 : i32
    %shift_left3A_189 = vector.broadcast %shift_left3A_188 : i32 to vector<1024x256xi32>
    %shift_left3A_190 = arith.shli %add3A_187, %shift_left3A_189 : vector<1024x256xi32>
    %or3A_191 = arith.ori %add3A_182, %shift_left3A_190 : vector<1024x256xi32>
    %convert_element_type3A_192 = arith.truncf %select_n3A : vector<1024x256xf32> to vector<1024x256xbf16>
    %bitcast_convert_type3A = tpu.bitcast %convert_element_type3A_192 : vector<1024x256xbf16> -> vector<1024x256xi16>
    %convert_element_type3A_193 = arith.extui %bitcast_convert_type3A : vector<1024x256xi16> to vector<1024x256xi32>
    %convert_element_type3A_194 = arith.truncf %select_n3A_67 : vector<1024x256xf32> to vector<1024x256xbf16>
    %bitcast_convert_type3A_195 = tpu.bitcast %convert_element_type3A_194 : vector<1024x256xbf16> -> vector<1024x256xi16>
    %convert_element_type3A_196 = arith.extui %bitcast_convert_type3A_195 : vector<1024x256xi16> to vector<1024x256xi32>
    %shift_left3A_197 = arith.constant 16 : i32
    %shift_left3A_198 = vector.broadcast %shift_left3A_197 : i32 to vector<1024x256xi32>
    %shift_left3A_199 = arith.shli %convert_element_type3A_196, %shift_left3A_198 : vector<1024x256xi32>
    %or3A_200 = arith.ori %convert_element_type3A_193, %shift_left3A_199 : vector<1024x256xi32>
    %convert_element_type3A_201 = arith.truncf %select_n3A_96 : vector<1024x256xf32> to vector<1024x256xbf16>
    %bitcast_convert_type3A_202 = tpu.bitcast %convert_element_type3A_201 : vector<1024x256xbf16> -> vector<1024x256xi16>
    %convert_element_type3A_203 = arith.extui %bitcast_convert_type3A_202 : vector<1024x256xi16> to vector<1024x256xi32>
    %convert_element_type3A_204 = arith.truncf %select_n3A_105 : vector<1024x256xf32> to vector<1024x256xbf16>
    %bitcast_convert_type3A_205 = tpu.bitcast %convert_element_type3A_204 : vector<1024x256xbf16> -> vector<1024x256xi16>
    %convert_element_type3A_206 = arith.extui %bitcast_convert_type3A_205 : vector<1024x256xi16> to vector<1024x256xi32>
    %shift_left3A_207 = arith.constant 16 : i32
    %shift_left3A_208 = vector.broadcast %shift_left3A_207 : i32 to vector<1024x256xi32>
    %shift_left3A_209 = arith.shli %convert_element_type3A_206, %shift_left3A_208 : vector<1024x256xi32>
    %or3A_210 = arith.ori %convert_element_type3A_203, %shift_left3A_209 : vector<1024x256xi32>
    %convert_element_type3A_211 = arith.truncf %mul3A_160 : vector<1024x256xf32> to vector<1024x256xbf16>
    %bitcast_convert_type3A_212 = tpu.bitcast %convert_element_type3A_211 : vector<1024x256xbf16> -> vector<1024x256xi16>
    %convert_element_type3A_213 = arith.extui %bitcast_convert_type3A_212 : vector<1024x256xi16> to vector<1024x256xi32>
    %convert_element_type3A_214 = arith.truncf %mul3A_161 : vector<1024x256xf32> to vector<1024x256xbf16>
    %bitcast_convert_type3A_215 = tpu.bitcast %convert_element_type3A_214 : vector<1024x256xbf16> -> vector<1024x256xi16>
    %convert_element_type3A_216 = arith.extui %bitcast_convert_type3A_215 : vector<1024x256xi16> to vector<1024x256xi32>
    %shift_left3A_217 = arith.constant 16 : i32
    %shift_left3A_218 = vector.broadcast %shift_left3A_217 : i32 to vector<1024x256xi32>
    %shift_left3A_219 = arith.shli %convert_element_type3A_216, %shift_left3A_218 : vector<1024x256xi32>
    %or3A_220 = arith.ori %convert_element_type3A_213, %shift_left3A_219 : vector<1024x256xi32>
    %reshape3A = vector.shape_cast %or3A_200 : vector<1024x256xi32> to vector<1x64x16x256xi32>
    %swap3A = arith.constant 0 : index
    %swap3A_221 = arith.constant 0 : index
    %swap3A_222 = arith.constant 0 : index
    %swap3A_223 = arith.constant 0 : index
    %swap3A_224 = vector.load %arg15[%swap3A, %swap3A_221, %swap3A_222, %swap3A_223] : memref<1x64x16x256xi32, #tpu.memory_space<vmem>>, vector<1x64x16x256xi32>
    tpu.vector_store %arg15[%swap3A, %swap3A_221, %swap3A_222, %swap3A_223], %reshape3A {strides = array<i32>} : memref<1x64x16x256xi32, #tpu.memory_space<vmem>>, vector<1x64x16x256xi32>,
    %reshape3A_225 = vector.shape_cast %or3A_210 : vector<1024x256xi32> to vector<1x64x16x256xi32>
    %swap3A_226 = arith.constant 0 : index
    %swap3A_227 = arith.constant 0 : index
    %swap3A_228 = arith.constant 0 : index
    %swap3A_229 = arith.constant 0 : index
    %swap3A_230 = vector.load %arg16[%swap3A_226, %swap3A_227, %swap3A_228, %swap3A_229] : memref<1x64x16x256xi32, #tpu.memory_space<vmem>>, vector<1x64x16x256xi32>
    tpu.vector_store %arg16[%swap3A_226, %swap3A_227, %swap3A_228, %swap3A_229], %reshape3A_225 {strides = array<i32>} : memref<1x64x16x256xi32, #tpu.memory_space<vmem>>, vector<1x64x16x256xi32>,
    %reshape3A_231 = vector.shape_cast %or3A_220 : vector<1024x256xi32> to vector<1x64x16x256xi32>
    %swap3A_232 = arith.constant 0 : index
    %swap3A_233 = arith.constant 0 : index
    %swap3A_234 = arith.constant 0 : index
    %swap3A_235 = arith.constant 0 : index
    %swap3A_236 = vector.load %arg17[%swap3A_232, %swap3A_233, %swap3A_234, %swap3A_235] : memref<1x64x16x256xi32, #tpu.memory_space<vmem>>, vector<1x64x16x256xi32>
    tpu.vector_store %arg17[%swap3A_232, %swap3A_233, %swap3A_234, %swap3A_235], %reshape3A_231 {strides = array<i32>} : memref<1x64x16x256xi32, #tpu.memory_space<vmem>>, vector<1x64x16x256xi32>,
    %reshape3A_237 = vector.shape_cast %or3A : vector<1024x256xi32> to vector<1x64x16x256xi32>
    %swap3A_238 = arith.constant 0 : index
    %swap3A_239 = arith.constant 0 : index
    %swap3A_240 = arith.constant 0 : index
    %swap3A_241 = arith.constant 0 : index
    %swap3A_242 = vector.load %arg18[%swap3A_238, %swap3A_239, %swap3A_240, %swap3A_241] : memref<1x64x16x256xi32, #tpu.memory_space<vmem>>, vector<1x64x16x256xi32>
    tpu.vector_store %arg18[%swap3A_238, %swap3A_239, %swap3A_240, %swap3A_241], %reshape3A_237 {strides = array<i32>} : memref<1x64x16x256xi32, #tpu.memory_space<vmem>>, vector<1x64x16x256xi32>,
    %reshape3A_243 = vector.shape_cast %or3A_177 : vector<1024x256xi32> to vector<1x64x16x256xi32>
    %swap3A_244 = arith.constant 0 : index
    %swap3A_245 = arith.constant 0 : index
    %swap3A_246 = arith.constant 0 : index
    %swap3A_247 = arith.constant 0 : index
    %swap3A_248 = vector.load %arg19[%swap3A_244, %swap3A_245, %swap3A_246, %swap3A_247] : memref<1x64x16x256xi32, #tpu.memory_space<vmem>>, vector<1x64x16x256xi32>
    tpu.vector_store %arg19[%swap3A_244, %swap3A_245, %swap3A_246, %swap3A_247], %reshape3A_243 {strides = array<i32>} : memref<1x64x16x256xi32, #tpu.memory_space<vmem>>, vector<1x64x16x256xi32>,
    %reshape3A_249 = vector.shape_cast %or3A_191 : vector<1024x256xi32> to vector<1x64x16x256xi32>
    %swap3A_250 = arith.constant 0 : index
    %swap3A_251 = arith.constant 0 : index
    %swap3A_252 = arith.constant 0 : index
    %swap3A_253 = arith.constant 0 : index
    %swap3A_254 = vector.load %arg20[%swap3A_250, %swap3A_251, %swap3A_252, %swap3A_253] : memref<1x64x16x256xi32, #tpu.memory_space<vmem>>, vector<1x64x16x256xi32>
    tpu.vector_store %arg20[%swap3A_250, %swap3A_251, %swap3A_252, %swap3A_253], %reshape3A_249 {strides = array<i32>} : memref<1x64x16x256xi32, #tpu.memory_space<vmem>>, vector<1x64x16x256xi32>,
    return
  }
  func.func @transform_0(%arg0: i32, %arg1: i32) -> (i32, i32, i32) {
    %c0_i32 = arith.constant 0 : i32
    %c0_i32_0 = arith.constant 0 : i32
    return %arg0, %c0_i32, %arg1 : i32, i32, i32
  }
  func.func @transform_1(%arg0: i32, %arg1: i32) -> (i32, i32, i32) {
    %c0_i32 = arith.constant 0 : i32
    %c0_i32_0 = arith.constant 0 : i32
    return %arg0, %c0_i32, %arg1 : i32, i32, i32
  }
  func.func @transform_2(%arg0: i32, %arg1: i32) -> (i32, i32) {
    %c0_i32 = arith.constant 0 : i32
    %c0_i32_0 = arith.constant 0 : i32
    %c0_i32_1 = arith.constant 0 : i32
    return %c0_i32, %c0_i32_0 : i32, i32
  }
  func.func @transform_3(%arg0: i32, %arg1: i32) -> (i32, i32) {
    %c0_i32 = arith.constant 0 : i32
    %c0_i32_0 = arith.constant 0 : i32
    %c0_i32_1 = arith.constant 0 : i32
    return %c0_i32, %c0_i32_0 : i32, i32
  }
  func.func @transform_4(%arg0: i32, %arg1: i32) -> (i32, i32) {
    %c0_i32 = arith.constant 0 : i32
    %c0_i32_0 = arith.constant 0 : i32
    %c0_i32_1 = arith.constant 0 : i32
    return %c0_i32, %c0_i32_0 : i32, i32
  }
  func.func @transform_5(%arg0: i32, %arg1: i32) -> (i32, i32) {
    %c0_i32 = arith.constant 0 : i32
    %c0_i32_0 = arith.constant 0 : i32
    %c0_i32_1 = arith.constant 0 : i32
    return %c0_i32, %c0_i32_0 : i32, i32
  }
  func.func @transform_6(%arg0: i32, %arg1: i32) -> (i32, i32) {
    %c0_i32 = arith.constant 0 : i32
    %c0_i32_0 = arith.constant 0 : i32
    %c0_i32_1 = arith.constant 0 : i32
    return %c0_i32, %c0_i32_0 : i32, i32
  }
  func.func @transform_7(%arg0: i32, %arg1: i32) -> (i32, i32) {
    %c0_i32 = arith.constant 0 : i32
    %c0_i32_0 = arith.constant 0 : i32
    %c0_i32_1 = arith.constant 0 : i32
    return %c0_i32, %c0_i32_0 : i32, i32
  }
  func.func @transform_8(%arg0: i32, %arg1: i32) -> (i32, i32) {
    %c0_i32 = arith.constant 0 : i32
    %c0_i32_0 = arith.constant 0 : i32
    %c0_i32_1 = arith.constant 0 : i32
    return %c0_i32, %c0_i32_0 : i32, i32
  }
  func.func @transform_9(%arg0: i32, %arg1: i32) -> (i32, i32) {
    %c0_i32 = arith.constant 0 : i32
    %c0_i32_0 = arith.constant 0 : i32
    %c0_i32_1 = arith.constant 0 : i32
    return %c0_i32, %c0_i32_0 : i32, i32
  }
  func.func @transform_10(%arg0: i32, %arg1: i32) -> (i32, i32) {
    %c0_i32 = arith.constant 0 : i32
    %c0_i32_0 = arith.constant 0 : i32
    %c0_i32_1 = arith.constant 0 : i32
    return %c0_i32, %c0_i32_0 : i32, i32
  }
  func.func @transform_11(%arg0: i32, %arg1: i32) -> (i32, i32) {
    %c0_i32 = arith.constant 0 : i32
    %c0_i32_0 = arith.constant 0 : i32
    %c0_i32_1 = arith.constant 0 : i32
    return %c0_i32, %c0_i32_0 : i32, i32
  }
  func.func @transform_12(%arg0: i32, %arg1: i32) -> (i32, i32) {
    %c0_i32 = arith.constant 0 : i32
    %c0_i32_0 = arith.constant 0 : i32
    %c0_i32_1 = arith.constant 0 : i32
    return %c0_i32, %c0_i32_0 : i32, i32
  }
  func.func @transform_13(%arg0: i32, %arg1: i32) -> (i32, i32, i32, i32) {
    %c0_i32 = arith.constant 0 : i32
    %c0_i32_0 = arith.constant 0 : i32
    %c0_i32_1 = arith.constant 0 : i32
    return %arg0, %c0_i32, %c0_i32_0, %arg1 : i32, i32, i32, i32
  }
  func.func @transform_14(%arg0: i32, %arg1: i32) -> (i32, i32, i32, i32) {
    %c0_i32 = arith.constant 0 : i32
    %c0_i32_0 = arith.constant 0 : i32
    %c0_i32_1 = arith.constant 0 : i32
    return %arg0, %c0_i32, %c0_i32_0, %arg1 : i32, i32, i32, i32
  }
  func.func @transform_15(%arg0: i32, %arg1: i32) -> (i32, i32, i32, i32) {
    %c0_i32 = arith.constant 0 : i32
    %c0_i32_0 = arith.constant 0 : i32
    %c0_i32_1 = arith.constant 0 : i32
    return %arg0, %c0_i32, %c0_i32_0, %arg1 : i32, i32, i32, i32
  }
  func.func @transform_16(%arg0: i32, %arg1: i32) -> (i32, i32, i32, i32) {
    %c0_i32 = arith.constant 0 : i32
    %c0_i32_0 = arith.constant 0 : i32
    %c0_i32_1 = arith.constant 0 : i32
    return %arg0, %c0_i32, %c0_i32_0, %arg1 : i32, i32, i32, i32
  }
  func.func @transform_17(%arg0: i32, %arg1: i32) -> (i32, i32, i32, i32) {
    %c0_i32 = arith.constant 0 : i32
    %c0_i32_0 = arith.constant 0 : i32
    %c0_i32_1 = arith.constant 0 : i32
    return %arg0, %c0_i32, %c0_i32_0, %arg1 : i32, i32, i32, i32
  }
  func.func @transform_18(%arg0: i32, %arg1: i32) -> (i32, i32, i32, i32) {
    %c0_i32 = arith.constant 0 : i32
    %c0_i32_0 = arith.constant 0 : i32
    %c0_i32_1 = arith.constant 0 : i32
    return %arg0, %c0_i32, %c0_i32_0, %arg1 : i32, i32, i32, i32
  }
}

module attributes {stable_mosaic.version = 14 : i64} {
  func.func @_out_proj_body(%arg0: i32, %arg1: memref<1x256x2048xf32, #tpu.memory_space<vmem>>, %arg2: memref<256x256xf32, #tpu.memory_space<vmem>>, %arg3: memref<256xf32, #tpu.memory_space<vmem>>, %arg4: memref<1x2048x256xf32, #tpu.memory_space<vmem>>) attributes {dimension_semantics = [#tpu.dimension_semantics<arbitrary>], iteration_bounds = array<i64: 2>, scalar_prefetch = 0 : i64, scratch_operands = 0 : i64, tpu.core_type = #tpu.core_type<tc>, window_params = [{transform_indices = @transform_0, window_bounds = array<i64: 1, 256, 2048>}, {pipeline_mode = #tpu.pipeline_mode<synchronous>, transform_indices = @transform_1, window_bounds = array<i64: 256, 256>}, {pipeline_mode = #tpu.pipeline_mode<synchronous>, transform_indices = @transform_2, window_bounds = array<i64: 256>}, {transform_indices = @transform_3, window_bounds = array<i64: 1, 2048, 256>}]} {
    %get3A = arith.constant 0 : index
    %get3A_0 = arith.constant 0 : index
    %get3A_1 = arith.constant 0 : index
    %get3A_2 = vector.load %arg1[%get3A, %get3A_0, %get3A_1] : memref<1x256x2048xf32, #tpu.memory_space<vmem>>, vector<1x256x2048xf32>
    %get3A_3 = vector.shape_cast %get3A_2 : vector<1x256x2048xf32> to vector<256x2048xf32>
    %get3A_4 = arith.constant 0 : index
    %get3A_5 = arith.constant 0 : index
    %get3A_6 = vector.load %arg2[%get3A_4, %get3A_5] : memref<256x256xf32, #tpu.memory_space<vmem>>, vector<256x256xf32>
    %dot_general3A = arith.constant dense<0.000000e+00> : vector<2048x256xf32>
    %dot_general3A_7 = tpu.matmul %get3A_3, %get3A_6, %dot_general3A {dimension_numbers = #tpu.dot_dimension_numbers<[0], [0], [1], [1], [0, 1, 1, 1], [], []>, precision = #tpu.contract_precision<fp32>, transpose_lhs_hint = false} : vector<256x2048xf32>, vector<256x256xf32>, vector<2048x256xf32> -> vector<2048x256xf32>
    %get3A_8 = arith.constant 0 : index
    %get3A_9 = vector.load %arg3[%get3A_8] : memref<256xf32, #tpu.memory_space<vmem>>, vector<256xf32>
    %broadcast_in_dim3A = vector.shape_cast %get3A_9 : vector<256xf32> to vector<1x256xf32>
    %add3A = vector.broadcast %broadcast_in_dim3A : vector<1x256xf32> to vector<2048x256xf32>
    %add3A_10 = arith.addf %dot_general3A_7, %add3A : vector<2048x256xf32>
    %broadcast_in_dim3A_11 = vector.shape_cast %add3A_10 : vector<2048x256xf32> to vector<1x2048x256xf32>
    %swap3A = arith.constant 0 : index
    %swap3A_12 = arith.constant 0 : index
    %swap3A_13 = arith.constant 0 : index
    %swap3A_14 = vector.load %arg4[%swap3A, %swap3A_12, %swap3A_13] : memref<1x2048x256xf32, #tpu.memory_space<vmem>>, vector<1x2048x256xf32>
    tpu.vector_store %arg4[%swap3A, %swap3A_12, %swap3A_13], %broadcast_in_dim3A_11 {strides = array<i32>} : memref<1x2048x256xf32, #tpu.memory_space<vmem>>, vector<1x2048x256xf32>,
    return
  }
  func.func @transform_0(%arg0: i32) -> (i32, i32, i32) {
    %c0_i32 = arith.constant 0 : i32
    %c0_i32_0 = arith.constant 0 : i32
    %c0_i32_1 = arith.constant 0 : i32
    return %arg0, %c0_i32, %c0_i32_0 : i32, i32, i32
  }
  func.func @transform_1(%arg0: i32) -> (i32, i32) {
    %c0_i32 = arith.constant 0 : i32
    %c0_i32_0 = arith.constant 0 : i32
    %c0_i32_1 = arith.constant 0 : i32
    return %c0_i32, %c0_i32_0 : i32, i32
  }
  func.func @transform_2(%arg0: i32) -> i32 {
    %c0_i32 = arith.constant 0 : i32
    %c0_i32_0 = arith.constant 0 : i32
    return %c0_i32 : i32
  }
  func.func @transform_3(%arg0: i32) -> (i32, i32, i32) {
    %c0_i32 = arith.constant 0 : i32
    %c0_i32_0 = arith.constant 0 : i32
    %c0_i32_1 = arith.constant 0 : i32
    return %arg0, %c0_i32, %c0_i32_0 : i32, i32, i32
  }
}

</mosaic_0001>

<sc_bundles>
// kernel: gather_offload_async_start
scs
__scs_entry_jumppad:
0x0: {  	(pc) =	sbr.rel $0x88, $3  }
0x1: {  	(tag) =	ssettag $0x0;
	lr =	simm.s32 $0x1  }
0x2: {  	[smem:$0x3F96] =	sst lr;
	_ =	strace $0xD0000000  }
0x3: {  	_ = 	snop  }
0x4: {  	_ = 	snop  }
0x5: {  	_ = 	snop  }
0x6: {  	_ = 	snop  }
0x7: {  	_ = 	snop  }
__scs_overlays_trampoline_lowered:
0x8: {  	[smem:$0x3FA5] =	sst s0  }
0x9: {  	[smem:$0x3FA6] =	sst s1  }
0xa: {  	[smem:$0x3FA7] =	sst s2  }
0xb: {  	[smem:$0x3FA8] =	sst s3  }
0xc: {  	[smem:$0x3FA9] =	sst s4  }
0xd: {  	[smem:$0x3FAA] =	sst s5  }
0xe: {  	[smem:$0x3FAB] =	sst s6  }
0xf: {  	[smem:$0x3FAC] =	sst s7  }
0x10: {  	[smem:$0x3FAD] =	sst s8  }
0x11: {  	[smem:$0x3FAE] =	sst s9;
	s0 =	simm.s32 @!p0 $0x0  }
0x12: {  	s1 =	sld [smem:$0x3F94];
	s0 =	simm.s32 @p0 $0x1  }
0x13: {  	[smem:$0x3FAF] =	sst s0;
	s0 =	simm.s32 @!p1 $0x0  }
0x14: {  	s2 =	sld [smem:$0x3F93];
	s0 =	simm.s32 @p1 $0x1  }
0x15: {  	[smem:$0x3FB0] =	sst s0;
	s0 =	simm.s32 @!p2 $0x0  }
0x16: {  	s3 =	sld [smem:$0x3FDB];
	s0 =	simm.s32 @p2 $0x1  }
0x17: {  	s4 =	simm.s32 $0x1BF5;
	[smem:$0x3FB2] =	sst s0  }
0x18: {  	s0 =	sld [smem:$0x3F95];
	_ =	swait.ge [sflag:s4], $0x0  }
0x19: {  	s7 =	sld [smem:$0x3F96]  }
0x1a: {  	s8 =	sadd.s32 $0xFFFFE003, lr  }
0x1b: {  	s9 =	sadd.s32 $0xFFFFFEF7, lr;
	s5 =	simm.s32 $0xFFFFFFFF;
	p2 =	slt.u32 s8, $0xFFFFF086  }
0x1c: {  	p1 =	slt.u32 s9, $0xF7A;
	s5 =	simm.s32 @!p2 $0x0  }
0x1d: {  	s5 =	simm.s32 @p1 $0x1;
	p0 =	seq.s32 s7, s2  }
0x1e: {  	s7 =	smul.u32 @!p0 $0xF7A, s2;
	p2 =	seq.s32 @!p0 s5, $0x0  }
0x1f: {  	s9 =	smul.u32 $0xF7A, s1;
	s8 =	simm.s32 @!p0 $0x1BF5;
	p2 =	por !p2, p0  }
0x20: {  	[sflag:s8] =	ssyncset.s32 @!p0 $0xFFFFF086;
	s6 =	sadd.s32 @!p0 s3, s7;
	s7 =	simm.s32 @!p0 $0x108  }
0x21: {  	s3 =	sadd.s32 s3, s9;
	s6 =	sadd.s32 @!p0 $0x88, s6;
	s7 =	simm.s32 @p2 $0x1082  }
0x22: {  	[simem:s7], [sflag:s8] =	dma.local @!p0 [hbm:s6], $0xF7A  }
0x23: {  	s9 =	sor.u32 $0xD0000000, s2;
	s6 =	simm.s32 $0x108;
	_ =	swait.ge @!p0 [sflag:s8], $0x0  }
0x24: {  	s3 =	sadd.s32 $0x88, s3;
	s6 =	simm.s32 @!p1 $0x1082;
	[sflag:s4] =	ssyncset.s32 $0xFFFFF086  }
0x25: {  	[simem:s6], [sflag:s4] =	dma.local [hbm:s3], $0xF7A  }
0x26: {  	[smem:$0x3F96] =	sst s1;
	(tag) =	ssettag s2;
	_ =	strace s9  }
0x27: {  	s1 =	sld [smem:$0x3FA6]  }
0x28: {  	s2 =	sld [smem:$0x3FA7]  }
0x29: {  	s4 =	sld [smem:$0x3FA9]  }
0x2a: {  	p0 =	seq.s32 s5, $0x0;
	s5 =	sld [smem:$0x3FAA]  }
0x2b: {  	s6 =	sld [smem:$0x3FAB]  }
0x2c: {  	s7 =	sld [smem:$0x3FAC]  }
0x2d: {  	s3 =	simm.s32 $0x108;
	s8 =	sld [smem:$0x3FAD]  }
0x2e: {  	s3 =	simm.s32 @!p0 $0x1082;
	s9 =	sld [smem:$0x3FAE]  }
0x2f: {  	lr =	sadd.s32 s0, s3;
	s0 =	sld [smem:$0x3FA5]  }
0x30: {  	s3 =	sld [smem:$0x3FA8]  }
0x31: {  	[smem:$0x3FB1] =	sst s10  }
0x32: {  	s10 =	sld [smem:$0x3FAF];
	_ =	sdelay $0x3  }
0x33: {  	p0 =	seq.s32 s10, $0x1;
	s10 =	sld [smem:$0x3FB1];
	_ =	sdelay $0x3  }
0x34: {  	[smem:$0x3FB1] =	sst s10  }
0x35: {  	s10 =	sld [smem:$0x3FB0];
	_ =	sdelay $0x3  }
0x36: {  	p1 =	seq.s32 s10, $0x1;
	s10 =	sld [smem:$0x3FB1];
	_ =	sdelay $0x3  }
0x37: {  	[smem:$0x3FB1] =	sst s10  }
0x38: {  	s10 =	sld [smem:$0x3FB2]  }
0x39: {  	_ = 	snop;
	(pc) =	sbr.ind lr, $3  }
0x3a: {  	_ = 	snop  }
0x3b: {  	_ = 	snop  }
0x3c: {  	p2 =	seq.s32 s10, $0x1;
	s10 =	sld [smem:$0x3FB1]  }
0x3d: {  	_ =	shalt  }
0x3e: {  	_ =	shalt  }
0x3f: {  	_ =	shalt  }
0x40: {  	_ =	shalt  }
0x41: {  	_ =	shalt  }
0x42: {  	_ =	shalt  }
0x43: {  	_ =	shalt  }
0x44: {  	_ =	shalt  }
0x45: {  	_ =	shalt  }
0x46: {  	_ =	shalt  }
0x47: {  	_ =	shalt  }
0x48: {  	_ =	shalt  }
0x49: {  	_ =	shalt  }
0x4a: {  	_ =	shalt  }
0x4b: {  	_ =	shalt  }
0x4c: {  	_ =	shalt  }
0x4d: {  	_ =	shalt  }
0x4e: {  	_ =	shalt  }
0x4f: {  	_ =	shalt  }
0x50: {  	_ =	shalt  }
0x51: {  	_ =	shalt  }
0x52: {  	_ =	shalt  }
0x53: {  	_ =	shalt  }
0x54: {  	_ =	shalt  }
0x55: {  	_ =	shalt  }
0x56: {  	_ =	shalt  }
0x57: {  	_ =	shalt  }
0x58: {  	_ =	shalt  }
0x59: {  	_ =	shalt  }
0x5a: {  	_ =	shalt  }
0x5b: {  	_ =	shalt  }
0x5c: {  	_ =	shalt  }
0x5d: {  	_ =	shalt  }
0x5e: {  	_ =	shalt  }
0x5f: {  	_ =	shalt  }
0x60: {  	_ =	shalt  }
0x61: {  	_ =	shalt  }
0x62: {  	_ =	shalt  }
0x63: {  	_ =	shalt  }
0x64: {  	_ =	shalt  }
0x65: {  	_ =	shalt  }
0x66: {  	_ =	shalt  }
0x67: {  	_ =	shalt  }
0x68: {  	_ =	shalt  }
0x69: {  	_ =	shalt  }
0x6a: {  	_ =	shalt  }
0x6b: {  	_ =	shalt  }
0x6c: {  	_ =	shalt  }
0x6d: {  	_ =	shalt  }
0x6e: {  	_ =	shalt  }
0x6f: {  	_ =	shalt  }
0x70: {  	_ =	shalt  }
0x71: {  	_ =	shalt  }
0x72: {  	_ =	shalt  }
0x73: {  	_ =	shalt  }
0x74: {  	_ =	shalt  }
0x75: {  	_ =	shalt  }
0x76: {  	_ =	shalt  }
0x77: {  	_ =	shalt  }
0x78: {  	_ =	shalt  }
0x79: {  	_ =	shalt  }
0x7a: {  	_ =	shalt  }
0x7b: {  	_ =	shalt  }
0x7c: {  	_ =	shalt  }
0x7d: {  	_ =	shalt  }
0x7e: {  	_ =	shalt  }
0x7f: {  	_ =	shalt  }
0x80: {  	_ =	shalt  }
0x81: {  	_ =	shalt  }
0x82: {  	_ =	shalt  }
0x83: {  	_ =	shalt  }
0x84: {  	_ =	shalt  }
0x85: {  	_ =	shalt  }
0x86: {  	_ =	shalt  }
0x87: {  	_ =	shalt  }
.Lfunc_end0:
.L_simem_size_0:
called_computation_lowered:
.L_overlay_start_0:
0x88: {  	s2 =	sld [smem:$0x3FD9]  }
0x89: {  	s3 =	sld [smem:$0x3FFE];
	_ =	sdelay $0x1  }
0x8a: {  	s1 =	srdreg.scid  }
0x8b: {  	s0 =	sand.u32 $0x1, s1  }
0x8c: {  	s17 =	sshll.u32 s0, $0xA;
	s2 =	sadd.s32 s3, s2  }
0x8d: {  	s2 =	sadd.s32 s2, s17  }
0x8e: {  	[smem:$0x3FBD] =	sst s2  }
0x8f: {  	_ = 	snop  }
0x90: {  	s2 =	sld [smem:$0x3FC3]  }
0x91: {  	s18 =	sld [smem:$0x3FD0];
	(tm) =	ssettm $0x1  }
0x92: {  	s4 =	sld [smem:$0x3FFB];
	_ =	sdelay $0x3  }
0x93: {  	_ =	strace s4  }
0x94: {  	s4 =	sld [smem:$0x3FFC];
	_ =	sdelay $0x3  }
0x95: {  	_ =	strace s4  }
0x96: {  	s4 =	sld [smem:$0x3FFD];
	_ =	sdelay $0x3  }
0x97: {  	_ =	strace s4  }
0x98: {  	_ =	strace $0x8FFFFFFF  }
0x99: {  	s19 =	sld [smem:$0x3FDB];
	_ =	sdelay $0x1  }
0x9a: {  	s5 =	simm.s32 $_scs_section_size  }
0x9b: {  	s6 =	simm.s32 $_size__tile_overlayer_lowered;
	s7 =	simm.s32 $_tile_overlayer_lowered  }
0x9c: {  	s22 =	simm.s32 $0x1BFF;
	s21 =	sshll.u32 s7, $0x1;
	s4 =	sadd.s32 s5, s19  }
0x9d: {  	s8 =	simm.s32 $0x0;
	s20 =	sshll.u32 s6, $0x1;
	s6 =	sadd.s32 s21, s4  }
0x9e: {  	[timem:s8], [sflag:s22] =	dma.local [hbm:s6], s20  }
0x9f: {  	_ =	swait.ge [sflag:s22], s20  }
0xa0: {  	s5 =	ssub.s32 $0x0, s20;
	[sflag:s22] =	ssyncset.done $0x0  }
0xa1: {  	[sflag:s22] =	ssyncadd.s32 s5;
	_ =	sdelay $0x1  }
0xa2: {  	s23 =	simm.s32 $0x1B8B  }
0xa3: {  	_ =	swait.ge [sflag:s23], $0x1  }
0xa4: {  	[sflag:s23] =	ssyncset.done $0x0  }
0xa5: {  	s25 =	simm.s32 $0x1B8E;
	s24 =	sld [smem:$0x3FFE];
	[sflag:s23] =	ssyncadd.s32 $0xFFFFFFFF  }
0xa6: {  	s26 =	simm.s32 $execute0_lowered;
	[smem:$0x3FD2] =	sst s25  }
0xa7: {  	s6 =	sshll.u32 s26, $0x1;
	_ =	strace $0x80000046;
	[dreg:$0x1] =	wrdreg $0xFFFFFFFF  }
0xa8: {  	s28 =	simm.s32 $_size_execute0_lowered;
	s4 =	sadd.s32 s4, s6;
	[dreg:$0x0] =	wrdreg $0x0  }
0xa9: {  	s6 =	sshll.u32 s28, $0x1;
	[dreg:$0x2] =	wrdreg s4  }
0xaa: {  	[dreg:$0x3] =	wrdreg s6  }
0xab: {  	[dreg:$0x4] =	wrdreg $0xC0  }
0xac: {  	_ =	task [dreg:s8], $0x5FFFF  }
0xad: {  	[dreg:$0x1] =	wrdreg $0xFFFFFFFF  }
0xae: {  	[dreg:$0x0] =	wrdreg $0x60  }
0xaf: {  	[dreg:$0x2] =	wrdreg s2  }
0xb0: {  	[dreg:$0x3] =	wrdreg s18  }
0xb1: {  	[dreg:$0x4] =	wrdreg s24  }
0xb2: {  	[dreg:$0x5] =	wrdreg $0x9  }
0xb3: {  	_ =	task.clear_ibuf [dreg:s8], $0x6FFFF;
	_ =	strace $0x90000046  }
0xb4: {  	s29 =	simm.s32 $0x9;
	_ =	strace $0x80000048  }
0xb5: {  	_ =	swait.ge [sflag:s29], $0x1  }
0xb6: {  	[sflag:s29] =	ssyncadd.s32 $0xFFFFFFFF  }
0xb7: {  	_ =	strace $0x90000048  }
0xb8: {  	_ =	sfence  }
0xb9: {  	s30 =	sld [smem:$0x0];
	_ =	sdelay $0x2  }
0xba: {  	s31 =	sshll.u32 s1, $0xD;
	s1 =	sshrl.u32 s1, $0x2  }
0xbb: {  	s3 =	sand.u32 $0x4000, s31;
	s1 =	sadd.s32 s1, s30  }
0xbc: {  	s0 =	sor.u32 s3, s0;
	s1 =	sshll.u32 s1, $0x11  }
0xbd: {  	s0 =	sor.u32 s1, s0  }
0xbe: {  	s0 =	sadd.s32 $0x8F2B, s0  }
0xbf: {  	[sflag:s0] =	ssyncadd.remote.s32 $0x1  }
0xc0: {  	_ =	sfence.sel $0xFFFF  }
0xc1: {  	[dreg:$0x0] =	wrdreg $0xFFFFFFFF;
	(pc) =	sbr.abs _section_cstart, $3  }
0xc2: {  	[dreg:$0x1] =	wrdreg $0xFFFFFFFF  }
0xc3: {  	_ =	task.clear_ibuf [dreg:s8], $0x2FFFF;
	_ =	strace $0x9FFFFFFF  }
0xc4: {  	(tm) =	ssettm $0x7FFFFFFF  }
0xc5: {  	_ =	shalt  }
tec
execute0_lowered:
.L_overlay_start_1:
0x0: {  	(tag) =	ssettag $0x1  }
0x1: {  	s2 =	rddreg [dreg:$0x0]  }
0x2: {  	s1 =	srdreg.scid;
	s3 =	rddreg [dreg:$0x1]  }
0x3: {  	s0 =	stileid.u32;
	s5 =	rddreg [dreg:$0x2]  }
0x4: {  	s9 =	simm.s32 $0x1;
	s10 =	simm.s32 $0x3;
	s1 =	sshll.u32 s1, $0x6  }
0x5: {  	s13 =	simm.s32 $0x0;
	s4 =	sshll.u32 s0, $0x7;
	s6 =	sand.u32 $0x40, s1  }
0x6: {  	s12 =	simm.s32 $0x0;
	s5 =	sadd.s32 $0x3200, s5;
	s4 =	sor.u32 s4, s6  }
0x7: {  	s1 =	rddreg [dreg:$0x3];
	_ =	strace $0x80000047;
	s8 =	ssub.s32 $0xC00, s4  }
.Ltmp0:
0x8: {  	s6 =	simm.s32 $0x1;
	s7 =	sand.u32 $0x7C0, s8;
	(pc) =	sbr.rel .LBB2_1-.Ltmp0, $4  }
0x9: {  	[sflag:s6] =	ssyncpa.u1 $0x0;
	s11 =	smov.u32 s4;
	p0 =	sne.s32 s7, $0x0  }
0xa: {  	s8 =	sshrl.u32 s8, $0xB;
	s7 =	simm.s32 $0x2;
	s9 =	simm.s32 @!p0 $0x0  }
0xb: {  	[sflag:s7] =	ssyncpa.u1 $0x0;
	p0 =	por $0x0, $0x0;
	s8 =	sadd.s32 s9, s8  }
0xc: {  	vm0 =	vmmov $0xffff;
	[sflag:s10] =	ssyncpa.u1 $0x0;
	s10 =	simm.s32 $0x0;
	s9 =	sadd.s32 $0x1, s8  }
.LBB2_4:
0xd: {  	v2 =	vnsel vm1, $0x0, v2  }
0xe: {  	vm1 =	vgt.s32 v0, $0x0;
	v2 =	vmin.u32 v2, $0xBFF  }
0xf: {  	v0 =	vnsel vm1, $0x0, v0  }
0x10: {  	v0 =	vmin.u32 v0, $0xBFF  }
0x11: {  	[tilespmem:s15], [sflag:$0x1] =	stream.indirect_vreg.gather [hbm4b:s2+s10], $0x1, v1, vm0, $0x4038;
	[tilespmem:$0x100] =	vst v63  }
0x12: {  	(ifvalue) =	ssetifvalue $0x7FFFFFFF  }
0x13: {  	[tilespmem:s16], [sflag:$0x1] =	stream.indirect_vreg.gather [hbm4b:s2+s10], $0x1, v2, vm0, $0x4038;
	[tilespmem:$0x100] =	vst v63  }
0x14: {  	s29 =	sadd.s32 $0x10, s16;
	(ifvalue) =	ssetifvalue $0x7FFFFFFF  }
0x15: {  	[tilespmem:s29], [sflag:$0x1] =	stream.indirect_vreg.gather [hbm4b:s2+s10], $0x1, v0, vm0, $0x4038;
	[tilespmem:$0x100] =	vst v63  }
0x16: {  	_ =	swait.ge [sflag:s6], $0x40  }
0x17: {  	s30 =	sshrl.u32 s13, $0x3;
	[sflag:s6] =	ssyncset.done $0x0  }
0x18: {  	s31 =	sand.u32 $0x7, s13;
	s15 =	sadd.s32 s5, s30;
	[sflag:s6] =	ssyncadd.s32 $0xFFFFFFC0  }
0x19: {  	[hbm4b:s15+s31] =	stream.linear.scatter [tilespmem:s14], [sflag:$0x3], $0x40, $0x38;
	[tilespmem:$0x100] =	vst v63  }
.LBB2_5:
0x1a: {  	s15 =	sadd.s32 $0x800, s11  }
0x1b: {  	p2 =	sgt.s32 s15, $0xBFF  }
0x1c: {  	s15 =	smov.u32 @p2 s4;
	p2 =	sne.s32 s12, s9  }
.Ltmp1:
0x1d: {  	p1 =	slt.u32 s12, $0x2;
	(pc) =	sbr.rel @!p2 .LBB2_6-.Ltmp1, $4  }
0x1e: {  	s14 =	simm.s32 @!p1 $0x3  }
0x1f: {  	s16 =	sadd.s32 $0x1, s12;
	_ =	swait.ge @!p1 [sflag:s14], $0x40  }
0x20: {  	s13 =	smov.u32 s11;
	p0 =	por !p0, !p0;
	[sflag:s14] =	ssyncset.done @!p1 $0x0  }
0x21: {  	s12 =	smov.u32 s16;
	s11 =	smov.u32 s15;
	[sflag:s14] =	ssyncadd.s32 @!p1 $0xFFFFFFC0  }
.LBB2_1:
0x22: {  	p1 =	sge.u32 s12, s8  }
0x23: {  	s14 =	sxor.u32 @!p1 $0xFFFFFFFF, s12  }
0x24: {  	s31 =	sadd.s32 $0xFFFFFFFF, s12;
	s15 =	sshrl.u32 @!p1 s11, $0x3;
	s14 =	sshll.u32 @!p1 s14, $0x6  }
0x25: {  	s16 =	sand.u32 @!p1 $0x7, s11;
	s15 =	sadd.s32 @!p1 s3, s15;
	s14 =	sand.u32 @!p1 $0x40, s14  }
0x26: {  	[tilespmem:s14], [sflag:$0x2] =	stream.linear.gather @!p1 [hbm4b:s15+s16], $0x40, $0x38;
	[tilespmem:$0x100] =	vst v63  }
0x27: {  	p1 =	sge.u32 s31, s8  }
.Ltmp2:
0x28: {  	_ = 	snop;
	(pc) =	sbr.rel @p1 .LBB2_5-.Ltmp2, $1  }
0x29: {  	_ =	sdelay $0x3  }
0x2a: {  	s14 =	simm.s32 $0x1  }
0x2b: {  	_ =	swait.ge [sflag:s7], $0x40;
	s14 =	simm.s32 @!p0 $0x0  }
0x2c: {  	[sflag:s7] =	ssyncset.done $0x0;
	s14 =	sshll.u32 s14, $0x6  }
0x2d: {  	[sflag:s7] =	ssyncadd.s32 $0xFFFFFFC0;
	(ifvalue) =	ssetifvalue $0x7FFFFFFF;
	v0 =	vld.msk [tilespmem:s14+$0x0 ss:$0x1], $0xffff;
	_ =	sdelay $0x4  }
0x2e: {  	s15 =	sadd.s32 $0x10, s14;
	vm1 =	vgt.s32 v0, $0x0  }
0x2f: {  	v2 =	vld.msk [tilespmem:s15+$0x0 ss:$0x1], $0xffff;
	v1 =	vnsel vm1, $0x0, v0  }
0x30: {  	v1 =	vmin.u32 v1, $0xBFF;
	_ =	sdelay $0x1  }
0x31: {  	s16 =	sshll.u32 s12, $0x6;
	s18 =	simm.s32 $0x20  }
0x32: {  	s16 =	sand.u32 $0x40, s16;
	s17 =	sadd.s32 $0x10, s15;
	s15 =	sor.u32 $0x80, s14  }
0x33: {  	s14 =	sor.u32 $0x80, s16;
	s16 =	sadd.s32 $0x10, s15;
	v0 =	vld.msk [tilespmem:s17+$0x0 ss:$0x1], $0xffff;
	vm1 =	vgt.s32 v2, $0x0;
	(ifvalue) =	ssetifvalue $0x7FFFFFFF  }
.LBB2_3:
0x34: {  	[tilespmem:s15], [sflag:$0x1] =	stream.indirect_vreg.gather [hbm4b:s2+s10], $0x1, v1, vm0, $0x4038;
	[tilespmem:$0x100] =	vst v63  }
0x35: {  	s18 =	sadd.s32 $0x10, s18  }
0x36: {  	v2 =	vnsel vm1, $0x0, v2;
	p1 =	slt.u32 s18, $0x30  }
.Ltmp3:
0x37: {  	s15 =	smov.u32 s16;
	v1 =	vmin.u32 v2, $0xBFF;
	(pc) =	sbr.rel @p1 .LBB2_3-.Ltmp3, $3  }
0x38: {  	_ =	sdelay $0x1  }
0x39: {  	s17 =	sadd.s32 $0x10, s17  }
0x3a: {  	vm1 =	vgt.s32 v0, $0x0;
	s16 =	sadd.s32 $0x10, s16;
	v2 =	vmov v0;
	(ifvalue) =	ssetifvalue $0x7FFFFFFF;
	v0 =	vld.msk [tilespmem:s17+$0x0 ss:$0x1], $0xffff  }
.Ltmp4:
0x3b: {  	_ = 	snop;
	(pc) =	sbr.rel .LBB2_4-.Ltmp4, $1  }
0x3c: {  	_ =	sdelay $0x3  }
.LBB2_6:
0x3d: {  	_ =	sfence.sel $0x180000  }
0x3e: {  	s2 =	simm.s32 $0x2;
	[bflag:$0x0] =	sbarrier.arrive $0xFFFF  }
0x3f: {  	s30 =	simm.s32 $0x3;
	[sflag:s2] =	ssyncpa.u1 $0x1  }
0x40: {  	s31 =	simm.s32 $0x1;
	[sflag:s30] =	ssyncpa.u1 $0x1  }
0x41: {  	[sflag:s31] =	ssyncpa.u1 $0x1  }
0x42: {  	p0 =	sne.s32 s0, $0x0;
	_ =	strace $0x90000047  }
0x43: {  	s0 =	sadd.s32 @!p0 $0x100000, s1;
	[bflag:$0x2] =	sbarrier.arrive $0xFFFF  }
0x44: {  	[sflag:s0] =	ssyncadd.tile.s32 @!p0 $0x1;
	_ =	shalt  }
.Lfunc_end2:
_tile_overlayer_lowered:
.L_overlay_start_2:
0x45: {  	(tag) =	ssettag $0x2  }
0x46: {  	s0 =	rddreg [dreg:$0x0];
	s2 =	stileid.u32  }
0x47: {  	s1 =	rddreg [dreg:$0x1];
	p0 =	sne.s32 s2, $0x0  }
0x48: {  	s3 =	rddreg [dreg:$0x2];
	[bflag:$0x3] =	sbarrier.arrive $0xFFFF;
	s2 =	simm.s32 @!p0 $0x1C01  }
0x49: {  	[timem:s3], [sflag:s2] =	dma.local @!p0 [hbm:s0], s1  }
0x4a: {  	s0 =	simm.s32 @!p0 $0x1  }
0x4b: {  	_ =	swait.ge @!p0 [sflag:s0], s1  }
0x4c: {  	s1 =	ssub.s32 @!p0 $0x0, s1;
	[sflag:s0] =	ssyncset.done @!p0 $0x0  }
0x4d: {  	[sflag:s0] =	ssyncadd.s32 @!p0 s1  }
0x4e: {  	[bflag:$0x3] =	sbarrier.arrive $0xFFFF  }
0x4f: {  	_ =	shalt  }

// kernel: kernel.6.cloned.1.call-start
scs
__scs_entry_jumppad:
0x0: {  	(pc) =	sbr.rel $0x88, $3  }
0x1: {  	(tag) =	ssettag $0x0;
	lr =	simm.s32 $0x1  }
0x2: {  	[smem:$0x3F96] =	sst lr;
	_ =	strace $0xD0000000  }
0x3: {  	_ = 	snop  }
0x4: {  	_ = 	snop  }
0x5: {  	_ = 	snop  }
0x6: {  	_ = 	snop  }
0x7: {  	_ = 	snop  }
__scs_overlays_trampoline_lowered:
0x8: {  	[smem:$0x3FA5] =	sst s0  }
0x9: {  	[smem:$0x3FA6] =	sst s1  }
0xa: {  	[smem:$0x3FA7] =	sst s2  }
0xb: {  	[smem:$0x3FA8] =	sst s3  }
0xc: {  	[smem:$0x3FA9] =	sst s4  }
0xd: {  	[smem:$0x3FAA] =	sst s5  }
0xe: {  	[smem:$0x3FAB] =	sst s6  }
0xf: {  	[smem:$0x3FAC] =	sst s7  }
0x10: {  	[smem:$0x3FAD] =	sst s8  }
0x11: {  	[smem:$0x3FAE] =	sst s9;
	s0 =	simm.s32 @!p0 $0x0  }
0x12: {  	s1 =	sld [smem:$0x3F94];
	s0 =	simm.s32 @p0 $0x1  }
0x13: {  	[smem:$0x3FAF] =	sst s0;
	s0 =	simm.s32 @!p1 $0x0  }
0x14: {  	s2 =	sld [smem:$0x3F93];
	s0 =	simm.s32 @p1 $0x1  }
0x15: {  	[smem:$0x3FB0] =	sst s0;
	s0 =	simm.s32 @!p2 $0x0  }
0x16: {  	s3 =	sld [smem:$0x3FDB];
	s0 =	simm.s32 @p2 $0x1  }
0x17: {  	s4 =	simm.s32 $0x1BF5;
	[smem:$0x3FB2] =	sst s0  }
0x18: {  	s0 =	sld [smem:$0x3F95];
	_ =	swait.ge [sflag:s4], $0x0  }
0x19: {  	s7 =	sld [smem:$0x3F96]  }
0x1a: {  	s8 =	sadd.s32 $0xFFFFE003, lr  }
0x1b: {  	s9 =	sadd.s32 $0xFFFFFEF7, lr;
	s5 =	simm.s32 $0xFFFFFFFF;
	p2 =	slt.u32 s8, $0xFFFFF086  }
0x1c: {  	p1 =	slt.u32 s9, $0xF7A;
	s5 =	simm.s32 @!p2 $0x0  }
0x1d: {  	s5 =	simm.s32 @p1 $0x1;
	p0 =	seq.s32 s7, s2  }
0x1e: {  	s7 =	smul.u32 @!p0 $0xF7A, s2;
	p2 =	seq.s32 @!p0 s5, $0x0  }
0x1f: {  	s9 =	smul.u32 $0xF7A, s1;
	s8 =	simm.s32 @!p0 $0x1BF5;
	p2 =	por !p2, p0  }
0x20: {  	[sflag:s8] =	ssyncset.s32 @!p0 $0xFFFFF086;
	s6 =	sadd.s32 @!p0 s3, s7;
	s7 =	simm.s32 @!p0 $0x108  }
0x21: {  	s3 =	sadd.s32 s3, s9;
	s6 =	sadd.s32 @!p0 $0x88, s6;
	s7 =	simm.s32 @p2 $0x1082  }
0x22: {  	[simem:s7], [sflag:s8] =	dma.local @!p0 [hbm:s6], $0xF7A  }
0x23: {  	s9 =	sor.u32 $0xD0000000, s2;
	s6 =	simm.s32 $0x108;
	_ =	swait.ge @!p0 [sflag:s8], $0x0  }
0x24: {  	s3 =	sadd.s32 $0x88, s3;
	s6 =	simm.s32 @!p1 $0x1082;
	[sflag:s4] =	ssyncset.s32 $0xFFFFF086  }
0x25: {  	[simem:s6], [sflag:s4] =	dma.local [hbm:s3], $0xF7A  }
0x26: {  	[smem:$0x3F96] =	sst s1;
	(tag) =	ssettag s2;
	_ =	strace s9  }
0x27: {  	s1 =	sld [smem:$0x3FA6]  }
0x28: {  	s2 =	sld [smem:$0x3FA7]  }
0x29: {  	s4 =	sld [smem:$0x3FA9]  }
0x2a: {  	p0 =	seq.s32 s5, $0x0;
	s5 =	sld [smem:$0x3FAA]  }
0x2b: {  	s6 =	sld [smem:$0x3FAB]  }
0x2c: {  	s7 =	sld [smem:$0x3FAC]  }
0x2d: {  	s3 =	simm.s32 $0x108;
	s8 =	sld [smem:$0x3FAD]  }
0x2e: {  	s3 =	simm.s32 @!p0 $0x1082;
	s9 =	sld [smem:$0x3FAE]  }
0x2f: {  	lr =	sadd.s32 s0, s3;
	s0 =	sld [smem:$0x3FA5]  }
0x30: {  	s3 =	sld [smem:$0x3FA8]  }
0x31: {  	[smem:$0x3FB1] =	sst s10  }
0x32: {  	s10 =	sld [smem:$0x3FAF];
	_ =	sdelay $0x3  }
0x33: {  	p0 =	seq.s32 s10, $0x1;
	s10 =	sld [smem:$0x3FB1];
	_ =	sdelay $0x3  }
0x34: {  	[smem:$0x3FB1] =	sst s10  }
0x35: {  	s10 =	sld [smem:$0x3FB0];
	_ =	sdelay $0x3  }
0x36: {  	p1 =	seq.s32 s10, $0x1;
	s10 =	sld [smem:$0x3FB1];
	_ =	sdelay $0x3  }
0x37: {  	[smem:$0x3FB1] =	sst s10  }
0x38: {  	s10 =	sld [smem:$0x3FB2]  }
0x39: {  	_ = 	snop;
	(pc) =	sbr.ind lr, $3  }
0x3a: {  	_ = 	snop  }
0x3b: {  	_ = 	snop  }
0x3c: {  	p2 =	seq.s32 s10, $0x1;
	s10 =	sld [smem:$0x3FB1]  }
0x3d: {  	_ =	shalt  }
0x3e: {  	_ =	shalt  }
0x3f: {  	_ =	shalt  }
0x40: {  	_ =	shalt  }
0x41: {  	_ =	shalt  }
0x42: {  	_ =	shalt  }
0x43: {  	_ =	shalt  }
0x44: {  	_ =	shalt  }
0x45: {  	_ =	shalt  }
0x46: {  	_ =	shalt  }
0x47: {  	_ =	shalt  }
0x48: {  	_ =	shalt  }
0x49: {  	_ =	shalt  }
0x4a: {  	_ =	shalt  }
0x4b: {  	_ =	shalt  }
0x4c: {  	_ =	shalt  }
0x4d: {  	_ =	shalt  }
0x4e: {  	_ =	shalt  }
0x4f: {  	_ =	shalt  }
0x50: {  	_ =	shalt  }
0x51: {  	_ =	shalt  }
0x52: {  	_ =	shalt  }
0x53: {  	_ =	shalt  }
0x54: {  	_ =	shalt  }
0x55: {  	_ =	shalt  }
0x56: {  	_ =	shalt  }
0x57: {  	_ =	shalt  }
0x58: {  	_ =	shalt  }
0x59: {  	_ =	shalt  }
0x5a: {  	_ =	shalt  }
0x5b: {  	_ =	shalt  }
0x5c: {  	_ =	shalt  }
0x5d: {  	_ =	shalt  }
0x5e: {  	_ =	shalt  }
0x5f: {  	_ =	shalt  }
0x60: {  	_ =	shalt  }
0x61: {  	_ =	shalt  }
0x62: {  	_ =	shalt  }
0x63: {  	_ =	shalt  }
0x64: {  	_ =	shalt  }
0x65: {  	_ =	shalt  }
0x66: {  	_ =	shalt  }
0x67: {  	_ =	shalt  }
0x68: {  	_ =	shalt  }
0x69: {  	_ =	shalt  }
0x6a: {  	_ =	shalt  }
0x6b: {  	_ =	shalt  }
0x6c: {  	_ =	shalt  }
0x6d: {  	_ =	shalt  }
0x6e: {  	_ =	shalt  }
0x6f: {  	_ =	shalt  }
0x70: {  	_ =	shalt  }
0x71: {  	_ =	shalt  }
0x72: {  	_ =	shalt  }
0x73: {  	_ =	shalt  }
0x74: {  	_ =	shalt  }
0x75: {  	_ =	shalt  }
0x76: {  	_ =	shalt  }
0x77: {  	_ =	shalt  }
0x78: {  	_ =	shalt  }
0x79: {  	_ =	shalt  }
0x7a: {  	_ =	shalt  }
0x7b: {  	_ =	shalt  }
0x7c: {  	_ =	shalt  }
0x7d: {  	_ =	shalt  }
0x7e: {  	_ =	shalt  }
0x7f: {  	_ =	shalt  }
0x80: {  	_ =	shalt  }
0x81: {  	_ =	shalt  }
0x82: {  	_ =	shalt  }
0x83: {  	_ =	shalt  }
0x84: {  	_ =	shalt  }
0x85: {  	_ =	shalt  }
0x86: {  	_ =	shalt  }
0x87: {  	_ =	shalt  }
.Lfunc_end0:
.L_simem_size_0:
called_computation.1_lowered:
.L_overlay_start_0:
0x88: {  	s2 =	sld [smem:$0x3FD9]  }
0x89: {  	s3 =	sld [smem:$0x3FFE];
	_ =	sdelay $0x1  }
0x8a: {  	s1 =	srdreg.scid  }
0x8b: {  	s0 =	sand.u32 $0x1, s1  }
0x8c: {  	s17 =	sshll.u32 s0, $0xA;
	s2 =	sadd.s32 s3, s2  }
0x8d: {  	s2 =	sadd.s32 s2, s17  }
0x8e: {  	[smem:$0x3FBD] =	sst s2  }
0x8f: {  	_ = 	snop  }
0x90: {  	s2 =	sld [smem:$0x3FD0];
	(tm) =	ssettm $0x1  }
0x91: {  	s18 =	sld [smem:$0x3FFB];
	_ =	sdelay $0x3  }
0x92: {  	_ =	strace s18  }
0x93: {  	s3 =	sld [smem:$0x3FFC];
	_ =	sdelay $0x3  }
0x94: {  	_ =	strace s3  }
0x95: {  	s3 =	sld [smem:$0x3FFD];
	_ =	sdelay $0x3  }
0x96: {  	_ =	strace s3  }
0x97: {  	_ =	strace $0x8FFFFFFF  }
0x98: {  	s19 =	sld [smem:$0x3FDB];
	_ =	sdelay $0x1  }
0x99: {  	s4 =	simm.s32 $_scs_section_size  }
0x9a: {  	s5 =	simm.s32 $_size__tile_overlayer_lowered;
	s6 =	simm.s32 $_tile_overlayer_lowered  }
0x9b: {  	s22 =	simm.s32 $0x1BFF;
	s21 =	sshll.u32 s6, $0x1;
	s3 =	sadd.s32 s4, s19  }
0x9c: {  	s7 =	simm.s32 $0x0;
	s20 =	sshll.u32 s5, $0x1;
	s5 =	sadd.s32 s21, s3  }
0x9d: {  	[timem:s7], [sflag:s22] =	dma.local [hbm:s5], s20  }
0x9e: {  	_ =	swait.ge [sflag:s22], s20  }
0x9f: {  	s4 =	ssub.s32 $0x0, s20;
	[sflag:s22] =	ssyncset.done $0x0  }
0xa0: {  	[sflag:s22] =	ssyncadd.s32 s4;
	_ =	sdelay $0x1  }
0xa1: {  	s23 =	simm.s32 $0x1B8B  }
0xa2: {  	_ =	swait.ge [sflag:s23], $0x1  }
0xa3: {  	[sflag:s23] =	ssyncset.done $0x0  }
0xa4: {  	s25 =	simm.s32 $0x1B8E;
	s24 =	sld [smem:$0x3FFE];
	[sflag:s23] =	ssyncadd.s32 $0xFFFFFFFF  }
0xa5: {  	s26 =	simm.s32 $execute0_lowered;
	[smem:$0x3FD2] =	sst s25  }
0xa6: {  	s5 =	sshll.u32 s26, $0x1;
	_ =	strace $0x80000049;
	[dreg:$0x1] =	wrdreg $0xFFFFFFFF  }
0xa7: {  	s28 =	simm.s32 $_size_execute0_lowered;
	s3 =	sadd.s32 s3, s5;
	[dreg:$0x0] =	wrdreg $0x0  }
0xa8: {  	s5 =	sshll.u32 s28, $0x1;
	[dreg:$0x2] =	wrdreg s3  }
0xa9: {  	[dreg:$0x3] =	wrdreg s5  }
0xaa: {  	[dreg:$0x4] =	wrdreg $0xC0  }
0xab: {  	_ =	task [dreg:s7], $0x5FFFF  }
0xac: {  	[dreg:$0x1] =	wrdreg $0xFFFFFFFF  }
0xad: {  	[dreg:$0x0] =	wrdreg $0x60  }
0xae: {  	[dreg:$0x2] =	wrdreg s24  }
0xaf: {  	[dreg:$0x3] =	wrdreg s2  }
0xb0: {  	[dreg:$0x4] =	wrdreg $0x9  }
0xb1: {  	_ =	task.clear_ibuf [dreg:s7], $0x5FFFF;
	_ =	strace $0x90000049  }
0xb2: {  	s29 =	simm.s32 $0x9;
	_ =	strace $0x8000004B  }
0xb3: {  	_ =	swait.ge [sflag:s29], $0x1  }
0xb4: {  	[sflag:s29] =	ssyncadd.s32 $0xFFFFFFFF  }
0xb5: {  	_ =	strace $0x9000004B  }
0xb6: {  	_ =	sfence  }
0xb7: {  	s30 =	sld [smem:$0x0];
	_ =	sdelay $0x2  }
0xb8: {  	s31 =	sshll.u32 s1, $0xD;
	s1 =	sshrl.u32 s1, $0x2  }
0xb9: {  	s3 =	sand.u32 $0x4000, s31;
	s1 =	sadd.s32 s1, s30  }
0xba: {  	s0 =	sor.u32 s3, s0;
	s1 =	sshll.u32 s1, $0x11  }
0xbb: {  	s0 =	sor.u32 s1, s0  }
0xbc: {  	s0 =	sadd.s32 $0x8F2B, s0  }
0xbd: {  	[sflag:s0] =	ssyncadd.remote.s32 $0x1  }
0xbe: {  	_ =	sfence.sel $0xFFFF  }
0xbf: {  	[dreg:$0x0] =	wrdreg $0xFFFFFFFF;
	(pc) =	sbr.abs _section_cstart, $3  }
0xc0: {  	[dreg:$0x1] =	wrdreg $0xFFFFFFFF  }
0xc1: {  	_ =	task.clear_ibuf [dreg:s7], $0x2FFFF;
	_ =	strace $0x9FFFFFFF  }
0xc2: {  	(tm) =	ssettm $0x7FFFFFFF  }
0xc3: {  	_ =	shalt  }
tec
execute0_lowered:
.L_overlay_start_1:
0x0: {  	(tag) =	ssettag $0x1  }
0x1: {  	s0 =	rddreg [dreg:$0x0]  }
0x2: {  	s2 =	simm.s32 $0x0;
	s23 =	srdreg.scid;
	s4 =	stileid.u32  }
0x3: {  	s13 =	simm.s32 $0x3;
	s18 =	simm.s32 $0x4000;
	s19 =	simm.s32 $0x800  }
0x4: {  	s28 =	simm.s32 $0x9000;
	s29 =	simm.s32 $0xB000;
	s30 =	simm.s32 $0xD000  }
0x5: {  	s31 =	simm.s32 $0xF000;
	s8 =	simm.s32 $0x13000;
	[smem:$0x7FF] =	sst s2  }
0x6: {  	s22 =	sadd.s32 $0x43400, s0;
	s5 =	sadd.s32 $0x83400, s0;
	s6 =	sadd.s32 $0x103400, s0  }
0x7: {  	s14 =	simm.s32 $0x2;
	s7 =	sadd.s32 $0x183400, s0;
	s9 =	sadd.s32 $0x203400, s0  }
0x8: {  	s1 =	sadd.s32 $0x3400, s0;
	s10 =	sadd.s32 $0x283400, s0;
	s11 =	sadd.s32 $0x303400, s0  }
0x9: {  	_ =	strace $0x8000004A;
	[dreg:$0x3] =	wrdreg s1;
	s1 =	sand.u32 $0x1, s23  }
0xa: {  	s25 =	sshll.u32 s4, $0x3;
	s26 =	sshll.u32 s4, $0xE;
	s3 =	ssub.s32 $0x2, s1  }
0xb: {  	[dreg:$0x4] =	wrdreg s22;
	s1 =	sshll.u32 s1, $0x2;
	s24 =	sshrl.u32 s3, $0x1  }
0xc: {  	[dreg:$0x6] =	wrdreg s26;
	s1 =	sor.u32 s1, s25;
	s0 =	ssub.s32 s3, s24  }
0xd: {  	s26 =	simm.s32 $0x1;
	[dreg:$0x5] =	wrdreg s1;
	s0 =	smax.u32 s0, $0x1  }
0xe: {  	s3 =	simm.s32 $0x0;
	[dreg:$0x7] =	wrdreg s0;
	s0 =	simm.s32 $0x11000  }
.LBB2_1:
0xf: {  	[dreg:$0x8] =	wrdreg s3;
	s3 =	simm.s32 $0x0  }
.LBB2_2:
0x10: {  	s1 =	rddreg [dreg:$0x5]  }
0x11: {  	s15 =	sadd.s32 s1, s3  }
0x12: {  	[dreg:$0x9] =	wrdreg s3;
	s1 =	sshll.u32 s15, $0x4  }
0x13: {  	s21 =	rddreg [dreg:$0x6];
	s1 =	sand.u32 $0x70, s1  }
0x14: {  	s22 =	rddreg [dreg:$0x3];
	s4 =	simm.s32 $0x80;
	s1 =	sor.u32 s21, s1  }
0x15: {  	s12 =	simm.s32 $0x400;
	s3 =	sadd.s32 s22, s1;
	s22 =	simm.s32 $0x0  }
0x16: {  	[tilespmem:s22], [sflag:$0x3] =	stream.strided.gather [hbm4b:s3+s4], $0x4000, s12, s4, $0x38;
	[tilespmem:$0x16000] =	vst v63  }
0x17: {  	_ =	swait.ge [sflag:s13], $0x4000  }
0x18: {  	[sflag:s13] =	ssyncset.done $0x0;
	s23 =	rddreg [dreg:$0x4]  }
0x19: {  	[sflag:s13] =	ssyncadd.s32 $0xFFFFC000;
	s1 =	sadd.s32 s23, s1  }
0x1a: {  	[tilespmem:s18], [sflag:$0x3] =	stream.strided.gather [hbm4b:s1+s4], $0x4000, s12, s4, $0x38;
	[tilespmem:$0x16000] =	vst v63  }
0x1b: {  	_ =	swait.ge [sflag:s13], $0x4000  }
0x1c: {  	s1 =	sshll.u32 s15, $0xC;
	[sflag:s13] =	ssyncset.done $0x0  }
0x1d: {  	s25 =	simm.s32 $0x8000;
	s24 =	sadd.s32 s5, s1;
	[sflag:s13] =	ssyncadd.s32 $0xFFFFC000  }
0x1e: {  	[tilespmem:s25], [sflag:$0x1] =	stream.strided.gather [hbm4b:s24+s19], $0x1000, s18, s19, $0x38;
	[tilespmem:$0x16000] =	vst v63  }
0x1f: {  	s12 =	sadd.s32 s6, s1;
	s13 =	simm.s32 $0xA000  }
0x20: {  	[tilespmem:s13], [sflag:$0x1] =	stream.strided.gather [hbm4b:s12+s19], $0x1000, s18, s19, $0x38;
	[tilespmem:$0x16000] =	vst v63  }
0x21: {  	s17 =	simm.s32 $0xC000;
	s16 =	sadd.s32 s7, s1  }
0x22: {  	[tilespmem:s17], [sflag:$0x1] =	stream.strided.gather [hbm4b:s16+s19], $0x1000, s18, s19, $0x38;
	[tilespmem:$0x16000] =	vst v63  }
0x23: {  	s21 =	simm.s32 $0xE000;
	s20 =	sadd.s32 s9, s1  }
0x24: {  	[tilespmem:s21], [sflag:$0x1] =	stream.strided.gather [hbm4b:s20+s19], $0x1000, s18, s19, $0x38;
	[tilespmem:$0x16000] =	vst v63  }
0x25: {  	s23 =	sadd.s32 s10, s1;
	s24 =	simm.s32 $0x10000  }
0x26: {  	[tilespmem:s24], [sflag:$0x1] =	stream.strided.gather [hbm4b:s23+s19], $0x1000, s18, s19, $0x38;
	[tilespmem:$0x16000] =	vst v63  }
0x27: {  	s1 =	sadd.s32 s11, s1;
	s23 =	sshll.u32 s15, $0xF  }
0x28: {  	[dreg:$0xa] =	wrdreg s15;
	s25 =	simm.s32 $0x12000;
	s24 =	sor.u32 $0x1000, s23  }
0x29: {  	[tilespmem:s25], [sflag:$0x1] =	stream.strided.gather [hbm4b:s1+s19], $0x1000, s18, s19, $0x38;
	[tilespmem:$0x16000] =	vst v63  }
.LBB2_3:
0x2a: {  	_ =	swait.ge [sflag:s26], $0x1000  }
0x2b: {  	[sflag:s26] =	ssyncset.done $0x0  }
0x2c: {  	[sflag:s26] =	ssyncadd.s32 $0xFFFFF000  }
0x2d: {  	_ =	swait.ge [sflag:s26], $0x1000  }
0x2e: {  	[sflag:s26] =	ssyncset.done $0x0  }
0x2f: {  	[sflag:s26] =	ssyncadd.s32 $0xFFFFF000  }
0x30: {  	_ =	swait.ge [sflag:s26], $0x1000  }
0x31: {  	[sflag:s26] =	ssyncset.done $0x0  }
0x32: {  	[sflag:s26] =	ssyncadd.s32 $0xFFFFF000  }
0x33: {  	_ =	swait.ge [sflag:s26], $0x1000  }
0x34: {  	[sflag:s26] =	ssyncset.done $0x0  }
0x35: {  	[sflag:s26] =	ssyncadd.s32 $0xFFFFF000  }
0x36: {  	_ =	swait.ge [sflag:s26], $0x1000  }
0x37: {  	s25 =	sshllo.u32 s22, $0x1;
	[sflag:s26] =	ssyncset.done $0x0  }
0x38: {  	s1 =	sshll.u32 s25, $0xB;
	[sflag:s26] =	ssyncadd.s32 $0xFFFFF000  }
0x39: {  	s1 =	sadd.s32 s23, s1;
	_ =	swait.ge [sflag:s26], $0x1000  }
0x3a: {  	s1 =	sshrl.u32 s1, $0x3;
	[sflag:s26] =	ssyncset.done $0x0  }
0x3b: {  	s3 =	sadd.s32 s5, s1;
	[sflag:s26] =	ssyncadd.s32 $0xFFFFF000  }
0x3c: {  	[tilespmem:s28], [sflag:$0x2] =	stream.strided.gather [hbm4b:s3+s19], $0x1000, s18, s19, $0x38;
	[tilespmem:$0x16000] =	vst v63  }
0x3d: {  	s15 =	sadd.s32 s6, s1  }
0x3e: {  	[tilespmem:s29], [sflag:$0x2] =	stream.strided.gather [hbm4b:s15+s19], $0x1000, s18, s19, $0x38;
	[tilespmem:$0x16000] =	vst v63  }
0x3f: {  	s16 =	sadd.s32 s7, s1  }
0x40: {  	[tilespmem:s30], [sflag:$0x2] =	stream.strided.gather [hbm4b:s16+s19], $0x1000, s18, s19, $0x38;
	[tilespmem:$0x16000] =	vst v63  }
0x41: {  	s17 =	sadd.s32 s9, s1  }
0x42: {  	[tilespmem:s31], [sflag:$0x2] =	stream.strided.gather [hbm4b:s17+s19], $0x1000, s18, s19, $0x38;
	[tilespmem:$0x16000] =	vst v63  }
0x43: {  	s20 =	sadd.s32 s10, s1  }
0x44: {  	[tilespmem:s0], [sflag:$0x2] =	stream.strided.gather [hbm4b:s20+s19], $0x1000, s18, s19, $0x38;
	[tilespmem:$0x16000] =	vst v63  }
0x45: {  	s21 =	sshll.u32 s22, $0xB;
	s1 =	sadd.s32 s11, s1  }
0x46: {  	[tilespmem:s8], [sflag:$0x2] =	stream.strided.gather [hbm4b:s1+s19], $0x1000, s18, s19, $0x38;
	[tilespmem:$0x16000] =	vst v63  }
0x47: {  	s1 =	sand.u32 $0x3FFFF800, s21  }
0x48: {  	s3 =	simm.s32 $0x0;
	s1 =	sadd.s32 $0x14000, s1  }
.LBB2_4:
0x49: {  	s4 =	sshll.u32 s3, $0x7;
	s12 =	simm.s32 $0x0  }
0x4a: {  	s13 =	sand.u32 $0x400, s4;
	s20 =	sand.u32 $0x800, s12  }
0x4b: {  	s15 =	sshll.u32 s3, $0x4;
	s16 =	sand.u32 $0x380, s12;
	s17 =	sor.u32 s20, s13  }
0x4c: {  	s4 =	sand.u32 $0x70, s15;
	s21 =	sor.u32 s16, s17  }
0x4d: {  	s15 =	sor.u32 s4, s21  }
0x4e: {  	v0 =	vld [tilespmem:s15+$0x10000]  }
0x4f: {  	v1 =	vld [tilespmem:s15+$0x12000]  }
0x50: {  	v2 =	vld [tilespmem:s15+$0xE000];
	_ =	sdelay $0x3  }
0x51: {  	v3 =	vand.u32 $0xFFFF, v0;
	v4 =	vand.u32 $0xFFFF, v1  }
0x52: {  	v6 =	vshrl.u32 v2, $0x10;
	v0 =	vshrl.u32 v0, $0x10;
	v5 =	vadd.s32 v3, v4  }
0x53: {  	v4 =	vadd.s32 v0, v4;
	v7 =	vadd.s32 v6, v5  }
0x54: {  	v9 =	vadd.s32 v6, v4  }
0x55: {  	v8 =	vld [tilespmem:s15+$0xC000];
	v2 =	vand.u32 $0xFFFF, v2;
	v1 =	vshrl.u32 v1, $0x10  }
0x56: {  	v10 =	vld [tilespmem:s15+$0xA000];
	v0 =	vadd.s32 v0, v1;
	v4 =	vadd.s32 v2, v4  }
0x57: {  	v1 =	vadd.s32 v3, v1;
	v3 =	vld [tilespmem:s15+$0x8000];
	v18 =	vadd.s32 v2, v0  }
0x58: {  	v21 =	vadd.s32 v6, v0;
	v13 =	vld.idx.msk [tilespmem:v7+s18+$0x0], $0xffff  }
0x59: {  	v20 =	vadd.s32 v2, v5;
	v0 =	vld.idx.msk [tilespmem:v9+s18+$0x0], $0xffff  }
0x5a: {  	v16 =	vadd.s32 v2, v1;
	v2 =	vld.idx.msk [tilespmem:v9+s2+$0x0], $0xffff  }
0x5b: {  	v11 =	vunpack.i.l.bf16.f32 v8;
	v14 =	vunpack.i.u.bf16.f32 v10;
	v10 =	vunpack.i.l.bf16.f32 v10;
	v5 =	vld.idx.msk [tilespmem:v4+s18+$0x0], $0xffff  }
0x5c: {  	v8 =	vunpack.i.u.bf16.f32 v8;
	v15 =	vmul.f32 v11, v10;
	v19 =	vld.idx.msk [tilespmem:v18+s18+$0x0], $0xffff  }
0x5d: {  	v27 =	vmul.f32 v8, v14;
	v8 =	vmul.f32 v8, v10;
	v28 =	vadd.s32 v6, v1;
	v1 =	vld.idx.msk [tilespmem:v21+s18+$0x0], $0xffff  }
0x5e: {  	v22 =	vunpack.i.l.bf16.f32 v3;
	v23 =	vunpack.i.u.bf16.f32 v3;
	v9 =	vmul.f32 v11, v14;
	v26 =	vld.idx.msk [tilespmem:v20+s2+$0x0], $0xffff  }
0x5f: {  	v11 =	vimm.f32 $0.0e+00;
	v12 =	vmul.f32 v15, v22;
	v24 =	vld.idx.msk [tilespmem:v16+s2+$0x0], $0xffff;
	v29 =	vmul.f32 v15, v23  }
0x60: {  	v7 =	vld.idx.msk [tilespmem:v7+s2+$0x0], $0xffff;
	v25 =	vmul.f32 v9, v23;
	v9 =	vmul.f32 v9, v22;
	v3 =	vunpack.i.l.bf16.f32 v0  }
0x61: {  	v14 =	vunpack.i.l.bf16.f32 v2;
	v2 =	vunpack.i.u.bf16.f32 v2;
	v31 =	vunpack.i.u.bf16.f32 v0  }
0x62: {  	v4 =	vld.idx.msk [tilespmem:v4+s2+$0x0], $0xffff;
	v33 =	vunpack.i.u.bf16.f32 v19;
	v10 =	vunpack.i.l.bf16.f32 v13;
	v36 =	vunpack.i.u.bf16.f32 v13  }
0x63: {  	v37 =	vld.idx.msk [tilespmem:v28+s2+$0x0], $0xffff;
	v15 =	vunpack.i.u.bf16.f32 v5;
	v0 =	vunpack.i.u.bf16.f32 v1;
	v30 =	vunpack.i.l.bf16.f32 v26  }
0x64: {  	v38 =	vld.idx.msk [tilespmem:v20+s18+$0x0], $0xffff;
	v13 =	vmul.f32 v8, v23;
	v20 =	vunpack.i.u.bf16.f32 v24;
	v34 =	vunpack.i.l.bf16.f32 v1  }
0x65: {  	v39 =	vunpack.i.l.bf16.f32 v7;
	v1 =	vmul.f32 v27, v23;
	v40 =	vunpack.i.u.bf16.f32 v26  }
0x66: {  	v32 =	vld.idx.msk [tilespmem:v16+s18+$0x0], $0xffff;
	v41 =	vunpack.i.u.bf16.f32 v7;
	v3 =	vmul.f32 v3, v25;
	v6 =	vmul.f32 v2, v25  }
0x67: {  	v35 =	vunpack.i.u.bf16.f32 v4;
	v17 =	vmul.f32 v14, v25;
	v14 =	vmul.f32 v8, v22  }
0x68: {  	v2 =	vunpack.i.l.bf16.f32 v19;
	v19 =	vunpack.i.l.bf16.f32 v24;
	v8 =	vmul.f32 v30, v12  }
0x69: {  	v30 =	vunpack.i.l.bf16.f32 v4;
	v24 =	vld.idx.msk [tilespmem:v21+s2+$0x0], $0xffff;
	v16 =	vmul.f32 v31, v25;
	v21 =	vunpack.i.l.bf16.f32 v37  }
0x6a: {  	v26 =	vmul.f32 v30, v9;
	v30 =	vadd.f32 v8, v11;
	v8 =	vmul.f32 v27, v22  }
0x6b: {  	v23 =	vmul.f32 v10, v29;
	v31 =	vmul.f32 v40, v12;
	v25 =	vunpack.i.u.bf16.f32 v32  }
0x6c: {  	v4 =	vmul.f32 v34, v1;
	v34 =	vunpack.i.u.bf16.f32 v38;
	v7 =	vmul.f32 v33, v8;
	v33 =	vld.idx.msk [tilespmem:v18+s2+$0x0], $0xffff  }
0x6d: {  	v22 =	vunpack.i.l.bf16.f32 v38;
	v27 =	vmul.f32 v36, v29;
	v38 =	vmul.f32 v39, v29  }
0x6e: {  	v28 =	vld.idx.msk [tilespmem:v28+s18+$0x0], $0xffff;
	v37 =	vunpack.i.u.bf16.f32 v37;
	v29 =	vmul.f32 v41, v29;
	v36 =	vmul.f32 v22, v12  }
0x6f: {  	s16 =	simm.s32 $0x100;
	v22 =	vimm.f32 $0.0e+00;
	v18 =	vimm.f32 $0.0e+00;
	v10 =	vunpack.i.u.bf16.f32 v24  }
.LBB2_5:
0x70: {  	s15 =	smov.u32 s16  }
0x71: {  	s17 =	sand.u32 $0x800, s16;
	v35 =	vmul.f32 v35, v9;
	v32 =	vunpack.i.l.bf16.f32 v32;
	v39 =	vunpack.i.l.bf16.f32 v33;
	s12 =	sadd.s32 $0x80, s12;
	s15 =	sadd.s32 $0x100, s16  }
0x72: {  	p0 =	sne.s32 s16, $0xF00;
	v12 =	vmul.f32 v34, v12;
	v33 =	vunpack.i.u.bf16.f32 v33;
	s21 =	sand.u32 $0x380, s12;
	s17 =	sor.u32 s17, s13;
	v30 =	vadd.f32 v38, v30  }
0x73: {  	v34 =	vmul.f32 v37, v13;
	v24 =	vunpack.i.l.bf16.f32 v24;
	v37 =	vunpack.i.u.bf16.f32 v28;
	s16 =	sor.u32 s21, s17  }
0x74: {  	v11 =	vadd.f32 v36, v11;
	v19 =	vmul.f32 v19, v14;
	s16 =	sor.u32 s4, s16;
	v26 =	vadd.f32 v26, v30  }
0x75: {  	v5 =	vunpack.i.l.bf16.f32 v5;
	v20 =	vmul.f32 v20, v14;
	v12 =	vadd.f32 v12, v22;
	v30 =	vld [tilespmem:s16+$0xC000]  }
0x76: {  	v18 =	vadd.f32 v31, v18;
	v17 =	vadd.f32 v17, v26;
	v26 =	vunpack.i.l.bf16.f32 v28;
	v22 =	vld [tilespmem:s16+$0xE000]  }
0x77: {  	v5 =	vmul.f32 v5, v9;
	v12 =	vadd.f32 v27, v12;
	v27 =	vmul.f32 v32, v14;
	v28 =	vld [tilespmem:s16+$0xA000]  }
0x78: {  	v9 =	vmul.f32 v15, v9;
	v18 =	vadd.f32 v29, v18;
	v15 =	vmul.f32 v26, v13;
	v31 =	vld [tilespmem:s16+$0x10000]  }
0x79: {  	v21 =	vmul.f32 v21, v13;
	v11 =	vadd.f32 v23, v11;
	v14 =	vmul.f32 v25, v14;
	v26 =	vld [tilespmem:s16+$0x12000]  }
0x7a: {  	v18 =	vadd.f32 v35, v18;
	v13 =	vmul.f32 v37, v13;
	v23 =	vunpack.i.l.bf16.f32 v30  }
0x7b: {  	v5 =	vadd.f32 v5, v11;
	v25 =	vand.u32 $0xFFFF, v22;
	v22 =	vshrl.u32 v22, $0x10  }
0x7c: {  	v9 =	vadd.f32 v9, v12;
	v29 =	vunpack.i.u.bf16.f32 v28;
	v28 =	vunpack.i.l.bf16.f32 v28  }
0x7d: {  	v12 =	vmul.f32 v39, v8;
	v11 =	vshrl.u32 v31, $0x10;
	v32 =	vmul.f32 v23, v28  }
0x7e: {  	v9 =	vadd.f32 v16, v9;
	v31 =	vand.u32 $0xFFFF, v31;
	v35 =	vand.u32 $0xFFFF, v26  }
0x7f: {  	v3 =	vadd.f32 v3, v5;
	v16 =	vadd.s32 v31, v35;
	v35 =	vadd.s32 v11, v35  }
0x80: {  	v5 =	vadd.f32 v19, v17;
	v36 =	vadd.s32 v25, v16;
	v16 =	vadd.s32 v22, v16  }
0x81: {  	v9 =	vadd.f32 v14, v9;
	v17 =	vadd.s32 v25, v35;
	v19 =	vadd.s32 v22, v35  }
0x82: {  	v6 =	vadd.f32 v6, v18;
	v23 =	vmul.f32 v23, v29;
	v14 =	vshrl.u32 v26, $0x10  }
0x83: {  	v18 =	vadd.s32 v31, v14;
	v11 =	vadd.s32 v11, v14;
	v14 =	vadd.f32 v21, v5  }
0x84: {  	v3 =	vadd.f32 v27, v3;
	v26 =	vadd.s32 v25, v18;
	v25 =	vadd.s32 v25, v11;
	v21 =	vld [tilespmem:s16+$0x8000]  }
0x85: {  	v6 =	vadd.f32 v20, v6;
	v31 =	vadd.s32 v22, v18;
	v35 =	vadd.s32 v22, v11;
	v27 =	vld.idx.msk [tilespmem:v16+s18+$0x0], $0xffff  }
0x86: {  	v2 =	vmul.f32 v2, v8;
	v11 =	vadd.f32 v12, v14;
	v12 =	vmul.f32 v24, v1;
	v5 =	vld.idx.msk [tilespmem:v17+s18+$0x0], $0xffff  }
0x87: {  	v8 =	vmul.f32 v33, v8;
	v6 =	vadd.f32 v34, v6;
	v3 =	vadd.f32 v15, v3;
	v14 =	vld.idx.msk [tilespmem:v19+s18+$0x0], $0xffff  }
0x88: {  	v10 =	vmul.f32 v10, v1;
	v9 =	vadd.f32 v13, v9;
	v33 =	vadd.f32 v12, v11;
	v15 =	vld.idx.msk [tilespmem:v19+s2+$0x0], $0xffff  }
0x89: {  	v6 =	vadd.f32 v8, v6;
	v2 =	vadd.f32 v2, v3;
	v34 =	vunpack.i.l.bf16.f32 v21;
	v13 =	vld.idx.msk [tilespmem:v25+s18+$0x0], $0xffff  }
0x8a: {  	v0 =	vmul.f32 v0, v1;
	v3 =	vadd.f32 v7, v9;
	v12 =	vmul.f32 v32, v34;
	v8 =	vld.idx.msk [tilespmem:v26+s2+$0x0], $0xffff  }
0x8b: {  	v18 =	vadd.f32 v10, v6;
	v11 =	vadd.f32 v4, v2;
	v1 =	vunpack.i.u.bf16.f32 v21;
	v7 =	vld.idx.msk [tilespmem:v35+s18+$0x0], $0xffff  }
0x8c: {  	v22 =	vadd.f32 v0, v3;
	v2 =	vunpack.i.u.bf16.f32 v30;
	v10 =	vmul.f32 v23, v1;
	v4 =	vld.idx.msk [tilespmem:v17+s2+$0x0], $0xffff  }
0x8d: {  	v21 =	vmul.f32 v2, v29;
	v9 =	vmul.f32 v23, v34;
	v0 =	vunpack.i.l.bf16.f32 v14;
	v29 =	vld.idx.msk [tilespmem:v36+s2+$0x0], $0xffff  }
0x8e: {  	v37 =	vmul.f32 v32, v1;
	v17 =	vunpack.i.l.bf16.f32 v15;
	v3 =	vmul.f32 v0, v10;
	v39 =	vld.idx.msk [tilespmem:v31+s2+$0x0], $0xffff  }
0x8f: {  	v23 =	vunpack.i.u.bf16.f32 v14;
	v0 =	vunpack.i.u.bf16.f32 v15;
	v38 =	vunpack.i.u.bf16.f32 v13;
	v16 =	vld.idx.msk [tilespmem:v16+s2+$0x0], $0xffff  }
0x90: {  	v20 =	vmul.f32 v2, v28;
	v6 =	vmul.f32 v0, v10;
	v28 =	vld.idx.msk [tilespmem:v36+s18+$0x0], $0xffff;
	v36 =	vunpack.i.l.bf16.f32 v27  }
0x91: {  	v15 =	vunpack.i.u.bf16.f32 v5;
	v27 =	vunpack.i.u.bf16.f32 v27;
	v0 =	vunpack.i.u.bf16.f32 v7  }
0x92: {  	v14 =	vmul.f32 v20, v34;
	v17 =	vmul.f32 v17, v10;
	v2 =	vunpack.i.l.bf16.f32 v13  }
0x93: {  	v13 =	vmul.f32 v20, v1;
	v19 =	vunpack.i.l.bf16.f32 v8;
	v24 =	vunpack.i.l.bf16.f32 v29  }
0x94: {  	v20 =	vunpack.i.u.bf16.f32 v8;
	v7 =	vunpack.i.l.bf16.f32 v7;
	v30 =	vmul.f32 v24, v12;
	v24 =	vld.idx.msk [tilespmem:v35+s2+$0x0], $0xffff  }
0x95: {  	v1 =	vmul.f32 v21, v1;
	v8 =	vunpack.i.l.bf16.f32 v4;
	v40 =	vunpack.i.l.bf16.f32 v16;
	v32 =	vld.idx.msk [tilespmem:v26+s18+$0x0], $0xffff  }
0x96: {  	v29 =	vunpack.i.u.bf16.f32 v29;
	v41 =	vunpack.i.u.bf16.f32 v16;
	v26 =	vmul.f32 v8, v9  }
0x97: {  	v35 =	vunpack.i.u.bf16.f32 v4;
	v30 =	vadd.f32 v30, v33;
	v8 =	vmul.f32 v21, v34;
	v33 =	vld.idx.msk [tilespmem:v25+s2+$0x0], $0xffff  }
.Ltmp0:
0x98: {  	v16 =	vmul.f32 v23, v10;
	v4 =	vmul.f32 v7, v1;
	v21 =	vunpack.i.l.bf16.f32 v39;
	(pc) =	sbr.rel @p0 .LBB2_5-.Ltmp0, $4  }
0x99: {  	v23 =	vmul.f32 v36, v37;
	v34 =	vunpack.i.u.bf16.f32 v28;
	v25 =	vunpack.i.l.bf16.f32 v28;
	v28 =	vld.idx.msk [tilespmem:v31+s18+$0x0], $0xffff  }
0x9a: {  	v27 =	vmul.f32 v27, v37;
	v7 =	vmul.f32 v38, v8;
	v10 =	vunpack.i.u.bf16.f32 v24  }
0x9b: {  	v36 =	vmul.f32 v25, v12;
	v31 =	vmul.f32 v29, v12;
	v25 =	vunpack.i.u.bf16.f32 v32  }
0x9c: {  	s16 =	smov.u32 s15;
	v38 =	vmul.f32 v40, v37;
	v29 =	vmul.f32 v41, v37;
	v37 =	vunpack.i.u.bf16.f32 v39  }
0x9d: {  	v35 =	vmul.f32 v35, v9  }
0x9e: {  	v32 =	vunpack.i.l.bf16.f32 v32;
	v39 =	vunpack.i.l.bf16.f32 v33;
	v12 =	vmul.f32 v34, v12  }
0x9f: {  	v49 =	vunpack.i.u.bf16.f32 v33;
	v50 =	vmul.f32 v37, v13;
	v11 =	vadd.f32 v36, v11  }
0xa0: {  	v24 =	vunpack.i.l.bf16.f32 v24;
	v18 =	vadd.f32 v31, v18;
	v19 =	vmul.f32 v19, v14  }
0xa1: {  	v5 =	vunpack.i.l.bf16.f32 v5;
	v20 =	vmul.f32 v20, v14;
	v52 =	vmul.f32 v15, v9  }
0xa2: {  	v55 =	vmul.f32 v21, v13;
	v57 =	vmul.f32 v25, v14;
	v30 =	vadd.f32 v38, v30  }
0xa3: {  	v2 =	vmul.f32 v2, v8;
	v12 =	vadd.f32 v12, v22;
	v18 =	vadd.f32 v29, v18  }
0xa4: {  	v5 =	vmul.f32 v5, v9;
	v11 =	vadd.f32 v23, v11;
	v26 =	vadd.f32 v26, v30  }
0xa5: {  	v51 =	vunpack.i.u.bf16.f32 v28;
	v12 =	vadd.f32 v27, v12;
	v18 =	vadd.f32 v35, v18  }
0xa6: {  	v53 =	vunpack.i.l.bf16.f32 v28;
	v5 =	vadd.f32 v5, v11;
	v17 =	vadd.f32 v17, v26  }
0xa7: {  	v54 =	vmul.f32 v32, v14;
	v9 =	vadd.f32 v52, v12;
	v6 =	vadd.f32 v6, v18  }
0xa8: {  	v58 =	vmul.f32 v39, v8;
	v3 =	vadd.f32 v3, v5;
	v56 =	vadd.f32 v19, v17  }
0xa9: {  	v60 =	vmul.f32 v49, v8;
	v9 =	vadd.f32 v16, v9;
	v6 =	vadd.f32 v20, v6  }
0xaa: {  	v15 =	vmul.f32 v53, v13;
	v3 =	vadd.f32 v54, v3;
	v11 =	vadd.f32 v55, v56  }
0xab: {  	v59 =	vmul.f32 v51, v13;
	v9 =	vadd.f32 v57, v9;
	v6 =	vadd.f32 v50, v6  }
0xac: {  	s12 =	sshll.u32 s3, $0x6;
	v61 =	vmul.f32 v24, v1;
	v3 =	vadd.f32 v15, v3;
	v5 =	vadd.f32 v58, v11  }
0xad: {  	v10 =	vmul.f32 v10, v1;
	s3 =	sadd.s32 $0x1, s3;
	s12 =	sand.u32 $0x200, s12;
	v9 =	vadd.f32 v59, v9;
	v6 =	vadd.f32 v60, v6  }
0xae: {  	p0 =	sne.s32 s3, $0x10;
	s12 =	sadd.s32 s12, s1;
	v2 =	vadd.f32 v2, v3;
	v5 =	vadd.f32 v61, v5  }
.Ltmp1:
0xaf: {  	v0 =	vmul.f32 v0, v1;
	s4 =	sadd.s32 s4, s12;
	v62 =	vadd.f32 v7, v9;
	v63 =	vadd.f32 v10, v6;
	(pc) =	sbr.rel @p0 .LBB2_4-.Ltmp1, $4  }
0xb0: {  	v2 =	vadd.f32 v4, v2;
	[tilespmem:s4+$0x0] =	vst v5  }
0xb1: {  	v0 =	vadd.f32 v0, v62;
	[tilespmem:s4+$0x80] =	vst v63  }
0xb2: {  	[tilespmem:s4+$0x100] =	vst v2  }
0xb3: {  	[tilespmem:s4+$0x180] =	vst v0  }
0xb4: {  	_ =	swait.ge [sflag:s14], $0x1000  }
0xb5: {  	[sflag:s14] =	ssyncset.done $0x0  }
0xb6: {  	[sflag:s14] =	ssyncadd.s32 $0xFFFFF000  }
0xb7: {  	_ =	swait.ge [sflag:s14], $0x1000  }
0xb8: {  	[sflag:s14] =	ssyncset.done $0x0  }
0xb9: {  	[sflag:s14] =	ssyncadd.s32 $0xFFFFF000  }
0xba: {  	_ =	swait.ge [sflag:s14], $0x1000  }
0xbb: {  	[sflag:s14] =	ssyncset.done $0x0  }
0xbc: {  	[sflag:s14] =	ssyncadd.s32 $0xFFFFF000  }
0xbd: {  	_ =	swait.ge [sflag:s14], $0x1000  }
0xbe: {  	[sflag:s14] =	ssyncset.done $0x0  }
0xbf: {  	[sflag:s14] =	ssyncadd.s32 $0xFFFFF000  }
0xc0: {  	_ =	swait.ge [sflag:s14], $0x1000  }
0xc1: {  	p0 =	seq.s32 s22, $0x3;
	[sflag:s14] =	ssyncset.done $0x0  }
0xc2: {  	s1 =	sshll.u32 @!p0 s22, $0xC;
	[sflag:s14] =	ssyncadd.s32 $0xFFFFF000  }
0xc3: {  	s4 =	simm.s32 @!p0 $0x800;
	s1 =	sadd.s32 @!p0 s24, s1;
	_ =	swait.ge [sflag:s14], $0x1000  }
0xc4: {  	s12 =	simm.s32 @!p0 $0x4000;
	s1 =	sshrl.u32 @!p0 s1, $0x3;
	[sflag:s14] =	ssyncset.done $0x0  }
0xc5: {  	s13 =	simm.s32 @!p0 $0x8000;
	s3 =	sadd.s32 @!p0 s5, s1;
	[sflag:s14] =	ssyncadd.s32 $0xFFFFF000  }
0xc6: {  	[tilespmem:s13], [sflag:$0x1] =	stream.strided.gather @!p0 [hbm4b:s3+s4], $0x1000, s12, s4, $0x38;
	[tilespmem:$0x16000] =	vst v63  }
0xc7: {  	s3 =	sadd.s32 @!p0 s6, s1;
	s13 =	simm.s32 @!p0 $0xA000  }
0xc8: {  	[tilespmem:s13], [sflag:$0x1] =	stream.strided.gather @!p0 [hbm4b:s3+s4], $0x1000, s12, s4, $0x38;
	[tilespmem:$0x16000] =	vst v63  }
0xc9: {  	s3 =	sadd.s32 @!p0 s7, s1;
	s13 =	simm.s32 @!p0 $0xC000  }
0xca: {  	[tilespmem:s13], [sflag:$0x1] =	stream.strided.gather @!p0 [hbm4b:s3+s4], $0x1000, s12, s4, $0x38;
	[tilespmem:$0x16000] =	vst v63  }
0xcb: {  	s3 =	sadd.s32 @!p0 s9, s1;
	s13 =	simm.s32 @!p0 $0xE000  }
0xcc: {  	[tilespmem:s13], [sflag:$0x1] =	stream.strided.gather @!p0 [hbm4b:s3+s4], $0x1000, s12, s4, $0x38;
	[tilespmem:$0x16000] =	vst v63  }
0xcd: {  	s3 =	sadd.s32 @!p0 s10, s1;
	s13 =	simm.s32 @!p0 $0x10000  }
0xce: {  	[tilespmem:s13], [sflag:$0x1] =	stream.strided.gather @!p0 [hbm4b:s3+s4], $0x1000, s12, s4, $0x38;
	[tilespmem:$0x16000] =	vst v63  }
0xcf: {  	s25 =	sshll.u32 s25, $0xA;
	s1 =	sadd.s32 @!p0 s11, s1;
	s3 =	simm.s32 @!p0 $0x12000  }
0xd0: {  	[tilespmem:s3], [sflag:$0x1] =	stream.strided.gather @!p0 [hbm4b:s1+s4], $0x1000, s12, s4, $0x38;
	[tilespmem:$0x16000] =	vst v63  }
0xd1: {  	s1 =	sand.u32 $0x3FFFFC00, s25  }
0xd2: {  	s3 =	simm.s32 $0x0;
	s25 =	sadd.s32 $0x14000, s1;
	s1 =	simm.s32 $0x0  }
.LBB2_8:
0xd3: {  	s4 =	sshll.u32 s3, $0x7  }
0xd4: {  	s13 =	sshll.u32 s3, $0x4;
	s15 =	sand.u32 $0x800, s1;
	s12 =	sand.u32 $0x400, s4  }
0xd5: {  	s16 =	sand.u32 $0x380, s1;
	s4 =	sand.u32 $0x70, s13;
	s15 =	sor.u32 s15, s12  }
0xd6: {  	s13 =	sor.u32 $0x1000, s4;
	s15 =	sor.u32 s16, s15  }
0xd7: {  	s15 =	sor.u32 s13, s15  }
0xd8: {  	v0 =	vld [tilespmem:s15+$0x10000]  }
0xd9: {  	v1 =	vld [tilespmem:s15+$0x12000]  }
0xda: {  	v2 =	vld [tilespmem:s15+$0xE000];
	_ =	sdelay $0x3  }
0xdb: {  	v3 =	vand.u32 $0xFFFF, v0;
	v4 =	vand.u32 $0xFFFF, v1  }
0xdc: {  	v6 =	vshrl.u32 v2, $0x10;
	v0 =	vshrl.u32 v0, $0x10;
	v5 =	vadd.s32 v3, v4  }
0xdd: {  	v4 =	vadd.s32 v0, v4;
	v7 =	vadd.s32 v6, v5  }
0xde: {  	v9 =	vadd.s32 v6, v4  }
0xdf: {  	v8 =	vld [tilespmem:s15+$0xC000];
	v2 =	vand.u32 $0xFFFF, v2;
	v1 =	vshrl.u32 v1, $0x10  }
0xe0: {  	v10 =	vld [tilespmem:s15+$0xA000];
	v0 =	vadd.s32 v0, v1;
	v4 =	vadd.s32 v2, v4  }
0xe1: {  	v1 =	vadd.s32 v3, v1;
	v3 =	vld [tilespmem:s15+$0x8000];
	v18 =	vadd.s32 v2, v0  }
0xe2: {  	v21 =	vadd.s32 v6, v0;
	v13 =	vld.idx.msk [tilespmem:v7+s18+$0x0], $0xffff  }
0xe3: {  	v20 =	vadd.s32 v2, v5;
	v0 =	vld.idx.msk [tilespmem:v9+s18+$0x0], $0xffff  }
0xe4: {  	v16 =	vadd.s32 v2, v1;
	v2 =	vld.idx.msk [tilespmem:v9+s2+$0x0], $0xffff  }
0xe5: {  	v11 =	vunpack.i.l.bf16.f32 v8;
	v14 =	vunpack.i.u.bf16.f32 v10;
	v10 =	vunpack.i.l.bf16.f32 v10;
	v5 =	vld.idx.msk [tilespmem:v4+s18+$0x0], $0xffff  }
0xe6: {  	v8 =	vunpack.i.u.bf16.f32 v8;
	v15 =	vmul.f32 v11, v10;
	v19 =	vld.idx.msk [tilespmem:v18+s18+$0x0], $0xffff  }
0xe7: {  	v27 =	vmul.f32 v8, v14;
	v8 =	vmul.f32 v8, v10;
	v28 =	vadd.s32 v6, v1;
	v1 =	vld.idx.msk [tilespmem:v21+s18+$0x0], $0xffff  }
0xe8: {  	v22 =	vunpack.i.l.bf16.f32 v3;
	v23 =	vunpack.i.u.bf16.f32 v3;
	v9 =	vmul.f32 v11, v14;
	v26 =	vld.idx.msk [tilespmem:v20+s2+$0x0], $0xffff  }
0xe9: {  	v11 =	vimm.f32 $0.0e+00;
	v12 =	vmul.f32 v15, v22;
	v24 =	vld.idx.msk [tilespmem:v16+s2+$0x0], $0xffff;
	v29 =	vmul.f32 v15, v23  }
0xea: {  	v7 =	vld.idx.msk [tilespmem:v7+s2+$0x0], $0xffff;
	v25 =	vmul.f32 v9, v23;
	v9 =	vmul.f32 v9, v22;
	v3 =	vunpack.i.l.bf16.f32 v0  }
0xeb: {  	v14 =	vunpack.i.l.bf16.f32 v2;
	v2 =	vunpack.i.u.bf16.f32 v2;
	v31 =	vunpack.i.u.bf16.f32 v0  }
0xec: {  	v4 =	vld.idx.msk [tilespmem:v4+s2+$0x0], $0xffff;
	v33 =	vunpack.i.u.bf16.f32 v19;
	v10 =	vunpack.i.l.bf16.f32 v13;
	v36 =	vunpack.i.u.bf16.f32 v13  }
0xed: {  	v37 =	vld.idx.msk [tilespmem:v28+s2+$0x0], $0xffff;
	v15 =	vunpack.i.u.bf16.f32 v5;
	v0 =	vunpack.i.u.bf16.f32 v1;
	v30 =	vunpack.i.l.bf16.f32 v26  }
0xee: {  	v38 =	vld.idx.msk [tilespmem:v20+s18+$0x0], $0xffff;
	v13 =	vmul.f32 v8, v23;
	v20 =	vunpack.i.u.bf16.f32 v24;
	v34 =	vunpack.i.l.bf16.f32 v1  }
0xef: {  	v39 =	vunpack.i.l.bf16.f32 v7;
	v1 =	vmul.f32 v27, v23;
	v40 =	vunpack.i.u.bf16.f32 v26  }
0xf0: {  	v32 =	vld.idx.msk [tilespmem:v16+s18+$0x0], $0xffff;
	v41 =	vunpack.i.u.bf16.f32 v7;
	v3 =	vmul.f32 v3, v25;
	v6 =	vmul.f32 v2, v25  }
0xf1: {  	v35 =	vunpack.i.u.bf16.f32 v4;
	v17 =	vmul.f32 v14, v25;
	v14 =	vmul.f32 v8, v22  }
0xf2: {  	v2 =	vunpack.i.l.bf16.f32 v19;
	v19 =	vunpack.i.l.bf16.f32 v24;
	v8 =	vmul.f32 v30, v12  }
0xf3: {  	v30 =	vunpack.i.l.bf16.f32 v4;
	v24 =	vld.idx.msk [tilespmem:v21+s2+$0x0], $0xffff;
	v16 =	vmul.f32 v31, v25;
	v21 =	vunpack.i.l.bf16.f32 v37  }
0xf4: {  	v26 =	vmul.f32 v30, v9;
	v30 =	vadd.f32 v8, v11;
	v8 =	vmul.f32 v27, v22  }
0xf5: {  	v23 =	vmul.f32 v10, v29;
	v31 =	vmul.f32 v40, v12;
	v25 =	vunpack.i.u.bf16.f32 v32  }
0xf6: {  	v4 =	vmul.f32 v34, v1;
	v34 =	vunpack.i.u.bf16.f32 v38;
	v7 =	vmul.f32 v33, v8;
	v33 =	vld.idx.msk [tilespmem:v18+s2+$0x0], $0xffff  }
0xf7: {  	v22 =	vunpack.i.l.bf16.f32 v38;
	v27 =	vmul.f32 v36, v29;
	v38 =	vmul.f32 v39, v29  }
0xf8: {  	v28 =	vld.idx.msk [tilespmem:v28+s18+$0x0], $0xffff;
	v37 =	vunpack.i.u.bf16.f32 v37;
	v29 =	vmul.f32 v41, v29;
	v36 =	vmul.f32 v22, v12  }
0xf9: {  	s17 =	simm.s32 $0x100;
	s15 =	simm.s32 $0x0;
	v22 =	vimm.f32 $0.0e+00;
	v18 =	vimm.f32 $0.0e+00;
	v10 =	vunpack.i.u.bf16.f32 v24  }
.LBB2_9:
0xfa: {  	s16 =	smov.u32 s17  }
0xfb: {  	s21 =	sand.u32 $0x800, s17;
	v35 =	vmul.f32 v35, v9;
	v32 =	vunpack.i.l.bf16.f32 v32;
	v39 =	vunpack.i.l.bf16.f32 v33;
	s15 =	sadd.s32 $0x80, s15;
	s16 =	sadd.s32 $0x100, s17  }
0xfc: {  	p0 =	sne.s32 s17, $0xF00;
	v12 =	vmul.f32 v34, v12;
	v33 =	vunpack.i.u.bf16.f32 v33;
	s20 =	sand.u32 $0x380, s15;
	s21 =	sor.u32 s21, s12;
	v30 =	vadd.f32 v38, v30  }
0xfd: {  	v34 =	vmul.f32 v37, v13;
	v24 =	vunpack.i.l.bf16.f32 v24;
	v37 =	vunpack.i.u.bf16.f32 v28;
	s17 =	sor.u32 s20, s21  }
0xfe: {  	v11 =	vadd.f32 v36, v11;
	v19 =	vmul.f32 v19, v14;
	s17 =	sor.u32 s13, s17;
	v26 =	vadd.f32 v26, v30  }
0xff: {  	v5 =	vunpack.i.l.bf16.f32 v5;
	v20 =	vmul.f32 v20, v14;
	v12 =	vadd.f32 v12, v22;
	v30 =	vld [tilespmem:s17+$0xC000]  }
0x100: {  	v18 =	vadd.f32 v31, v18;
	v17 =	vadd.f32 v17, v26;
	v26 =	vunpack.i.l.bf16.f32 v28;
	v22 =	vld [tilespmem:s17+$0xE000]  }
0x101: {  	v5 =	vmul.f32 v5, v9;
	v12 =	vadd.f32 v27, v12;
	v27 =	vmul.f32 v32, v14;
	v28 =	vld [tilespmem:s17+$0xA000]  }
0x102: {  	v9 =	vmul.f32 v15, v9;
	v18 =	vadd.f32 v29, v18;
	v15 =	vmul.f32 v26, v13;
	v31 =	vld [tilespmem:s17+$0x10000]  }
0x103: {  	v21 =	vmul.f32 v21, v13;
	v11 =	vadd.f32 v23, v11;
	v14 =	vmul.f32 v25, v14;
	v26 =	vld [tilespmem:s17+$0x12000]  }
0x104: {  	v18 =	vadd.f32 v35, v18;
	v13 =	vmul.f32 v37, v13;
	v23 =	vunpack.i.l.bf16.f32 v30  }
0x105: {  	v5 =	vadd.f32 v5, v11;
	v25 =	vand.u32 $0xFFFF, v22;
	v22 =	vshrl.u32 v22, $0x10  }
0x106: {  	v9 =	vadd.f32 v9, v12;
	v29 =	vunpack.i.u.bf16.f32 v28;
	v28 =	vunpack.i.l.bf16.f32 v28  }
0x107: {  	v12 =	vmul.f32 v39, v8;
	v11 =	vshrl.u32 v31, $0x10;
	v32 =	vmul.f32 v23, v28  }
0x108: {  	v9 =	vadd.f32 v16, v9;
	v31 =	vand.u32 $0xFFFF, v31;
	v35 =	vand.u32 $0xFFFF, v26  }
0x109: {  	v3 =	vadd.f32 v3, v5;
	v16 =	vadd.s32 v31, v35;
	v35 =	vadd.s32 v11, v35  }
0x10a: {  	v5 =	vadd.f32 v19, v17;
	v36 =	vadd.s32 v25, v16;
	v16 =	vadd.s32 v22, v16  }
0x10b: {  	v9 =	vadd.f32 v14, v9;
	v17 =	vadd.s32 v25, v35;
	v19 =	vadd.s32 v22, v35  }
0x10c: {  	v6 =	vadd.f32 v6, v18;
	v23 =	vmul.f32 v23, v29;
	v14 =	vshrl.u32 v26, $0x10  }
0x10d: {  	v18 =	vadd.s32 v31, v14;
	v11 =	vadd.s32 v11, v14;
	v14 =	vadd.f32 v21, v5  }
0x10e: {  	v3 =	vadd.f32 v27, v3;
	v26 =	vadd.s32 v25, v18;
	v25 =	vadd.s32 v25, v11;
	v21 =	vld [tilespmem:s17+$0x8000]  }
0x10f: {  	v6 =	vadd.f32 v20, v6;
	v31 =	vadd.s32 v22, v18;
	v35 =	vadd.s32 v22, v11;
	v27 =	vld.idx.msk [tilespmem:v16+s18+$0x0], $0xffff  }
0x110: {  	v2 =	vmul.f32 v2, v8;
	v11 =	vadd.f32 v12, v14;
	v12 =	vmul.f32 v24, v1;
	v5 =	vld.idx.msk [tilespmem:v17+s18+$0x0], $0xffff  }
0x111: {  	v8 =	vmul.f32 v33, v8;
	v6 =	vadd.f32 v34, v6;
	v3 =	vadd.f32 v15, v3;
	v14 =	vld.idx.msk [tilespmem:v19+s18+$0x0], $0xffff  }
0x112: {  	v10 =	vmul.f32 v10, v1;
	v9 =	vadd.f32 v13, v9;
	v33 =	vadd.f32 v12, v11;
	v15 =	vld.idx.msk [tilespmem:v19+s2+$0x0], $0xffff  }
0x113: {  	v6 =	vadd.f32 v8, v6;
	v2 =	vadd.f32 v2, v3;
	v34 =	vunpack.i.l.bf16.f32 v21;
	v13 =	vld.idx.msk [tilespmem:v25+s18+$0x0], $0xffff  }
0x114: {  	v0 =	vmul.f32 v0, v1;
	v3 =	vadd.f32 v7, v9;
	v12 =	vmul.f32 v32, v34;
	v8 =	vld.idx.msk [tilespmem:v26+s2+$0x0], $0xffff  }
0x115: {  	v18 =	vadd.f32 v10, v6;
	v11 =	vadd.f32 v4, v2;
	v1 =	vunpack.i.u.bf16.f32 v21;
	v7 =	vld.idx.msk [tilespmem:v35+s18+$0x0], $0xffff  }
0x116: {  	v22 =	vadd.f32 v0, v3;
	v2 =	vunpack.i.u.bf16.f32 v30;
	v10 =	vmul.f32 v23, v1;
	v4 =	vld.idx.msk [tilespmem:v17+s2+$0x0], $0xffff  }
0x117: {  	v21 =	vmul.f32 v2, v29;
	v9 =	vmul.f32 v23, v34;
	v0 =	vunpack.i.l.bf16.f32 v14;
	v29 =	vld.idx.msk [tilespmem:v36+s2+$0x0], $0xffff  }
0x118: {  	v37 =	vmul.f32 v32, v1;
	v17 =	vunpack.i.l.bf16.f32 v15;
	v3 =	vmul.f32 v0, v10;
	v39 =	vld.idx.msk [tilespmem:v31+s2+$0x0], $0xffff  }
0x119: {  	v23 =	vunpack.i.u.bf16.f32 v14;
	v0 =	vunpack.i.u.bf16.f32 v15;
	v38 =	vunpack.i.u.bf16.f32 v13;
	v16 =	vld.idx.msk [tilespmem:v16+s2+$0x0], $0xffff  }
0x11a: {  	v20 =	vmul.f32 v2, v28;
	v6 =	vmul.f32 v0, v10;
	v28 =	vld.idx.msk [tilespmem:v36+s18+$0x0], $0xffff;
	v36 =	vunpack.i.l.bf16.f32 v27  }
0x11b: {  	v15 =	vunpack.i.u.bf16.f32 v5;
	v27 =	vunpack.i.u.bf16.f32 v27;
	v0 =	vunpack.i.u.bf16.f32 v7  }
0x11c: {  	v14 =	vmul.f32 v20, v34;
	v17 =	vmul.f32 v17, v10;
	v2 =	vunpack.i.l.bf16.f32 v13  }
0x11d: {  	v13 =	vmul.f32 v20, v1;
	v19 =	vunpack.i.l.bf16.f32 v8;
	v24 =	vunpack.i.l.bf16.f32 v29  }
0x11e: {  	v20 =	vunpack.i.u.bf16.f32 v8;
	v7 =	vunpack.i.l.bf16.f32 v7;
	v30 =	vmul.f32 v24, v12;
	v24 =	vld.idx.msk [tilespmem:v35+s2+$0x0], $0xffff  }
0x11f: {  	v1 =	vmul.f32 v21, v1;
	v8 =	vunpack.i.l.bf16.f32 v4;
	v40 =	vunpack.i.l.bf16.f32 v16;
	v32 =	vld.idx.msk [tilespmem:v26+s18+$0x0], $0xffff  }
0x120: {  	v29 =	vunpack.i.u.bf16.f32 v29;
	v41 =	vunpack.i.u.bf16.f32 v16;
	v26 =	vmul.f32 v8, v9  }
0x121: {  	v35 =	vunpack.i.u.bf16.f32 v4;
	v30 =	vadd.f32 v30, v33;
	v8 =	vmul.f32 v21, v34;
	v33 =	vld.idx.msk [tilespmem:v25+s2+$0x0], $0xffff  }
.Ltmp2:
0x122: {  	v16 =	vmul.f32 v23, v10;
	v4 =	vmul.f32 v7, v1;
	v21 =	vunpack.i.l.bf16.f32 v39;
	(pc) =	sbr.rel @p0 .LBB2_9-.Ltmp2, $4  }
0x123: {  	v23 =	vmul.f32 v36, v37;
	v34 =	vunpack.i.u.bf16.f32 v28;
	v25 =	vunpack.i.l.bf16.f32 v28;
	v28 =	vld.idx.msk [tilespmem:v31+s18+$0x0], $0xffff  }
0x124: {  	v27 =	vmul.f32 v27, v37;
	v7 =	vmul.f32 v38, v8;
	v10 =	vunpack.i.u.bf16.f32 v24  }
0x125: {  	v36 =	vmul.f32 v25, v12;
	v31 =	vmul.f32 v29, v12;
	v25 =	vunpack.i.u.bf16.f32 v32  }
0x126: {  	s17 =	smov.u32 s16;
	v38 =	vmul.f32 v40, v37;
	v29 =	vmul.f32 v41, v37;
	v37 =	vunpack.i.u.bf16.f32 v39  }
0x127: {  	v35 =	vmul.f32 v35, v9  }
0x128: {  	v32 =	vunpack.i.l.bf16.f32 v32;
	v39 =	vunpack.i.l.bf16.f32 v33;
	v12 =	vmul.f32 v34, v12  }
0x129: {  	v49 =	vunpack.i.u.bf16.f32 v33;
	v50 =	vmul.f32 v37, v13;
	v11 =	vadd.f32 v36, v11  }
0x12a: {  	v24 =	vunpack.i.l.bf16.f32 v24;
	v18 =	vadd.f32 v31, v18;
	v19 =	vmul.f32 v19, v14  }
0x12b: {  	v5 =	vunpack.i.l.bf16.f32 v5;
	v20 =	vmul.f32 v20, v14;
	v52 =	vmul.f32 v15, v9  }
0x12c: {  	v55 =	vmul.f32 v21, v13;
	v57 =	vmul.f32 v25, v14;
	v30 =	vadd.f32 v38, v30  }
0x12d: {  	v2 =	vmul.f32 v2, v8;
	v12 =	vadd.f32 v12, v22;
	v18 =	vadd.f32 v29, v18  }
0x12e: {  	v5 =	vmul.f32 v5, v9;
	v11 =	vadd.f32 v23, v11;
	v26 =	vadd.f32 v26, v30  }
0x12f: {  	v51 =	vunpack.i.u.bf16.f32 v28;
	v12 =	vadd.f32 v27, v12;
	v18 =	vadd.f32 v35, v18  }
0x130: {  	v53 =	vunpack.i.l.bf16.f32 v28;
	v5 =	vadd.f32 v5, v11;
	v17 =	vadd.f32 v17, v26  }
0x131: {  	v54 =	vmul.f32 v32, v14;
	v9 =	vadd.f32 v52, v12;
	v6 =	vadd.f32 v6, v18  }
0x132: {  	v58 =	vmul.f32 v39, v8;
	v3 =	vadd.f32 v3, v5;
	v56 =	vadd.f32 v19, v17  }
0x133: {  	v60 =	vmul.f32 v49, v8;
	v9 =	vadd.f32 v16, v9;
	v6 =	vadd.f32 v20, v6  }
0x134: {  	v15 =	vmul.f32 v53, v13;
	v3 =	vadd.f32 v54, v3;
	v11 =	vadd.f32 v55, v56  }
0x135: {  	v59 =	vmul.f32 v51, v13;
	v9 =	vadd.f32 v57, v9;
	v6 =	vadd.f32 v50, v6  }
0x136: {  	s12 =	sshll.u32 s3, $0x6;
	v61 =	vmul.f32 v24, v1;
	v3 =	vadd.f32 v15, v3;
	v5 =	vadd.f32 v58, v11  }
0x137: {  	v10 =	vmul.f32 v10, v1;
	s3 =	sadd.s32 $0x1, s3;
	s12 =	sand.u32 $0x200, s12;
	v9 =	vadd.f32 v59, v9;
	v6 =	vadd.f32 v60, v6  }
0x138: {  	p0 =	sne.s32 s3, $0x10;
	s12 =	sadd.s32 s12, s25;
	v2 =	vadd.f32 v2, v3;
	v5 =	vadd.f32 v61, v5  }
.Ltmp3:
0x139: {  	v0 =	vmul.f32 v0, v1;
	s4 =	sadd.s32 s4, s12;
	v62 =	vadd.f32 v7, v9;
	v63 =	vadd.f32 v10, v6;
	(pc) =	sbr.rel @p0 .LBB2_8-.Ltmp3, $4  }
0x13a: {  	v2 =	vadd.f32 v4, v2;
	[tilespmem:s4+$0x0] =	vst v5  }
0x13b: {  	v0 =	vadd.f32 v0, v62;
	[tilespmem:s4+$0x80] =	vst v63  }
0x13c: {  	[tilespmem:s4+$0x100] =	vst v2  }
0x13d: {  	[tilespmem:s4+$0x180] =	vst v0  }
0x13e: {  	s22 =	sadd.s32 $0x1, s22  }
0x13f: {  	p0 =	sne.s32 s22, $0x4  }
.Ltmp4:
0x140: {  	_ = 	snop;
	(pc) =	sbr.rel @p0 .LBB2_3-.Ltmp4, $1  }
0x141: {  	_ =	sdelay $0x3  }
0x142: {  	s1 =	rddreg [dreg:$0xa]  }
0x143: {  	s3 =	rddreg [dreg:$0x1];
	s1 =	sshll.u32 s1, $0xA  }
0x144: {  	s24 =	simm.s32 $0x14000;
	s13 =	simm.s32 $0x3;
	s1 =	sadd.s32 s3, s1  }
0x145: {  	[hbm4b:s1+s2] =	stream.linear.scatter [tilespmem:s24], [sflag:$0x3], $0x2000, $0x38;
	[tilespmem:$0x16000] =	vst v63  }
0x146: {  	_ =	swait.ge [sflag:s13], $0x2000  }
0x147: {  	s25 =	rddreg [dreg:$0x9]  }
0x148: {  	s3 =	sadd.s32 $0x1, s25  }
0x149: {  	p0 =	sne.s32 s3, $0x4  }
.Ltmp5:
0x14a: {  	_ = 	snop;
	(pc) =	sbr.rel @p0 .LBB2_2-.Ltmp5, $3  }
0x14b: {  	_ =	sdelay $0x1  }
0x14c: {  	[sflag:s13] =	ssyncset.done $0x0  }
0x14d: {  	[sflag:s13] =	ssyncadd.s32 $0xFFFFE000  }
0x14e: {  	s3 =	rddreg [dreg:$0x8]  }
0x14f: {  	s1 =	rddreg [dreg:$0x7];
	s3 =	sadd.s32 $0x1, s3  }
0x150: {  	p0 =	sne.s32 s3, s1  }
.Ltmp6:
0x151: {  	_ = 	snop;
	(pc) =	sbr.rel @p0 .LBB2_1-.Ltmp6, $1  }
0x152: {  	_ =	sdelay $0x3  }
0x153: {  	_ =	sfence.sel $0x180000  }
0x154: {  	[bflag:$0x0] =	sbarrier.arrive $0xFFFF  }
0x155: {  	_ =	strace $0x9000004A  }
0x156: {  	s0 =	stileid.u32;
	[bflag:$0x2] =	sbarrier.arrive $0xFFFF  }
0x157: {  	p0 =	sne.s32 s0, $0x0;
	s0 =	rddreg [dreg:$0x2]  }
0x158: {  	s0 =	sadd.s32 @!p0 $0x100000, s0  }
0x159: {  	[sflag:s0] =	ssyncadd.tile.s32 @!p0 $0x1;
	_ =	shalt  }
.Lfunc_end2:
_tile_overlayer_lowered:
.L_overlay_start_2:
0x15a: {  	(tag) =	ssettag $0x2  }
0x15b: {  	s0 =	rddreg [dreg:$0x0];
	s2 =	stileid.u32  }
0x15c: {  	s1 =	rddreg [dreg:$0x1];
	p0 =	sne.s32 s2, $0x0  }
0x15d: {  	s3 =	rddreg [dreg:$0x2];
	[bflag:$0x3] =	sbarrier.arrive $0xFFFF;
	s2 =	simm.s32 @!p0 $0x1C03  }
0x15e: {  	[timem:s3], [sflag:s2] =	dma.local @!p0 [hbm:s0], s1  }
0x15f: {  	s0 =	simm.s32 @!p0 $0x3  }
0x160: {  	_ =	swait.ge @!p0 [sflag:s0], s1  }
0x161: {  	s1 =	ssub.s32 @!p0 $0x0, s1;
	[sflag:s0] =	ssyncset.done @!p0 $0x0  }
0x162: {  	[sflag:s0] =	ssyncadd.s32 @!p0 s1  }
0x163: {  	[bflag:$0x3] =	sbarrier.arrive $0xFFFF  }
0x164: {  	_ =	shalt  }

</sc_bundles>
